<compile_context>
chip_gen: v7x
topology: tpu7x:2x2x1
jax: 0.10.2.dev20260603
libtpu: 0.0.44.dev20260713+nightly
codegen_flags: <defaults>
</compile_context>

<pallas_src>
import functools

import jax
import jax.numpy as jnp
from jax import lax
from jax.experimental import pallas as pl
from jax.experimental.pallas import tpu as pltpu
from jax.experimental.pallas import tpu_sc as plsc

MSIZE = 32
TPT = 16
OBUF_W = TPT * MSIZE + 1
NUM_WORKERS = 32


def kernel(parts, weight):
    icount, ocount = parts.shape
    count = weight.shape[0]
    msize = weight.shape[-1]
    assert msize == MSIZE and ocount % TPT == 0

    n_tasks = icount * (ocount // TPT)
    assert n_tasks % NUM_WORKERS == 0
    tasks_per_w = n_tasks // NUM_WORKERS
    assert tasks_per_w % 2 == 0
    j_count = ocount // TPT

    w2d = weight.reshape(count, msize * msize)
    parts_flat = parts.reshape(icount * ocount)

    mesh = plsc.VectorSubcoreMesh(core_axis_name="c", subcore_axis_name="s")

    @functools.partial(
        pl.kernel,
        mesh=mesh,
        out_type=jax.ShapeDtypeStruct((icount * msize, ocount * msize),
                                      jnp.float32),
        scratch_types=[
            pltpu.VMEM((tasks_per_w * TPT,), jnp.int32),
            pltpu.VMEM((TPT, msize * msize), jnp.float32),
            pltpu.VMEM((TPT, msize * msize), jnp.float32),
            pltpu.VMEM((msize * OBUF_W,), jnp.float32),
            pltpu.VMEM((msize, TPT * MSIZE), jnp.float32),
            pltpu.VMEM((msize, TPT * MSIZE), jnp.float32),
            pltpu.SemaphoreType.DMA,
            pltpu.SemaphoreType.DMA,
            pltpu.SemaphoreType.DMA,
            pltpu.SemaphoreType.DMA,
        ],
        compiler_params=pltpu.CompilerParams(needs_layout_passes=False),
    )
    def run(parts_hbm, w_hbm, out_hbm, idx_v, tiles0, tiles1, opad,
            obuf0, obuf1, gsem0, gsem1, osem0, osem1):
        wid = lax.axis_index("s") * 2 + lax.axis_index("c")
        task0 = wid * tasks_per_w
        iota = lax.iota(jnp.int32, 16)
        tiles = (tiles0, tiles1)
        obufs = (obuf0, obuf1)
        gsems = (gsem0, gsem1)
        osems = (osem0, osem1)

        pltpu.sync_copy(
            parts_hbm.at[pl.ds(task0 * TPT, tasks_per_w * TPT)], idx_v)

        def gather(local_t, buf, sem):
            pltpu.make_async_copy(
                w_hbm.at[idx_v.at[pl.ds(local_t * TPT, TPT)]],
                buf, sem).start()

        def gather_wait(buf, sem):
            pltpu.make_async_copy(w_hbm.at[idx_v.at[pl.ds(0, TPT)]],
                                  buf, sem).wait()

        addr_lo = iota * OBUF_W
        addr_hi = (iota + 16) * OBUF_W

        def transpose(tiles_v):
            def tile_body(k, carry):
                base_lo = addr_lo + k * MSIZE
                base_hi = addr_hi + k * MSIZE
                for c in range(0, MSIZE, 4):
                    vs = [(tiles_v[k, pl.ds((c + d) * MSIZE, 16)],
                           tiles_v[k, pl.ds((c + d) * MSIZE + 16, 16)])
                          for d in range(4)]
                    for d in range(4):
                        plsc.store_scatter(opad, [base_lo + (c + d)],
                                           vs[d][0])
                        plsc.store_scatter(opad, [base_hi + (c + d)],
                                           vs[d][1])
                return carry

            lax.fori_loop(0, TPT, tile_body, 0, unroll=False)

        def repack(obuf_v):
            def row_body(r, carry):
                for k in range(TPT):
                    v0 = opad[pl.ds(r * OBUF_W + k * MSIZE, 16)]
                    v1 = opad[pl.ds(r * OBUF_W + k * MSIZE + 16, 16)]
                    obuf_v[r, pl.ds(k * MSIZE, 16)] = v0
                    obuf_v[r, pl.ds(k * MSIZE + 16, 16)] = v1
                return carry

            lax.fori_loop(0, msize, row_body, 0, unroll=False)

        def out_copy(obuf_v, task, sem):
            i = task // j_count
            j = task % j_count
            return pltpu.make_async_copy(
                obuf_v,
                out_hbm.at[pl.ds(i * msize, msize),
                           pl.ds(j * TPT * MSIZE, TPT * MSIZE)],
                sem)

        gather(0, tiles[0], gsems[0])

        def loop_body(t, carry):
            for b in range(2):
                local_t = 2 * t + b
                task = task0 + local_t

                @pl.when(local_t + 1 < tasks_per_w)
                def _():
                    gather(local_t + 1, tiles[1 - b], gsems[1 - b])

                gather_wait(tiles[b], gsems[b])

                @pl.when(local_t >= 2)
                def _():
                    out_copy(obufs[b], task - 2, osems[b]).wait()

                transpose(tiles[b])
                repack(obufs[b])
                out_copy(obufs[b], task, osems[b]).start()
            return carry

        lax.fori_loop(0, tasks_per_w // 2, loop_body, 0, unroll=False)

        out_copy(obufs[0], task0 + tasks_per_w - 2, osems[0]).wait()
        out_copy(obufs[1], task0 + tasks_per_w - 1, osems[1]).wait()

    return run(parts_flat, w2d)

# --- scband reference (transcript-rebuilt; emitter-appended) ---
"""Pipeline reference for scband-tiles-pod-50603304682316 (READ-ONLY COPY).

The authoritative reference and input builder live on the scoring server;
editing this copy changes nothing except your own understanding.
"""

import jax, jax.numpy as jnp
import numpy as np
import math

MSIZE = 32
COUNT = 100000
ICOUNT = 26
OCOUNT = 1024


def setup_inputs(seed: int = 0) -> dict:
    key = jax.random.key(seed)
    k1, k2 = jax.random.split(key)
    # kaiming_uniform on a (count, msize, msize) tensor: fan_in = msize * msize
    fan_in = MSIZE * MSIZE
    gain = math.sqrt(2.0)
    bound = gain * math.sqrt(3.0 / fan_in)
    weight = jax.random.uniform(
        k1, (COUNT, MSIZE, MSIZE), dtype=jnp.float32, minval=-bound, maxval=bound
    )
    parts = jax.random.randint(k2, (ICOUNT, OCOUNT), 0, COUNT, dtype=jnp.int32)
    return {"parts": parts, "weight": weight}


def reference(parts, weight):
    # Faithful translation of TilesPod.build_mosaic(parts):
    # for each row of indices: gather tiles, view(-1, msize), transpose, then vstack rows.
    icount, ocount = parts.shape
    msize = weight.shape[-1]
    rows = jnp.take(weight, parts, axis=0)            # (I, O, m, m)  gather
    rows = rows.reshape(icount, ocount * msize, msize)  # per-row view(-1, m)
    rows = jnp.transpose(rows, (0, 2, 1))             # per-row transpose -> (I, m, O*m)
    mosaic = rows.reshape(icount * msize, ocount * msize)  # vstack over rows
    return mosaic

if __name__ == "__main__":
    import jax
    _d = setup_inputs()
    print(jax.jit(kernel)(*tuple(_d.values())))

</pallas_src>

<mosaic_0001>
#map = affine_map<(d0, d1) -> (0)>
#map1 = affine_map<(d0, d1) -> (0, 0)>
module attributes {stable_mosaic.version = 14 : i64} {
  func.func @run(%arg0: i32, %arg1: i32, %arg2: memref<26624xi32, #tpu.memory_space<hbm>>, %arg3: memref<100000x1024xf32, #tpu.memory_space<hbm>>, %arg4: memref<832x32768xf32, #tpu.memory_space<hbm>>, %arg5: memref<832xi32, #tpu.memory_space<vmem>>, %arg6: memref<16x1024xf32, #tpu.memory_space<vmem>>, %arg7: memref<16x1024xf32, #tpu.memory_space<vmem>>, %arg8: memref<16416xf32, #tpu.memory_space<vmem>>, %arg9: memref<32x512xf32, #tpu.memory_space<vmem>>, %arg10: memref<32x512xf32, #tpu.memory_space<vmem>>, %arg11: memref<!tpu.dma_semaphore, #tpu.memory_space<semaphore_mem>>, %arg12: memref<!tpu.dma_semaphore, #tpu.memory_space<semaphore_mem>>, %arg13: memref<!tpu.dma_semaphore, #tpu.memory_space<semaphore_mem>>, %arg14: memref<!tpu.dma_semaphore, #tpu.memory_space<semaphore_mem>>) attributes {dimension_semantics = [#tpu.dimension_semantics<core_parallel>, #tpu.dimension_semantics<subcore_parallel>], iteration_bounds = array<i64: 2, 16>, scalar_prefetch = 0 : i64, scratch_operands = 10 : i64, tpu.core_type = #tpu.core_type<sc_vector_subcore>, window_params = [{transform_indices = #map}, {transform_indices = #map1}, {transform_indices = #map1}]} {
    %mul3A = arith.constant 2 : i32
    %mul3A_0 = arith.muli %arg1, %mul3A : i32
    %add3A = arith.addi %mul3A_0, %arg0 : i32
    %mul3A_1 = arith.constant 52 : i32
    %mul3A_2 = arith.muli %add3A, %mul3A_1 : i32
    %iota3A = tpu.iota {dimensions = array<i32: 0>} : vector<16xi32>
    %mul3A_3 = arith.constant 16 : i32
    %mul3A_4 = arith.muli %mul3A_2, %mul3A_3 : i32
    "tpu.region"() ({
      %run_scoped3A = tpu.sem_alloc : memref<!tpu.dma_semaphore, #tpu.memory_space<semaphore_mem>>
      %dma_start3A_116 = tpu.memref_slice %arg2[%mul3A_4] : memref<26624xi32, #tpu.memory_space<hbm>> -> memref<832xi32, #tpu.memory_space<hbm>>
      %dma_start3A_117 = tpu.memref_slice %arg2[%mul3A_4] : memref<26624xi32, #tpu.memory_space<hbm>> -> memref<832xi32, #tpu.memory_space<hbm>>
      tpu.enqueue_dma source(%dma_start3A_117 : memref<832xi32, #tpu.memory_space<hbm>>) target(%arg5 : memref<832xi32, #tpu.memory_space<vmem>>) target_semaphore(%run_scoped3A : memref<!tpu.dma_semaphore, #tpu.memory_space<semaphore_mem>>)
      %dma_wait3A_118 = tpu.memref_slice %arg2[%mul3A_4] : memref<26624xi32, #tpu.memory_space<hbm>> -> memref<832xi32, #tpu.memory_space<hbm>>
      %dma_wait3A_119 = tpu.memref_slice %arg2[%mul3A_4] : memref<26624xi32, #tpu.memory_space<hbm>> -> memref<832xi32, #tpu.memory_space<hbm>>
      tpu.wait_dma2 semaphore(%run_scoped3A : memref<!tpu.dma_semaphore, #tpu.memory_space<semaphore_mem>>) src(%dma_wait3A_119 : memref<832xi32, #tpu.memory_space<hbm>>) dst(%arg5 : memref<832xi32, #tpu.memory_space<vmem>>)
      tpu.yield
    }) : () -> ()
    %mul3A_5 = arith.constant 513 : i32
    %mul3A_6 = vector.broadcast %mul3A_5 : i32 to vector<16xi32>
    %mul3A_7 = arith.muli %iota3A, %mul3A_6 : vector<16xi32>
    %add3A_8 = arith.constant 16 : i32
    %add3A_9 = vector.broadcast %add3A_8 : i32 to vector<16xi32>
    %add3A_10 = arith.addi %iota3A, %add3A_9 : vector<16xi32>
    %mul3A_11 = arith.constant 513 : i32
    %mul3A_12 = vector.broadcast %mul3A_11 : i32 to vector<16xi32>
    %mul3A_13 = arith.muli %add3A_10, %mul3A_12 : vector<16xi32>
    %dma_start3A = arith.constant 0 : i32
    %dma_start3A_14 = tpu.memref_slice %arg5[%dma_start3A] : memref<832xi32, #tpu.memory_space<vmem>> -> memref<16xi32, #tpu.memory_space<vmem>>
    %dma_start3A_15 = arith.constant 0 : i32
    %dma_start3A_16 = arith.constant 0 : i32
    %dma_start3A_17 = tpu.memref_slice %arg3[%dma_start3A_15, %dma_start3A_16] : memref<100000x1024xf32, #tpu.memory_space<hbm>> -> memref<100000x1024xf32, #tpu.memory_space<hbm>>
    tpu.enqueue_indirect_dma source(%dma_start3A_17 : memref<100000x1024xf32, #tpu.memory_space<hbm>>) target(%arg6 : memref<16x1024xf32, #tpu.memory_space<vmem>>) offsets(%dma_start3A_14 : memref<16xi32, #tpu.memory_space<vmem>>) semaphore(%arg11 : memref<!tpu.dma_semaphore, #tpu.memory_space<semaphore_mem>>)
    %scan3A = arith.constant 0 : i32
    %scan3A_18 = arith.constant 0 : i32
    %scan3A_19 = arith.constant 26 : i32
    %scan3A_20 = arith.addi %scan3A_18, %scan3A_19 : i32
    %scan3A_21 = arith.constant 1 : i32
    scf.for %scan3A_116 = %scan3A_18 to %scan3A_20 step %scan3A_21  : i32 {
      %mul3A_117 = arith.constant 2 : i32
      %mul3A_118 = arith.muli %mul3A_117, %scan3A_116 : i32
      %add3A_119 = arith.constant 0 : i32
      %add3A_120 = arith.addi %mul3A_118, %add3A_119 : i32
      %add3A_121 = arith.addi %mul3A_2, %add3A_120 : i32
      %add3A_122 = arith.constant 1 : i32
      %add3A_123 = arith.addi %add3A_120, %add3A_122 : i32
      %lt3A_124 = arith.constant 52 : i32
      %lt3A_125 = arith.cmpi slt, %add3A_123, %lt3A_124 : i32
      %convert_element_type3A = arith.extui %lt3A_125 : i1 to i32
      %cond3A = arith.constant 0 : i32
      %cond3A_126 = arith.cmpi ne, %convert_element_type3A, %cond3A : i32
      scf.if %cond3A_126 {
        %add3A_278 = arith.constant 1 : i32
        %add3A_279 = arith.addi %add3A_120, %add3A_278 : i32
        %mul3A_280 = arith.constant 16 : i32
        %mul3A_281 = arith.muli %add3A_279, %mul3A_280 : i32
        %dma_start3A_282 = tpu.memref_slice %arg5[%mul3A_281] : memref<832xi32, #tpu.memory_space<vmem>> -> memref<16xi32, #tpu.memory_space<vmem>>
        %dma_start3A_283 = arith.constant 0 : i32
        %dma_start3A_284 = arith.constant 0 : i32
        %dma_start3A_285 = tpu.memref_slice %arg3[%dma_start3A_283, %dma_start3A_284] : memref<100000x1024xf32, #tpu.memory_space<hbm>> -> memref<100000x1024xf32, #tpu.memory_space<hbm>>
        tpu.enqueue_indirect_dma source(%dma_start3A_285 : memref<100000x1024xf32, #tpu.memory_space<hbm>>) target(%arg7 : memref<16x1024xf32, #tpu.memory_space<vmem>>) offsets(%dma_start3A_282 : memref<16xi32, #tpu.memory_space<vmem>>) semaphore(%arg12 : memref<!tpu.dma_semaphore, #tpu.memory_space<semaphore_mem>>)
      } else {
      }
      %dma_wait3A_127 = arith.constant 0 : i32
      %dma_wait3A_128 = tpu.memref_slice %arg5[%dma_wait3A_127] : memref<832xi32, #tpu.memory_space<vmem>> -> memref<16xi32, #tpu.memory_space<vmem>>
      %dma_wait3A_129 = arith.constant 0 : i32
      %dma_wait3A_130 = arith.constant 0 : i32
      %dma_wait3A_131 = tpu.memref_slice %arg3[%dma_wait3A_129, %dma_wait3A_130] : memref<100000x1024xf32, #tpu.memory_space<hbm>> -> memref<100000x1024xf32, #tpu.memory_space<hbm>>
      tpu.wait_indirect_dma semaphore(%arg11 : memref<!tpu.dma_semaphore, #tpu.memory_space<semaphore_mem>>) src(%dma_wait3A_131 : memref<100000x1024xf32, #tpu.memory_space<hbm>>) dst(%arg6 : memref<16x1024xf32, #tpu.memory_space<vmem>>)
      %ge3A = arith.constant 2 : i32
      %ge3A_132 = arith.cmpi sge, %add3A_120, %ge3A : i32
      %convert_element_type3A_133 = arith.extui %ge3A_132 : i1 to i32
      %cond3A_134 = arith.constant 0 : i32
      %cond3A_135 = arith.cmpi ne, %convert_element_type3A_133, %cond3A_134 : i32
      scf.if %cond3A_135 {
        %sub3A_278 = arith.constant 2 : i32
        %sub3A_279 = arith.subi %add3A_121, %sub3A_278 : i32
        %jit3A_280 = arith.constant 64 : i32
        %div3A_281 = arith.divsi %sub3A_279, %jit3A_280 : i32
        %sign3A_282 = arith.constant 0 : i32
        %sign3A_283 = arith.cmpi sgt, %sub3A_279, %sign3A_282 : i32
        %sign3A_284 = arith.extui %sign3A_283 : i1 to i32
        %sign3A_285 = arith.constant 0 : i32
        %sign3A_286 = arith.cmpi slt, %sub3A_279, %sign3A_285 : i32
        %sign3A_287 = arith.extui %sign3A_286 : i1 to i32
        %sign3A_288 = arith.subi %sign3A_284, %sign3A_287 : i32
        %sign3A_289 = arith.constant 0 : i32
        %sign3A_290 = arith.cmpi sgt, %jit3A_280, %sign3A_289 : i32
        %sign3A_291 = arith.extui %sign3A_290 : i1 to i32
        %sign3A_292 = arith.constant 0 : i32
        %sign3A_293 = arith.cmpi slt, %jit3A_280, %sign3A_292 : i32
        %sign3A_294 = arith.extui %sign3A_293 : i1 to i32
        %sign3A_295 = arith.subi %sign3A_291, %sign3A_294 : i32
        %ne3A_296 = arith.cmpi ne, %sign3A_288, %sign3A_295 : i32
        %rem3A_297 = arith.remsi %sub3A_279, %jit3A_280 : i32
        %ne3A_298 = arith.constant 0 : i32
        %ne3A_299 = arith.cmpi ne, %rem3A_297, %ne3A_298 : i32
        %and3A_300 = arith.andi %ne3A_296, %ne3A_299 : i1
        %sub3A_301 = arith.constant 1 : i32
        %sub3A_302 = arith.subi %div3A_281, %sub3A_301 : i32
        %select_n3A_303 = arith.select %and3A_300, %sub3A_302, %div3A_281 : i32
        %jit3A_304 = arith.constant 64 : i32
        %eq3A_305 = arith.constant 0 : i32
        %eq3A_306 = arith.cmpi eq, %jit3A_304, %eq3A_305 : i32
        %jit3A_307 = arith.constant 1 : i32
        %select_n3A_308 = arith.select %eq3A_306, %jit3A_307, %jit3A_304 : i32
        %rem3A_309 = arith.remsi %sub3A_279, %select_n3A_308 : i32
        %ne3A_310 = arith.constant 0 : i32
        %ne3A_311 = arith.cmpi ne, %rem3A_309, %ne3A_310 : i32
        %lt3A_312 = arith.constant 0 : i32
        %lt3A_313 = arith.cmpi slt, %rem3A_309, %lt3A_312 : i32
        %lt3A_314 = arith.constant 0 : i32
        %lt3A_315 = arith.cmpi slt, %select_n3A_308, %lt3A_314 : i32
        %ne3A_316 = arith.xori %lt3A_313, %lt3A_315 : i1
        %and3A_317 = arith.andi %ne3A_316, %ne3A_311 : i1
        %add3A_318 = arith.addi %rem3A_309, %select_n3A_308 : i32
        %select_n3A_319 = arith.select %and3A_317, %add3A_318, %rem3A_309 : i32
        %mul3A_320 = arith.constant 32 : i32
        %mul3A_321 = arith.muli %select_n3A_303, %mul3A_320 : i32
        %mul3A_322 = arith.constant 16 : i32
        %mul3A_323 = arith.muli %select_n3A_319, %mul3A_322 : i32
        %mul3A_324 = arith.constant 32 : i32
        %mul3A_325 = arith.muli %mul3A_323, %mul3A_324 : i32
        %dma_wait3A_326 = tpu.memref_slice %arg4[%mul3A_321, %mul3A_325] : memref<832x32768xf32, #tpu.memory_space<hbm>> -> memref<32x512xf32, #tpu.memory_space<hbm>>
        %dma_wait3A_327 = tpu.memref_slice %arg4[%mul3A_321, %mul3A_325] : memref<832x32768xf32, #tpu.memory_space<hbm>> -> memref<32x512xf32, #tpu.memory_space<hbm>>
        tpu.wait_dma2 semaphore(%arg13 : memref<!tpu.dma_semaphore, #tpu.memory_space<semaphore_mem>>) src(%arg9 : memref<32x512xf32, #tpu.memory_space<vmem>>) dst(%dma_wait3A_327 : memref<32x512xf32, #tpu.memory_space<hbm>>)
      } else {
      }
      %scan3A_136 = arith.constant 0 : i32
      %scan3A_137 = arith.constant 0 : i32
      %scan3A_138 = arith.constant 16 : i32
      %scan3A_139 = arith.addi %scan3A_137, %scan3A_138 : i32
      %scan3A_140 = arith.constant 1 : i32
      scf.for %scan3A_278 = %scan3A_137 to %scan3A_139 step %scan3A_140  : i32 {
        %mul3A_279 = arith.constant 32 : i32
        %mul3A_280 = arith.muli %scan3A_278, %mul3A_279 : i32
        %add3A_281 = vector.broadcast %mul3A_280 : i32 to vector<16xi32>
        %add3A_282 = arith.addi %mul3A_7, %add3A_281 : vector<16xi32>
        %mul3A_283 = arith.constant 32 : i32
        %mul3A_284 = arith.muli %scan3A_278, %mul3A_283 : i32
        %add3A_285 = vector.broadcast %mul3A_284 : i32 to vector<16xi32>
        %add3A_286 = arith.addi %mul3A_13, %add3A_285 : vector<16xi32>
        %get3A = arith.index_cast %scan3A_278 : i32 to index
        %get3A_287 = arith.constant 0 : index
        %get3A_288 = tpu.vector_load %arg6[%get3A, %get3A_287] {strides = array<i32>} : memref<16x1024xf32, #tpu.memory_space<vmem>>, vector<16xf32>,
        %get3A_289 = arith.index_cast %scan3A_278 : i32 to index
        %get3A_290 = arith.constant 16 : index
        %get3A_291 = tpu.vector_load %arg6[%get3A_289, %get3A_290] {strides = array<i32>} : memref<16x1024xf32, #tpu.memory_space<vmem>>, vector<16xf32>,
        %get3A_292 = arith.index_cast %scan3A_278 : i32 to index
        %get3A_293 = arith.constant 32 : index
        %get3A_294 = tpu.vector_load %arg6[%get3A_292, %get3A_293] {strides = array<i32>} : memref<16x1024xf32, #tpu.memory_space<vmem>>, vector<16xf32>,
        %get3A_295 = arith.index_cast %scan3A_278 : i32 to index
        %get3A_296 = arith.constant 48 : index
        %get3A_297 = tpu.vector_load %arg6[%get3A_295, %get3A_296] {strides = array<i32>} : memref<16x1024xf32, #tpu.memory_space<vmem>>, vector<16xf32>,
        %get3A_298 = arith.index_cast %scan3A_278 : i32 to index
        %get3A_299 = arith.constant 64 : index
        %get3A_300 = tpu.vector_load %arg6[%get3A_298, %get3A_299] {strides = array<i32>} : memref<16x1024xf32, #tpu.memory_space<vmem>>, vector<16xf32>,
        %get3A_301 = arith.index_cast %scan3A_278 : i32 to index
        %get3A_302 = arith.constant 80 : index
        %get3A_303 = tpu.vector_load %arg6[%get3A_301, %get3A_302] {strides = array<i32>} : memref<16x1024xf32, #tpu.memory_space<vmem>>, vector<16xf32>,
        %get3A_304 = arith.index_cast %scan3A_278 : i32 to index
        %get3A_305 = arith.constant 96 : index
        %get3A_306 = tpu.vector_load %arg6[%get3A_304, %get3A_305] {strides = array<i32>} : memref<16x1024xf32, #tpu.memory_space<vmem>>, vector<16xf32>,
        %get3A_307 = arith.index_cast %scan3A_278 : i32 to index
        %get3A_308 = arith.constant 112 : index
        %get3A_309 = tpu.vector_load %arg6[%get3A_307, %get3A_308] {strides = array<i32>} : memref<16x1024xf32, #tpu.memory_space<vmem>>, vector<16xf32>,
        %add3A_310 = arith.constant 0 : i32
        %add3A_311 = vector.broadcast %add3A_310 : i32 to vector<16xi32>
        %add3A_312 = arith.addi %add3A_282, %add3A_311 : vector<16xi32>
        tpu.vector_store_idx %arg8[%add3A_312], %get3A_288 : memref<16416xf32, #tpu.memory_space<vmem>>[vector<16xi32>], vector<16xf32>,
        %add3A_313 = arith.constant 0 : i32
        %add3A_314 = vector.broadcast %add3A_313 : i32 to vector<16xi32>
        %add3A_315 = arith.addi %add3A_286, %add3A_314 : vector<16xi32>
        tpu.vector_store_idx %arg8[%add3A_315], %get3A_291 : memref<16416xf32, #tpu.memory_space<vmem>>[vector<16xi32>], vector<16xf32>,
        %add3A_316 = arith.constant 1 : i32
        %add3A_317 = vector.broadcast %add3A_316 : i32 to vector<16xi32>
        %add3A_318 = arith.addi %add3A_282, %add3A_317 : vector<16xi32>
        tpu.vector_store_idx %arg8[%add3A_318], %get3A_294 : memref<16416xf32, #tpu.memory_space<vmem>>[vector<16xi32>], vector<16xf32>,
        %add3A_319 = arith.constant 1 : i32
        %add3A_320 = vector.broadcast %add3A_319 : i32 to vector<16xi32>
        %add3A_321 = arith.addi %add3A_286, %add3A_320 : vector<16xi32>
        tpu.vector_store_idx %arg8[%add3A_321], %get3A_297 : memref<16416xf32, #tpu.memory_space<vmem>>[vector<16xi32>], vector<16xf32>,
        %add3A_322 = arith.constant 2 : i32
        %add3A_323 = vector.broadcast %add3A_322 : i32 to vector<16xi32>
        %add3A_324 = arith.addi %add3A_282, %add3A_323 : vector<16xi32>
        tpu.vector_store_idx %arg8[%add3A_324], %get3A_300 : memref<16416xf32, #tpu.memory_space<vmem>>[vector<16xi32>], vector<16xf32>,
        %add3A_325 = arith.constant 2 : i32
        %add3A_326 = vector.broadcast %add3A_325 : i32 to vector<16xi32>
        %add3A_327 = arith.addi %add3A_286, %add3A_326 : vector<16xi32>
        tpu.vector_store_idx %arg8[%add3A_327], %get3A_303 : memref<16416xf32, #tpu.memory_space<vmem>>[vector<16xi32>], vector<16xf32>,
        %add3A_328 = arith.constant 3 : i32
        %add3A_329 = vector.broadcast %add3A_328 : i32 to vector<16xi32>
        %add3A_330 = arith.addi %add3A_282, %add3A_329 : vector<16xi32>
        tpu.vector_store_idx %arg8[%add3A_330], %get3A_306 : memref<16416xf32, #tpu.memory_space<vmem>>[vector<16xi32>], vector<16xf32>,
        %add3A_331 = arith.constant 3 : i32
        %add3A_332 = vector.broadcast %add3A_331 : i32 to vector<16xi32>
        %add3A_333 = arith.addi %add3A_286, %add3A_332 : vector<16xi32>
        tpu.vector_store_idx %arg8[%add3A_333], %get3A_309 : memref<16416xf32, #tpu.memory_space<vmem>>[vector<16xi32>], vector<16xf32>,
        %get3A_334 = arith.index_cast %scan3A_278 : i32 to index
        %get3A_335 = arith.constant 128 : index
        %get3A_336 = tpu.vector_load %arg6[%get3A_334, %get3A_335] {strides = array<i32>} : memref<16x1024xf32, #tpu.memory_space<vmem>>, vector<16xf32>,
        %get3A_337 = arith.index_cast %scan3A_278 : i32 to index
        %get3A_338 = arith.constant 144 : index
        %get3A_339 = tpu.vector_load %arg6[%get3A_337, %get3A_338] {strides = array<i32>} : memref<16x1024xf32, #tpu.memory_space<vmem>>, vector<16xf32>,
        %get3A_340 = arith.index_cast %scan3A_278 : i32 to index
        %get3A_341 = arith.constant 160 : index
        %get3A_342 = tpu.vector_load %arg6[%get3A_340, %get3A_341] {strides = array<i32>} : memref<16x1024xf32, #tpu.memory_space<vmem>>, vector<16xf32>,
        %get3A_343 = arith.index_cast %scan3A_278 : i32 to index
        %get3A_344 = arith.constant 176 : index
        %get3A_345 = tpu.vector_load %arg6[%get3A_343, %get3A_344] {strides = array<i32>} : memref<16x1024xf32, #tpu.memory_space<vmem>>, vector<16xf32>,
        %get3A_346 = arith.index_cast %scan3A_278 : i32 to index
        %get3A_347 = arith.constant 192 : index
        %get3A_348 = tpu.vector_load %arg6[%get3A_346, %get3A_347] {strides = array<i32>} : memref<16x1024xf32, #tpu.memory_space<vmem>>, vector<16xf32>,
        %get3A_349 = arith.index_cast %scan3A_278 : i32 to index
        %get3A_350 = arith.constant 208 : index
        %get3A_351 = tpu.vector_load %arg6[%get3A_349, %get3A_350] {strides = array<i32>} : memref<16x1024xf32, #tpu.memory_space<vmem>>, vector<16xf32>,
        %get3A_352 = arith.index_cast %scan3A_278 : i32 to index
        %get3A_353 = arith.constant 224 : index
        %get3A_354 = tpu.vector_load %arg6[%get3A_352, %get3A_353] {strides = array<i32>} : memref<16x1024xf32, #tpu.memory_space<vmem>>, vector<16xf32>,
        %get3A_355 = arith.index_cast %scan3A_278 : i32 to index
        %get3A_356 = arith.constant 240 : index
        %get3A_357 = tpu.vector_load %arg6[%get3A_355, %get3A_356] {strides = array<i32>} : memref<16x1024xf32, #tpu.memory_space<vmem>>, vector<16xf32>,
        %add3A_358 = arith.constant 4 : i32
        %add3A_359 = vector.broadcast %add3A_358 : i32 to vector<16xi32>
        %add3A_360 = arith.addi %add3A_282, %add3A_359 : vector<16xi32>
        tpu.vector_store_idx %arg8[%add3A_360], %get3A_336 : memref<16416xf32, #tpu.memory_space<vmem>>[vector<16xi32>], vector<16xf32>,
        %add3A_361 = arith.constant 4 : i32
        %add3A_362 = vector.broadcast %add3A_361 : i32 to vector<16xi32>
        %add3A_363 = arith.addi %add3A_286, %add3A_362 : vector<16xi32>
        tpu.vector_store_idx %arg8[%add3A_363], %get3A_339 : memref<16416xf32, #tpu.memory_space<vmem>>[vector<16xi32>], vector<16xf32>,
        %add3A_364 = arith.constant 5 : i32
        %add3A_365 = vector.broadcast %add3A_364 : i32 to vector<16xi32>
        %add3A_366 = arith.addi %add3A_282, %add3A_365 : vector<16xi32>
        tpu.vector_store_idx %arg8[%add3A_366], %get3A_342 : memref<16416xf32, #tpu.memory_space<vmem>>[vector<16xi32>], vector<16xf32>,
        %add3A_367 = arith.constant 5 : i32
        %add3A_368 = vector.broadcast %add3A_367 : i32 to vector<16xi32>
        %add3A_369 = arith.addi %add3A_286, %add3A_368 : vector<16xi32>
        tpu.vector_store_idx %arg8[%add3A_369], %get3A_345 : memref<16416xf32, #tpu.memory_space<vmem>>[vector<16xi32>], vector<16xf32>,
        %add3A_370 = arith.constant 6 : i32
        %add3A_371 = vector.broadcast %add3A_370 : i32 to vector<16xi32>
        %add3A_372 = arith.addi %add3A_282, %add3A_371 : vector<16xi32>
        tpu.vector_store_idx %arg8[%add3A_372], %get3A_348 : memref<16416xf32, #tpu.memory_space<vmem>>[vector<16xi32>], vector<16xf32>,
        %add3A_373 = arith.constant 6 : i32
        %add3A_374 = vector.broadcast %add3A_373 : i32 to vector<16xi32>
        %add3A_375 = arith.addi %add3A_286, %add3A_374 : vector<16xi32>
        tpu.vector_store_idx %arg8[%add3A_375], %get3A_351 : memref<16416xf32, #tpu.memory_space<vmem>>[vector<16xi32>], vector<16xf32>,
        %add3A_376 = arith.constant 7 : i32
        %add3A_377 = vector.broadcast %add3A_376 : i32 to vector<16xi32>
        %add3A_378 = arith.addi %add3A_282, %add3A_377 : vector<16xi32>
        tpu.vector_store_idx %arg8[%add3A_378], %get3A_354 : memref<16416xf32, #tpu.memory_space<vmem>>[vector<16xi32>], vector<16xf32>,
        %add3A_379 = arith.constant 7 : i32
        %add3A_380 = vector.broadcast %add3A_379 : i32 to vector<16xi32>
        %add3A_381 = arith.addi %add3A_286, %add3A_380 : vector<16xi32>
        tpu.vector_store_idx %arg8[%add3A_381], %get3A_357 : memref<16416xf32, #tpu.memory_space<vmem>>[vector<16xi32>], vector<16xf32>,
        %get3A_382 = arith.index_cast %scan3A_278 : i32 to index
        %get3A_383 = arith.constant 256 : index
        %get3A_384 = tpu.vector_load %arg6[%get3A_382, %get3A_383] {strides = array<i32>} : memref<16x1024xf32, #tpu.memory_space<vmem>>, vector<16xf32>,
        %get3A_385 = arith.index_cast %scan3A_278 : i32 to index
        %get3A_386 = arith.constant 272 : index
        %get3A_387 = tpu.vector_load %arg6[%get3A_385, %get3A_386] {strides = array<i32>} : memref<16x1024xf32, #tpu.memory_space<vmem>>, vector<16xf32>,
        %get3A_388 = arith.index_cast %scan3A_278 : i32 to index
        %get3A_389 = arith.constant 288 : index
        %get3A_390 = tpu.vector_load %arg6[%get3A_388, %get3A_389] {strides = array<i32>} : memref<16x1024xf32, #tpu.memory_space<vmem>>, vector<16xf32>,
        %get3A_391 = arith.index_cast %scan3A_278 : i32 to index
        %get3A_392 = arith.constant 304 : index
        %get3A_393 = tpu.vector_load %arg6[%get3A_391, %get3A_392] {strides = array<i32>} : memref<16x1024xf32, #tpu.memory_space<vmem>>, vector<16xf32>,
        %get3A_394 = arith.index_cast %scan3A_278 : i32 to index
        %get3A_395 = arith.constant 320 : index
        %get3A_396 = tpu.vector_load %arg6[%get3A_394, %get3A_395] {strides = array<i32>} : memref<16x1024xf32, #tpu.memory_space<vmem>>, vector<16xf32>,
        %get3A_397 = arith.index_cast %scan3A_278 : i32 to index
        %get3A_398 = arith.constant 336 : index
        %get3A_399 = tpu.vector_load %arg6[%get3A_397, %get3A_398] {strides = array<i32>} : memref<16x1024xf32, #tpu.memory_space<vmem>>, vector<16xf32>,
        %get3A_400 = arith.index_cast %scan3A_278 : i32 to index
        %get3A_401 = arith.constant 352 : index
        %get3A_402 = tpu.vector_load %arg6[%get3A_400, %get3A_401] {strides = array<i32>} : memref<16x1024xf32, #tpu.memory_space<vmem>>, vector<16xf32>,
        %get3A_403 = arith.index_cast %scan3A_278 : i32 to index
        %get3A_404 = arith.constant 368 : index
        %get3A_405 = tpu.vector_load %arg6[%get3A_403, %get3A_404] {strides = array<i32>} : memref<16x1024xf32, #tpu.memory_space<vmem>>, vector<16xf32>,
        %add3A_406 = arith.constant 8 : i32
        %add3A_407 = vector.broadcast %add3A_406 : i32 to vector<16xi32>
        %add3A_408 = arith.addi %add3A_282, %add3A_407 : vector<16xi32>
        tpu.vector_store_idx %arg8[%add3A_408], %get3A_384 : memref<16416xf32, #tpu.memory_space<vmem>>[vector<16xi32>], vector<16xf32>,
        %add3A_409 = arith.constant 8 : i32
        %add3A_410 = vector.broadcast %add3A_409 : i32 to vector<16xi32>
        %add3A_411 = arith.addi %add3A_286, %add3A_410 : vector<16xi32>
        tpu.vector_store_idx %arg8[%add3A_411], %get3A_387 : memref<16416xf32, #tpu.memory_space<vmem>>[vector<16xi32>], vector<16xf32>,
        %add3A_412 = arith.constant 9 : i32
        %add3A_413 = vector.broadcast %add3A_412 : i32 to vector<16xi32>
        %add3A_414 = arith.addi %add3A_282, %add3A_413 : vector<16xi32>
        tpu.vector_store_idx %arg8[%add3A_414], %get3A_390 : memref<16416xf32, #tpu.memory_space<vmem>>[vector<16xi32>], vector<16xf32>,
        %add3A_415 = arith.constant 9 : i32
        %add3A_416 = vector.broadcast %add3A_415 : i32 to vector<16xi32>
        %add3A_417 = arith.addi %add3A_286, %add3A_416 : vector<16xi32>
        tpu.vector_store_idx %arg8[%add3A_417], %get3A_393 : memref<16416xf32, #tpu.memory_space<vmem>>[vector<16xi32>], vector<16xf32>,
        %add3A_418 = arith.constant 10 : i32
        %add3A_419 = vector.broadcast %add3A_418 : i32 to vector<16xi32>
        %add3A_420 = arith.addi %add3A_282, %add3A_419 : vector<16xi32>
        tpu.vector_store_idx %arg8[%add3A_420], %get3A_396 : memref<16416xf32, #tpu.memory_space<vmem>>[vector<16xi32>], vector<16xf32>,
        %add3A_421 = arith.constant 10 : i32
        %add3A_422 = vector.broadcast %add3A_421 : i32 to vector<16xi32>
        %add3A_423 = arith.addi %add3A_286, %add3A_422 : vector<16xi32>
        tpu.vector_store_idx %arg8[%add3A_423], %get3A_399 : memref<16416xf32, #tpu.memory_space<vmem>>[vector<16xi32>], vector<16xf32>,
        %add3A_424 = arith.constant 11 : i32
        %add3A_425 = vector.broadcast %add3A_424 : i32 to vector<16xi32>
        %add3A_426 = arith.addi %add3A_282, %add3A_425 : vector<16xi32>
        tpu.vector_store_idx %arg8[%add3A_426], %get3A_402 : memref<16416xf32, #tpu.memory_space<vmem>>[vector<16xi32>], vector<16xf32>,
        %add3A_427 = arith.constant 11 : i32
        %add3A_428 = vector.broadcast %add3A_427 : i32 to vector<16xi32>
        %add3A_429 = arith.addi %add3A_286, %add3A_428 : vector<16xi32>
        tpu.vector_store_idx %arg8[%add3A_429], %get3A_405 : memref<16416xf32, #tpu.memory_space<vmem>>[vector<16xi32>], vector<16xf32>,
        %get3A_430 = arith.index_cast %scan3A_278 : i32 to index
        %get3A_431 = arith.constant 384 : index
        %get3A_432 = tpu.vector_load %arg6[%get3A_430, %get3A_431] {strides = array<i32>} : memref<16x1024xf32, #tpu.memory_space<vmem>>, vector<16xf32>,
        %get3A_433 = arith.index_cast %scan3A_278 : i32 to index
        %get3A_434 = arith.constant 400 : index
        %get3A_435 = tpu.vector_load %arg6[%get3A_433, %get3A_434] {strides = array<i32>} : memref<16x1024xf32, #tpu.memory_space<vmem>>, vector<16xf32>,
        %get3A_436 = arith.index_cast %scan3A_278 : i32 to index
        %get3A_437 = arith.constant 416 : index
        %get3A_438 = tpu.vector_load %arg6[%get3A_436, %get3A_437] {strides = array<i32>} : memref<16x1024xf32, #tpu.memory_space<vmem>>, vector<16xf32>,
        %get3A_439 = arith.index_cast %scan3A_278 : i32 to index
        %get3A_440 = arith.constant 432 : index
        %get3A_441 = tpu.vector_load %arg6[%get3A_439, %get3A_440] {strides = array<i32>} : memref<16x1024xf32, #tpu.memory_space<vmem>>, vector<16xf32>,
        %get3A_442 = arith.index_cast %scan3A_278 : i32 to index
        %get3A_443 = arith.constant 448 : index
        %get3A_444 = tpu.vector_load %arg6[%get3A_442, %get3A_443] {strides = array<i32>} : memref<16x1024xf32, #tpu.memory_space<vmem>>, vector<16xf32>,
        %get3A_445 = arith.index_cast %scan3A_278 : i32 to index
        %get3A_446 = arith.constant 464 : index
        %get3A_447 = tpu.vector_load %arg6[%get3A_445, %get3A_446] {strides = array<i32>} : memref<16x1024xf32, #tpu.memory_space<vmem>>, vector<16xf32>,
        %get3A_448 = arith.index_cast %scan3A_278 : i32 to index
        %get3A_449 = arith.constant 480 : index
        %get3A_450 = tpu.vector_load %arg6[%get3A_448, %get3A_449] {strides = array<i32>} : memref<16x1024xf32, #tpu.memory_space<vmem>>, vector<16xf32>,
        %get3A_451 = arith.index_cast %scan3A_278 : i32 to index
        %get3A_452 = arith.constant 496 : index
        %get3A_453 = tpu.vector_load %arg6[%get3A_451, %get3A_452] {strides = array<i32>} : memref<16x1024xf32, #tpu.memory_space<vmem>>, vector<16xf32>,
        %add3A_454 = arith.constant 12 : i32
        %add3A_455 = vector.broadcast %add3A_454 : i32 to vector<16xi32>
        %add3A_456 = arith.addi %add3A_282, %add3A_455 : vector<16xi32>
        tpu.vector_store_idx %arg8[%add3A_456], %get3A_432 : memref<16416xf32, #tpu.memory_space<vmem>>[vector<16xi32>], vector<16xf32>,
        %add3A_457 = arith.constant 12 : i32
        %add3A_458 = vector.broadcast %add3A_457 : i32 to vector<16xi32>
        %add3A_459 = arith.addi %add3A_286, %add3A_458 : vector<16xi32>
        tpu.vector_store_idx %arg8[%add3A_459], %get3A_435 : memref<16416xf32, #tpu.memory_space<vmem>>[vector<16xi32>], vector<16xf32>,
        %add3A_460 = arith.constant 13 : i32
        %add3A_461 = vector.broadcast %add3A_460 : i32 to vector<16xi32>
        %add3A_462 = arith.addi %add3A_282, %add3A_461 : vector<16xi32>
        tpu.vector_store_idx %arg8[%add3A_462], %get3A_438 : memref<16416xf32, #tpu.memory_space<vmem>>[vector<16xi32>], vector<16xf32>,
        %add3A_463 = arith.constant 13 : i32
        %add3A_464 = vector.broadcast %add3A_463 : i32 to vector<16xi32>
        %add3A_465 = arith.addi %add3A_286, %add3A_464 : vector<16xi32>
        tpu.vector_store_idx %arg8[%add3A_465], %get3A_441 : memref<16416xf32, #tpu.memory_space<vmem>>[vector<16xi32>], vector<16xf32>,
        %add3A_466 = arith.constant 14 : i32
        %add3A_467 = vector.broadcast %add3A_466 : i32 to vector<16xi32>
        %add3A_468 = arith.addi %add3A_282, %add3A_467 : vector<16xi32>
        tpu.vector_store_idx %arg8[%add3A_468], %get3A_444 : memref<16416xf32, #tpu.memory_space<vmem>>[vector<16xi32>], vector<16xf32>,
        %add3A_469 = arith.constant 14 : i32
        %add3A_470 = vector.broadcast %add3A_469 : i32 to vector<16xi32>
        %add3A_471 = arith.addi %add3A_286, %add3A_470 : vector<16xi32>
        tpu.vector_store_idx %arg8[%add3A_471], %get3A_447 : memref<16416xf32, #tpu.memory_space<vmem>>[vector<16xi32>], vector<16xf32>,
        %add3A_472 = arith.constant 15 : i32
        %add3A_473 = vector.broadcast %add3A_472 : i32 to vector<16xi32>
        %add3A_474 = arith.addi %add3A_282, %add3A_473 : vector<16xi32>
        tpu.vector_store_idx %arg8[%add3A_474], %get3A_450 : memref<16416xf32, #tpu.memory_space<vmem>>[vector<16xi32>], vector<16xf32>,
        %add3A_475 = arith.constant 15 : i32
        %add3A_476 = vector.broadcast %add3A_475 : i32 to vector<16xi32>
        %add3A_477 = arith.addi %add3A_286, %add3A_476 : vector<16xi32>
        tpu.vector_store_idx %arg8[%add3A_477], %get3A_453 : memref<16416xf32, #tpu.memory_space<vmem>>[vector<16xi32>], vector<16xf32>,
        %get3A_478 = arith.index_cast %scan3A_278 : i32 to index
        %get3A_479 = arith.constant 512 : index
        %get3A_480 = tpu.vector_load %arg6[%get3A_478, %get3A_479] {strides = array<i32>} : memref<16x1024xf32, #tpu.memory_space<vmem>>, vector<16xf32>,
        %get3A_481 = arith.index_cast %scan3A_278 : i32 to index
        %get3A_482 = arith.constant 528 : index
        %get3A_483 = tpu.vector_load %arg6[%get3A_481, %get3A_482] {strides = array<i32>} : memref<16x1024xf32, #tpu.memory_space<vmem>>, vector<16xf32>,
        %get3A_484 = arith.index_cast %scan3A_278 : i32 to index
        %get3A_485 = arith.constant 544 : index
        %get3A_486 = tpu.vector_load %arg6[%get3A_484, %get3A_485] {strides = array<i32>} : memref<16x1024xf32, #tpu.memory_space<vmem>>, vector<16xf32>,
        %get3A_487 = arith.index_cast %scan3A_278 : i32 to index
        %get3A_488 = arith.constant 560 : index
        %get3A_489 = tpu.vector_load %arg6[%get3A_487, %get3A_488] {strides = array<i32>} : memref<16x1024xf32, #tpu.memory_space<vmem>>, vector<16xf32>,
        %get3A_490 = arith.index_cast %scan3A_278 : i32 to index
        %get3A_491 = arith.constant 576 : index
        %get3A_492 = tpu.vector_load %arg6[%get3A_490, %get3A_491] {strides = array<i32>} : memref<16x1024xf32, #tpu.memory_space<vmem>>, vector<16xf32>,
        %get3A_493 = arith.index_cast %scan3A_278 : i32 to index
        %get3A_494 = arith.constant 592 : index
        %get3A_495 = tpu.vector_load %arg6[%get3A_493, %get3A_494] {strides = array<i32>} : memref<16x1024xf32, #tpu.memory_space<vmem>>, vector<16xf32>,
        %get3A_496 = arith.index_cast %scan3A_278 : i32 to index
        %get3A_497 = arith.constant 608 : index
        %get3A_498 = tpu.vector_load %arg6[%get3A_496, %get3A_497] {strides = array<i32>} : memref<16x1024xf32, #tpu.memory_space<vmem>>, vector<16xf32>,
        %get3A_499 = arith.index_cast %scan3A_278 : i32 to index
        %get3A_500 = arith.constant 624 : index
        %get3A_501 = tpu.vector_load %arg6[%get3A_499, %get3A_500] {strides = array<i32>} : memref<16x1024xf32, #tpu.memory_space<vmem>>, vector<16xf32>,
        %add3A_502 = arith.constant 16 : i32
        %add3A_503 = vector.broadcast %add3A_502 : i32 to vector<16xi32>
        %add3A_504 = arith.addi %add3A_282, %add3A_503 : vector<16xi32>
        tpu.vector_store_idx %arg8[%add3A_504], %get3A_480 : memref<16416xf32, #tpu.memory_space<vmem>>[vector<16xi32>], vector<16xf32>,
        %add3A_505 = arith.constant 16 : i32
        %add3A_506 = vector.broadcast %add3A_505 : i32 to vector<16xi32>
        %add3A_507 = arith.addi %add3A_286, %add3A_506 : vector<16xi32>
        tpu.vector_store_idx %arg8[%add3A_507], %get3A_483 : memref<16416xf32, #tpu.memory_space<vmem>>[vector<16xi32>], vector<16xf32>,
        %add3A_508 = arith.constant 17 : i32
        %add3A_509 = vector.broadcast %add3A_508 : i32 to vector<16xi32>
        %add3A_510 = arith.addi %add3A_282, %add3A_509 : vector<16xi32>
        tpu.vector_store_idx %arg8[%add3A_510], %get3A_486 : memref<16416xf32, #tpu.memory_space<vmem>>[vector<16xi32>], vector<16xf32>,
        %add3A_511 = arith.constant 17 : i32
        %add3A_512 = vector.broadcast %add3A_511 : i32 to vector<16xi32>
        %add3A_513 = arith.addi %add3A_286, %add3A_512 : vector<16xi32>
        tpu.vector_store_idx %arg8[%add3A_513], %get3A_489 : memref<16416xf32, #tpu.memory_space<vmem>>[vector<16xi32>], vector<16xf32>,
        %add3A_514 = arith.constant 18 : i32
        %add3A_515 = vector.broadcast %add3A_514 : i32 to vector<16xi32>
        %add3A_516 = arith.addi %add3A_282, %add3A_515 : vector<16xi32>
        tpu.vector_store_idx %arg8[%add3A_516], %get3A_492 : memref<16416xf32, #tpu.memory_space<vmem>>[vector<16xi32>], vector<16xf32>,
        %add3A_517 = arith.constant 18 : i32
        %add3A_518 = vector.broadcast %add3A_517 : i32 to vector<16xi32>
        %add3A_519 = arith.addi %add3A_286, %add3A_518 : vector<16xi32>
        tpu.vector_store_idx %arg8[%add3A_519], %get3A_495 : memref<16416xf32, #tpu.memory_space<vmem>>[vector<16xi32>], vector<16xf32>,
        %add3A_520 = arith.constant 19 : i32
        %add3A_521 = vector.broadcast %add3A_520 : i32 to vector<16xi32>
        %add3A_522 = arith.addi %add3A_282, %add3A_521 : vector<16xi32>
        tpu.vector_store_idx %arg8[%add3A_522], %get3A_498 : memref<16416xf32, #tpu.memory_space<vmem>>[vector<16xi32>], vector<16xf32>,
        %add3A_523 = arith.constant 19 : i32
        %add3A_524 = vector.broadcast %add3A_523 : i32 to vector<16xi32>
        %add3A_525 = arith.addi %add3A_286, %add3A_524 : vector<16xi32>
        tpu.vector_store_idx %arg8[%add3A_525], %get3A_501 : memref<16416xf32, #tpu.memory_space<vmem>>[vector<16xi32>], vector<16xf32>,
        %get3A_526 = arith.index_cast %scan3A_278 : i32 to index
        %get3A_527 = arith.constant 640 : index
        %get3A_528 = tpu.vector_load %arg6[%get3A_526, %get3A_527] {strides = array<i32>} : memref<16x1024xf32, #tpu.memory_space<vmem>>, vector<16xf32>,
        %get3A_529 = arith.index_cast %scan3A_278 : i32 to index
        %get3A_530 = arith.constant 656 : index
        %get3A_531 = tpu.vector_load %arg6[%get3A_529, %get3A_530] {strides = array<i32>} : memref<16x1024xf32, #tpu.memory_space<vmem>>, vector<16xf32>,
        %get3A_532 = arith.index_cast %scan3A_278 : i32 to index
        %get3A_533 = arith.constant 672 : index
        %get3A_534 = tpu.vector_load %arg6[%get3A_532, %get3A_533] {strides = array<i32>} : memref<16x1024xf32, #tpu.memory_space<vmem>>, vector<16xf32>,
        %get3A_535 = arith.index_cast %scan3A_278 : i32 to index
        %get3A_536 = arith.constant 688 : index
        %get3A_537 = tpu.vector_load %arg6[%get3A_535, %get3A_536] {strides = array<i32>} : memref<16x1024xf32, #tpu.memory_space<vmem>>, vector<16xf32>,
        %get3A_538 = arith.index_cast %scan3A_278 : i32 to index
        %get3A_539 = arith.constant 704 : index
        %get3A_540 = tpu.vector_load %arg6[%get3A_538, %get3A_539] {strides = array<i32>} : memref<16x1024xf32, #tpu.memory_space<vmem>>, vector<16xf32>,
        %get3A_541 = arith.index_cast %scan3A_278 : i32 to index
        %get3A_542 = arith.constant 720 : index
        %get3A_543 = tpu.vector_load %arg6[%get3A_541, %get3A_542] {strides = array<i32>} : memref<16x1024xf32, #tpu.memory_space<vmem>>, vector<16xf32>,
        %get3A_544 = arith.index_cast %scan3A_278 : i32 to index
        %get3A_545 = arith.constant 736 : index
        %get3A_546 = tpu.vector_load %arg6[%get3A_544, %get3A_545] {strides = array<i32>} : memref<16x1024xf32, #tpu.memory_space<vmem>>, vector<16xf32>,
        %get3A_547 = arith.index_cast %scan3A_278 : i32 to index
        %get3A_548 = arith.constant 752 : index
        %get3A_549 = tpu.vector_load %arg6[%get3A_547, %get3A_548] {strides = array<i32>} : memref<16x1024xf32, #tpu.memory_space<vmem>>, vector<16xf32>,
        %add3A_550 = arith.constant 20 : i32
        %add3A_551 = vector.broadcast %add3A_550 : i32 to vector<16xi32>
        %add3A_552 = arith.addi %add3A_282, %add3A_551 : vector<16xi32>
        tpu.vector_store_idx %arg8[%add3A_552], %get3A_528 : memref<16416xf32, #tpu.memory_space<vmem>>[vector<16xi32>], vector<16xf32>,
        %add3A_553 = arith.constant 20 : i32
        %add3A_554 = vector.broadcast %add3A_553 : i32 to vector<16xi32>
        %add3A_555 = arith.addi %add3A_286, %add3A_554 : vector<16xi32>
        tpu.vector_store_idx %arg8[%add3A_555], %get3A_531 : memref<16416xf32, #tpu.memory_space<vmem>>[vector<16xi32>], vector<16xf32>,
        %add3A_556 = arith.constant 21 : i32
        %add3A_557 = vector.broadcast %add3A_556 : i32 to vector<16xi32>
        %add3A_558 = arith.addi %add3A_282, %add3A_557 : vector<16xi32>
        tpu.vector_store_idx %arg8[%add3A_558], %get3A_534 : memref<16416xf32, #tpu.memory_space<vmem>>[vector<16xi32>], vector<16xf32>,
        %add3A_559 = arith.constant 21 : i32
        %add3A_560 = vector.broadcast %add3A_559 : i32 to vector<16xi32>
        %add3A_561 = arith.addi %add3A_286, %add3A_560 : vector<16xi32>
        tpu.vector_store_idx %arg8[%add3A_561], %get3A_537 : memref<16416xf32, #tpu.memory_space<vmem>>[vector<16xi32>], vector<16xf32>,
        %add3A_562 = arith.constant 22 : i32
        %add3A_563 = vector.broadcast %add3A_562 : i32 to vector<16xi32>
        %add3A_564 = arith.addi %add3A_282, %add3A_563 : vector<16xi32>
        tpu.vector_store_idx %arg8[%add3A_564], %get3A_540 : memref<16416xf32, #tpu.memory_space<vmem>>[vector<16xi32>], vector<16xf32>,
        %add3A_565 = arith.constant 22 : i32
        %add3A_566 = vector.broadcast %add3A_565 : i32 to vector<16xi32>
        %add3A_567 = arith.addi %add3A_286, %add3A_566 : vector<16xi32>
        tpu.vector_store_idx %arg8[%add3A_567], %get3A_543 : memref<16416xf32, #tpu.memory_space<vmem>>[vector<16xi32>], vector<16xf32>,
        %add3A_568 = arith.constant 23 : i32
        %add3A_569 = vector.broadcast %add3A_568 : i32 to vector<16xi32>
        %add3A_570 = arith.addi %add3A_282, %add3A_569 : vector<16xi32>
        tpu.vector_store_idx %arg8[%add3A_570], %get3A_546 : memref<16416xf32, #tpu.memory_space<vmem>>[vector<16xi32>], vector<16xf32>,
        %add3A_571 = arith.constant 23 : i32
        %add3A_572 = vector.broadcast %add3A_571 : i32 to vector<16xi32>
        %add3A_573 = arith.addi %add3A_286, %add3A_572 : vector<16xi32>
        tpu.vector_store_idx %arg8[%add3A_573], %get3A_549 : memref<16416xf32, #tpu.memory_space<vmem>>[vector<16xi32>], vector<16xf32>,
        %get3A_574 = arith.index_cast %scan3A_278 : i32 to index
        %get3A_575 = arith.constant 768 : index
        %get3A_576 = tpu.vector_load %arg6[%get3A_574, %get3A_575] {strides = array<i32>} : memref<16x1024xf32, #tpu.memory_space<vmem>>, vector<16xf32>,
        %get3A_577 = arith.index_cast %scan3A_278 : i32 to index
        %get3A_578 = arith.constant 784 : index
        %get3A_579 = tpu.vector_load %arg6[%get3A_577, %get3A_578] {strides = array<i32>} : memref<16x1024xf32, #tpu.memory_space<vmem>>, vector<16xf32>,
        %get3A_580 = arith.index_cast %scan3A_278 : i32 to index
        %get3A_581 = arith.constant 800 : index
        %get3A_582 = tpu.vector_load %arg6[%get3A_580, %get3A_581] {strides = array<i32>} : memref<16x1024xf32, #tpu.memory_space<vmem>>, vector<16xf32>,
        %get3A_583 = arith.index_cast %scan3A_278 : i32 to index
        %get3A_584 = arith.constant 816 : index
        %get3A_585 = tpu.vector_load %arg6[%get3A_583, %get3A_584] {strides = array<i32>} : memref<16x1024xf32, #tpu.memory_space<vmem>>, vector<16xf32>,
        %get3A_586 = arith.index_cast %scan3A_278 : i32 to index
        %get3A_587 = arith.constant 832 : index
        %get3A_588 = tpu.vector_load %arg6[%get3A_586, %get3A_587] {strides = array<i32>} : memref<16x1024xf32, #tpu.memory_space<vmem>>, vector<16xf32>,
        %get3A_589 = arith.index_cast %scan3A_278 : i32 to index
        %get3A_590 = arith.constant 848 : index
        %get3A_591 = tpu.vector_load %arg6[%get3A_589, %get3A_590] {strides = array<i32>} : memref<16x1024xf32, #tpu.memory_space<vmem>>, vector<16xf32>,
        %get3A_592 = arith.index_cast %scan3A_278 : i32 to index
        %get3A_593 = arith.constant 864 : index
        %get3A_594 = tpu.vector_load %arg6[%get3A_592, %get3A_593] {strides = array<i32>} : memref<16x1024xf32, #tpu.memory_space<vmem>>, vector<16xf32>,
        %get3A_595 = arith.index_cast %scan3A_278 : i32 to index
        %get3A_596 = arith.constant 880 : index
        %get3A_597 = tpu.vector_load %arg6[%get3A_595, %get3A_596] {strides = array<i32>} : memref<16x1024xf32, #tpu.memory_space<vmem>>, vector<16xf32>,
        %add3A_598 = arith.constant 24 : i32
        %add3A_599 = vector.broadcast %add3A_598 : i32 to vector<16xi32>
        %add3A_600 = arith.addi %add3A_282, %add3A_599 : vector<16xi32>
        tpu.vector_store_idx %arg8[%add3A_600], %get3A_576 : memref<16416xf32, #tpu.memory_space<vmem>>[vector<16xi32>], vector<16xf32>,
        %add3A_601 = arith.constant 24 : i32
        %add3A_602 = vector.broadcast %add3A_601 : i32 to vector<16xi32>
        %add3A_603 = arith.addi %add3A_286, %add3A_602 : vector<16xi32>
        tpu.vector_store_idx %arg8[%add3A_603], %get3A_579 : memref<16416xf32, #tpu.memory_space<vmem>>[vector<16xi32>], vector<16xf32>,
        %add3A_604 = arith.constant 25 : i32
        %add3A_605 = vector.broadcast %add3A_604 : i32 to vector<16xi32>
        %add3A_606 = arith.addi %add3A_282, %add3A_605 : vector<16xi32>
        tpu.vector_store_idx %arg8[%add3A_606], %get3A_582 : memref<16416xf32, #tpu.memory_space<vmem>>[vector<16xi32>], vector<16xf32>,
        %add3A_607 = arith.constant 25 : i32
        %add3A_608 = vector.broadcast %add3A_607 : i32 to vector<16xi32>
        %add3A_609 = arith.addi %add3A_286, %add3A_608 : vector<16xi32>
        tpu.vector_store_idx %arg8[%add3A_609], %get3A_585 : memref<16416xf32, #tpu.memory_space<vmem>>[vector<16xi32>], vector<16xf32>,
        %add3A_610 = arith.constant 26 : i32
        %add3A_611 = vector.broadcast %add3A_610 : i32 to vector<16xi32>
        %add3A_612 = arith.addi %add3A_282, %add3A_611 : vector<16xi32>
        tpu.vector_store_idx %arg8[%add3A_612], %get3A_588 : memref<16416xf32, #tpu.memory_space<vmem>>[vector<16xi32>], vector<16xf32>,
        %add3A_613 = arith.constant 26 : i32
        %add3A_614 = vector.broadcast %add3A_613 : i32 to vector<16xi32>
        %add3A_615 = arith.addi %add3A_286, %add3A_614 : vector<16xi32>
        tpu.vector_store_idx %arg8[%add3A_615], %get3A_591 : memref<16416xf32, #tpu.memory_space<vmem>>[vector<16xi32>], vector<16xf32>,
        %add3A_616 = arith.constant 27 : i32
        %add3A_617 = vector.broadcast %add3A_616 : i32 to vector<16xi32>
        %add3A_618 = arith.addi %add3A_282, %add3A_617 : vector<16xi32>
        tpu.vector_store_idx %arg8[%add3A_618], %get3A_594 : memref<16416xf32, #tpu.memory_space<vmem>>[vector<16xi32>], vector<16xf32>,
        %add3A_619 = arith.constant 27 : i32
        %add3A_620 = vector.broadcast %add3A_619 : i32 to vector<16xi32>
        %add3A_621 = arith.addi %add3A_286, %add3A_620 : vector<16xi32>
        tpu.vector_store_idx %arg8[%add3A_621], %get3A_597 : memref<16416xf32, #tpu.memory_space<vmem>>[vector<16xi32>], vector<16xf32>,
        %get3A_622 = arith.index_cast %scan3A_278 : i32 to index
        %get3A_623 = arith.constant 896 : index
        %get3A_624 = tpu.vector_load %arg6[%get3A_622, %get3A_623] {strides = array<i32>} : memref<16x1024xf32, #tpu.memory_space<vmem>>, vector<16xf32>,
        %get3A_625 = arith.index_cast %scan3A_278 : i32 to index
        %get3A_626 = arith.constant 912 : index
        %get3A_627 = tpu.vector_load %arg6[%get3A_625, %get3A_626] {strides = array<i32>} : memref<16x1024xf32, #tpu.memory_space<vmem>>, vector<16xf32>,
        %get3A_628 = arith.index_cast %scan3A_278 : i32 to index
        %get3A_629 = arith.constant 928 : index
        %get3A_630 = tpu.vector_load %arg6[%get3A_628, %get3A_629] {strides = array<i32>} : memref<16x1024xf32, #tpu.memory_space<vmem>>, vector<16xf32>,
        %get3A_631 = arith.index_cast %scan3A_278 : i32 to index
        %get3A_632 = arith.constant 944 : index
        %get3A_633 = tpu.vector_load %arg6[%get3A_631, %get3A_632] {strides = array<i32>} : memref<16x1024xf32, #tpu.memory_space<vmem>>, vector<16xf32>,
        %get3A_634 = arith.index_cast %scan3A_278 : i32 to index
        %get3A_635 = arith.constant 960 : index
        %get3A_636 = tpu.vector_load %arg6[%get3A_634, %get3A_635] {strides = array<i32>} : memref<16x1024xf32, #tpu.memory_space<vmem>>, vector<16xf32>,
        %get3A_637 = arith.index_cast %scan3A_278 : i32 to index
        %get3A_638 = arith.constant 976 : index
        %get3A_639 = tpu.vector_load %arg6[%get3A_637, %get3A_638] {strides = array<i32>} : memref<16x1024xf32, #tpu.memory_space<vmem>>, vector<16xf32>,
        %get3A_640 = arith.index_cast %scan3A_278 : i32 to index
        %get3A_641 = arith.constant 992 : index
        %get3A_642 = tpu.vector_load %arg6[%get3A_640, %get3A_641] {strides = array<i32>} : memref<16x1024xf32, #tpu.memory_space<vmem>>, vector<16xf32>,
        %get3A_643 = arith.index_cast %scan3A_278 : i32 to index
        %get3A_644 = arith.constant 1008 : index
        %get3A_645 = tpu.vector_load %arg6[%get3A_643, %get3A_644] {strides = array<i32>} : memref<16x1024xf32, #tpu.memory_space<vmem>>, vector<16xf32>,
        %add3A_646 = arith.constant 28 : i32
        %add3A_647 = vector.broadcast %add3A_646 : i32 to vector<16xi32>
        %add3A_648 = arith.addi %add3A_282, %add3A_647 : vector<16xi32>
        tpu.vector_store_idx %arg8[%add3A_648], %get3A_624 : memref<16416xf32, #tpu.memory_space<vmem>>[vector<16xi32>], vector<16xf32>,
        %add3A_649 = arith.constant 28 : i32
        %add3A_650 = vector.broadcast %add3A_649 : i32 to vector<16xi32>
        %add3A_651 = arith.addi %add3A_286, %add3A_650 : vector<16xi32>
        tpu.vector_store_idx %arg8[%add3A_651], %get3A_627 : memref<16416xf32, #tpu.memory_space<vmem>>[vector<16xi32>], vector<16xf32>,
        %add3A_652 = arith.constant 29 : i32
        %add3A_653 = vector.broadcast %add3A_652 : i32 to vector<16xi32>
        %add3A_654 = arith.addi %add3A_282, %add3A_653 : vector<16xi32>
        tpu.vector_store_idx %arg8[%add3A_654], %get3A_630 : memref<16416xf32, #tpu.memory_space<vmem>>[vector<16xi32>], vector<16xf32>,
        %add3A_655 = arith.constant 29 : i32
        %add3A_656 = vector.broadcast %add3A_655 : i32 to vector<16xi32>
        %add3A_657 = arith.addi %add3A_286, %add3A_656 : vector<16xi32>
        tpu.vector_store_idx %arg8[%add3A_657], %get3A_633 : memref<16416xf32, #tpu.memory_space<vmem>>[vector<16xi32>], vector<16xf32>,
        %add3A_658 = arith.constant 30 : i32
        %add3A_659 = vector.broadcast %add3A_658 : i32 to vector<16xi32>
        %add3A_660 = arith.addi %add3A_282, %add3A_659 : vector<16xi32>
        tpu.vector_store_idx %arg8[%add3A_660], %get3A_636 : memref<16416xf32, #tpu.memory_space<vmem>>[vector<16xi32>], vector<16xf32>,
        %add3A_661 = arith.constant 30 : i32
        %add3A_662 = vector.broadcast %add3A_661 : i32 to vector<16xi32>
        %add3A_663 = arith.addi %add3A_286, %add3A_662 : vector<16xi32>
        tpu.vector_store_idx %arg8[%add3A_663], %get3A_639 : memref<16416xf32, #tpu.memory_space<vmem>>[vector<16xi32>], vector<16xf32>,
        %add3A_664 = arith.constant 31 : i32
        %add3A_665 = vector.broadcast %add3A_664 : i32 to vector<16xi32>
        %add3A_666 = arith.addi %add3A_282, %add3A_665 : vector<16xi32>
        tpu.vector_store_idx %arg8[%add3A_666], %get3A_642 : memref<16416xf32, #tpu.memory_space<vmem>>[vector<16xi32>], vector<16xf32>,
        %add3A_667 = arith.constant 31 : i32
        %add3A_668 = vector.broadcast %add3A_667 : i32 to vector<16xi32>
        %add3A_669 = arith.addi %add3A_286, %add3A_668 : vector<16xi32>
        tpu.vector_store_idx %arg8[%add3A_669], %get3A_645 : memref<16416xf32, #tpu.memory_space<vmem>>[vector<16xi32>], vector<16xf32>,
      }
      %scan3A_141 = arith.constant 16 : i32
      %scan3A_142 = arith.constant 0 : i32
      %scan3A_143 = arith.constant 0 : i32
      %scan3A_144 = arith.constant 32 : i32
      %scan3A_145 = arith.addi %scan3A_143, %scan3A_144 : i32
      %scan3A_146 = arith.constant 1 : i32
      scf.for %scan3A_278 = %scan3A_143 to %scan3A_145 step %scan3A_146  : i32 {
        %mul3A_279 = arith.constant 513 : i32
        %mul3A_280 = arith.muli %scan3A_278, %mul3A_279 : i32
        %add3A_281 = arith.constant 0 : i32
        %add3A_282 = arith.addi %mul3A_280, %add3A_281 : i32
        %get3A = arith.index_cast %add3A_282 : i32 to index
        %get3A_283 = tpu.vector_load %arg8[%get3A] {strides = array<i32>} : memref<16416xf32, #tpu.memory_space<vmem>>, vector<16xf32>,
        %mul3A_284 = arith.constant 513 : i32
        %mul3A_285 = arith.muli %scan3A_278, %mul3A_284 : i32
        %add3A_286 = arith.constant 0 : i32
        %add3A_287 = arith.addi %mul3A_285, %add3A_286 : i32
        %add3A_288 = arith.constant 16 : i32
        %add3A_289 = arith.addi %add3A_287, %add3A_288 : i32
        %get3A_290 = arith.index_cast %add3A_289 : i32 to index
        %get3A_291 = tpu.vector_load %arg8[%get3A_290] {strides = array<i32>} : memref<16416xf32, #tpu.memory_space<vmem>>, vector<16xf32>,
        %swap3A = arith.index_cast %scan3A_278 : i32 to index
        %swap3A_292 = arith.constant 0 : index
        %swap3A_293 = tpu.vector_load %arg9[%swap3A, %swap3A_292] {strides = array<i32>} : memref<32x512xf32, #tpu.memory_space<vmem>>, vector<16xf32>,
        tpu.vector_store %arg9[%swap3A, %swap3A_292], %get3A_283 {strides = array<i32>} : memref<32x512xf32, #tpu.memory_space<vmem>>, vector<16xf32>,
        %swap3A_294 = arith.index_cast %scan3A_278 : i32 to index
        %swap3A_295 = arith.constant 16 : index
        %swap3A_296 = tpu.vector_load %arg9[%swap3A_294, %swap3A_295] {strides = array<i32>} : memref<32x512xf32, #tpu.memory_space<vmem>>, vector<16xf32>,
        tpu.vector_store %arg9[%swap3A_294, %swap3A_295], %get3A_291 {strides = array<i32>} : memref<32x512xf32, #tpu.memory_space<vmem>>, vector<16xf32>,
        %mul3A_297 = arith.constant 513 : i32
        %mul3A_298 = arith.muli %scan3A_278, %mul3A_297 : i32
        %add3A_299 = arith.constant 32 : i32
        %add3A_300 = arith.addi %mul3A_298, %add3A_299 : i32
        %get3A_301 = arith.index_cast %add3A_300 : i32 to index
        %get3A_302 = tpu.vector_load %arg8[%get3A_301] {strides = array<i32>} : memref<16416xf32, #tpu.memory_space<vmem>>, vector<16xf32>,
        %mul3A_303 = arith.constant 513 : i32
        %mul3A_304 = arith.muli %scan3A_278, %mul3A_303 : i32
        %add3A_305 = arith.constant 32 : i32
        %add3A_306 = arith.addi %mul3A_304, %add3A_305 : i32
        %add3A_307 = arith.constant 16 : i32
        %add3A_308 = arith.addi %add3A_306, %add3A_307 : i32
        %get3A_309 = arith.index_cast %add3A_308 : i32 to index
        %get3A_310 = tpu.vector_load %arg8[%get3A_309] {strides = array<i32>} : memref<16416xf32, #tpu.memory_space<vmem>>, vector<16xf32>,
        %swap3A_311 = arith.index_cast %scan3A_278 : i32 to index
        %swap3A_312 = arith.constant 32 : index
        %swap3A_313 = tpu.vector_load %arg9[%swap3A_311, %swap3A_312] {strides = array<i32>} : memref<32x512xf32, #tpu.memory_space<vmem>>, vector<16xf32>,
        tpu.vector_store %arg9[%swap3A_311, %swap3A_312], %get3A_302 {strides = array<i32>} : memref<32x512xf32, #tpu.memory_space<vmem>>, vector<16xf32>,
        %swap3A_314 = arith.index_cast %scan3A_278 : i32 to index
        %swap3A_315 = arith.constant 48 : index
        %swap3A_316 = tpu.vector_load %arg9[%swap3A_314, %swap3A_315] {strides = array<i32>} : memref<32x512xf32, #tpu.memory_space<vmem>>, vector<16xf32>,
        tpu.vector_store %arg9[%swap3A_314, %swap3A_315], %get3A_310 {strides = array<i32>} : memref<32x512xf32, #tpu.memory_space<vmem>>, vector<16xf32>,
        %mul3A_317 = arith.constant 513 : i32
        %mul3A_318 = arith.muli %scan3A_278, %mul3A_317 : i32
        %add3A_319 = arith.constant 64 : i32
        %add3A_320 = arith.addi %mul3A_318, %add3A_319 : i32
        %get3A_321 = arith.index_cast %add3A_320 : i32 to index
        %get3A_322 = tpu.vector_load %arg8[%get3A_321] {strides = array<i32>} : memref<16416xf32, #tpu.memory_space<vmem>>, vector<16xf32>,
        %mul3A_323 = arith.constant 513 : i32
        %mul3A_324 = arith.muli %scan3A_278, %mul3A_323 : i32
        %add3A_325 = arith.constant 64 : i32
        %add3A_326 = arith.addi %mul3A_324, %add3A_325 : i32
        %add3A_327 = arith.constant 16 : i32
        %add3A_328 = arith.addi %add3A_326, %add3A_327 : i32
        %get3A_329 = arith.index_cast %add3A_328 : i32 to index
        %get3A_330 = tpu.vector_load %arg8[%get3A_329] {strides = array<i32>} : memref<16416xf32, #tpu.memory_space<vmem>>, vector<16xf32>,
        %swap3A_331 = arith.index_cast %scan3A_278 : i32 to index
        %swap3A_332 = arith.constant 64 : index
        %swap3A_333 = tpu.vector_load %arg9[%swap3A_331, %swap3A_332] {strides = array<i32>} : memref<32x512xf32, #tpu.memory_space<vmem>>, vector<16xf32>,
        tpu.vector_store %arg9[%swap3A_331, %swap3A_332], %get3A_322 {strides = array<i32>} : memref<32x512xf32, #tpu.memory_space<vmem>>, vector<16xf32>,
        %swap3A_334 = arith.index_cast %scan3A_278 : i32 to index
        %swap3A_335 = arith.constant 80 : index
        %swap3A_336 = tpu.vector_load %arg9[%swap3A_334, %swap3A_335] {strides = array<i32>} : memref<32x512xf32, #tpu.memory_space<vmem>>, vector<16xf32>,
        tpu.vector_store %arg9[%swap3A_334, %swap3A_335], %get3A_330 {strides = array<i32>} : memref<32x512xf32, #tpu.memory_space<vmem>>, vector<16xf32>,
        %mul3A_337 = arith.constant 513 : i32
        %mul3A_338 = arith.muli %scan3A_278, %mul3A_337 : i32
        %add3A_339 = arith.constant 96 : i32
        %add3A_340 = arith.addi %mul3A_338, %add3A_339 : i32
        %get3A_341 = arith.index_cast %add3A_340 : i32 to index
        %get3A_342 = tpu.vector_load %arg8[%get3A_341] {strides = array<i32>} : memref<16416xf32, #tpu.memory_space<vmem>>, vector<16xf32>,
        %mul3A_343 = arith.constant 513 : i32
        %mul3A_344 = arith.muli %scan3A_278, %mul3A_343 : i32
        %add3A_345 = arith.constant 96 : i32
        %add3A_346 = arith.addi %mul3A_344, %add3A_345 : i32
        %add3A_347 = arith.constant 16 : i32
        %add3A_348 = arith.addi %add3A_346, %add3A_347 : i32
        %get3A_349 = arith.index_cast %add3A_348 : i32 to index
        %get3A_350 = tpu.vector_load %arg8[%get3A_349] {strides = array<i32>} : memref<16416xf32, #tpu.memory_space<vmem>>, vector<16xf32>,
        %swap3A_351 = arith.index_cast %scan3A_278 : i32 to index
        %swap3A_352 = arith.constant 96 : index
        %swap3A_353 = tpu.vector_load %arg9[%swap3A_351, %swap3A_352] {strides = array<i32>} : memref<32x512xf32, #tpu.memory_space<vmem>>, vector<16xf32>,
        tpu.vector_store %arg9[%swap3A_351, %swap3A_352], %get3A_342 {strides = array<i32>} : memref<32x512xf32, #tpu.memory_space<vmem>>, vector<16xf32>,
        %swap3A_354 = arith.index_cast %scan3A_278 : i32 to index
        %swap3A_355 = arith.constant 112 : index
        %swap3A_356 = tpu.vector_load %arg9[%swap3A_354, %swap3A_355] {strides = array<i32>} : memref<32x512xf32, #tpu.memory_space<vmem>>, vector<16xf32>,
        tpu.vector_store %arg9[%swap3A_354, %swap3A_355], %get3A_350 {strides = array<i32>} : memref<32x512xf32, #tpu.memory_space<vmem>>, vector<16xf32>,
        %mul3A_357 = arith.constant 513 : i32
        %mul3A_358 = arith.muli %scan3A_278, %mul3A_357 : i32
        %add3A_359 = arith.constant 128 : i32
        %add3A_360 = arith.addi %mul3A_358, %add3A_359 : i32
        %get3A_361 = arith.index_cast %add3A_360 : i32 to index
        %get3A_362 = tpu.vector_load %arg8[%get3A_361] {strides = array<i32>} : memref<16416xf32, #tpu.memory_space<vmem>>, vector<16xf32>,
        %mul3A_363 = arith.constant 513 : i32
        %mul3A_364 = arith.muli %scan3A_278, %mul3A_363 : i32
        %add3A_365 = arith.constant 128 : i32
        %add3A_366 = arith.addi %mul3A_364, %add3A_365 : i32
        %add3A_367 = arith.constant 16 : i32
        %add3A_368 = arith.addi %add3A_366, %add3A_367 : i32
        %get3A_369 = arith.index_cast %add3A_368 : i32 to index
        %get3A_370 = tpu.vector_load %arg8[%get3A_369] {strides = array<i32>} : memref<16416xf32, #tpu.memory_space<vmem>>, vector<16xf32>,
        %swap3A_371 = arith.index_cast %scan3A_278 : i32 to index
        %swap3A_372 = arith.constant 128 : index
        %swap3A_373 = tpu.vector_load %arg9[%swap3A_371, %swap3A_372] {strides = array<i32>} : memref<32x512xf32, #tpu.memory_space<vmem>>, vector<16xf32>,
        tpu.vector_store %arg9[%swap3A_371, %swap3A_372], %get3A_362 {strides = array<i32>} : memref<32x512xf32, #tpu.memory_space<vmem>>, vector<16xf32>,
        %swap3A_374 = arith.index_cast %scan3A_278 : i32 to index
        %swap3A_375 = arith.constant 144 : index
        %swap3A_376 = tpu.vector_load %arg9[%swap3A_374, %swap3A_375] {strides = array<i32>} : memref<32x512xf32, #tpu.memory_space<vmem>>, vector<16xf32>,
        tpu.vector_store %arg9[%swap3A_374, %swap3A_375], %get3A_370 {strides = array<i32>} : memref<32x512xf32, #tpu.memory_space<vmem>>, vector<16xf32>,
        %mul3A_377 = arith.constant 513 : i32
        %mul3A_378 = arith.muli %scan3A_278, %mul3A_377 : i32
        %add3A_379 = arith.constant 160 : i32
        %add3A_380 = arith.addi %mul3A_378, %add3A_379 : i32
        %get3A_381 = arith.index_cast %add3A_380 : i32 to index
        %get3A_382 = tpu.vector_load %arg8[%get3A_381] {strides = array<i32>} : memref<16416xf32, #tpu.memory_space<vmem>>, vector<16xf32>,
        %mul3A_383 = arith.constant 513 : i32
        %mul3A_384 = arith.muli %scan3A_278, %mul3A_383 : i32
        %add3A_385 = arith.constant 160 : i32
        %add3A_386 = arith.addi %mul3A_384, %add3A_385 : i32
        %add3A_387 = arith.constant 16 : i32
        %add3A_388 = arith.addi %add3A_386, %add3A_387 : i32
        %get3A_389 = arith.index_cast %add3A_388 : i32 to index
        %get3A_390 = tpu.vector_load %arg8[%get3A_389] {strides = array<i32>} : memref<16416xf32, #tpu.memory_space<vmem>>, vector<16xf32>,
        %swap3A_391 = arith.index_cast %scan3A_278 : i32 to index
        %swap3A_392 = arith.constant 160 : index
        %swap3A_393 = tpu.vector_load %arg9[%swap3A_391, %swap3A_392] {strides = array<i32>} : memref<32x512xf32, #tpu.memory_space<vmem>>, vector<16xf32>,
        tpu.vector_store %arg9[%swap3A_391, %swap3A_392], %get3A_382 {strides = array<i32>} : memref<32x512xf32, #tpu.memory_space<vmem>>, vector<16xf32>,
        %swap3A_394 = arith.index_cast %scan3A_278 : i32 to index
        %swap3A_395 = arith.constant 176 : index
        %swap3A_396 = tpu.vector_load %arg9[%swap3A_394, %swap3A_395] {strides = array<i32>} : memref<32x512xf32, #tpu.memory_space<vmem>>, vector<16xf32>,
        tpu.vector_store %arg9[%swap3A_394, %swap3A_395], %get3A_390 {strides = array<i32>} : memref<32x512xf32, #tpu.memory_space<vmem>>, vector<16xf32>,
        %mul3A_397 = arith.constant 513 : i32
        %mul3A_398 = arith.muli %scan3A_278, %mul3A_397 : i32
        %add3A_399 = arith.constant 192 : i32
        %add3A_400 = arith.addi %mul3A_398, %add3A_399 : i32
        %get3A_401 = arith.index_cast %add3A_400 : i32 to index
        %get3A_402 = tpu.vector_load %arg8[%get3A_401] {strides = array<i32>} : memref<16416xf32, #tpu.memory_space<vmem>>, vector<16xf32>,
        %mul3A_403 = arith.constant 513 : i32
        %mul3A_404 = arith.muli %scan3A_278, %mul3A_403 : i32
        %add3A_405 = arith.constant 192 : i32
        %add3A_406 = arith.addi %mul3A_404, %add3A_405 : i32
        %add3A_407 = arith.constant 16 : i32
        %add3A_408 = arith.addi %add3A_406, %add3A_407 : i32
        %get3A_409 = arith.index_cast %add3A_408 : i32 to index
        %get3A_410 = tpu.vector_load %arg8[%get3A_409] {strides = array<i32>} : memref<16416xf32, #tpu.memory_space<vmem>>, vector<16xf32>,
        %swap3A_411 = arith.index_cast %scan3A_278 : i32 to index
        %swap3A_412 = arith.constant 192 : index
        %swap3A_413 = tpu.vector_load %arg9[%swap3A_411, %swap3A_412] {strides = array<i32>} : memref<32x512xf32, #tpu.memory_space<vmem>>, vector<16xf32>,
        tpu.vector_store %arg9[%swap3A_411, %swap3A_412], %get3A_402 {strides = array<i32>} : memref<32x512xf32, #tpu.memory_space<vmem>>, vector<16xf32>,
        %swap3A_414 = arith.index_cast %scan3A_278 : i32 to index
        %swap3A_415 = arith.constant 208 : index
        %swap3A_416 = tpu.vector_load %arg9[%swap3A_414, %swap3A_415] {strides = array<i32>} : memref<32x512xf32, #tpu.memory_space<vmem>>, vector<16xf32>,
        tpu.vector_store %arg9[%swap3A_414, %swap3A_415], %get3A_410 {strides = array<i32>} : memref<32x512xf32, #tpu.memory_space<vmem>>, vector<16xf32>,
        %mul3A_417 = arith.constant 513 : i32
        %mul3A_418 = arith.muli %scan3A_278, %mul3A_417 : i32
        %add3A_419 = arith.constant 224 : i32
        %add3A_420 = arith.addi %mul3A_418, %add3A_419 : i32
        %get3A_421 = arith.index_cast %add3A_420 : i32 to index
        %get3A_422 = tpu.vector_load %arg8[%get3A_421] {strides = array<i32>} : memref<16416xf32, #tpu.memory_space<vmem>>, vector<16xf32>,
        %mul3A_423 = arith.constant 513 : i32
        %mul3A_424 = arith.muli %scan3A_278, %mul3A_423 : i32
        %add3A_425 = arith.constant 224 : i32
        %add3A_426 = arith.addi %mul3A_424, %add3A_425 : i32
        %add3A_427 = arith.constant 16 : i32
        %add3A_428 = arith.addi %add3A_426, %add3A_427 : i32
        %get3A_429 = arith.index_cast %add3A_428 : i32 to index
        %get3A_430 = tpu.vector_load %arg8[%get3A_429] {strides = array<i32>} : memref<16416xf32, #tpu.memory_space<vmem>>, vector<16xf32>,
        %swap3A_431 = arith.index_cast %scan3A_278 : i32 to index
        %swap3A_432 = arith.constant 224 : index
        %swap3A_433 = tpu.vector_load %arg9[%swap3A_431, %swap3A_432] {strides = array<i32>} : memref<32x512xf32, #tpu.memory_space<vmem>>, vector<16xf32>,
        tpu.vector_store %arg9[%swap3A_431, %swap3A_432], %get3A_422 {strides = array<i32>} : memref<32x512xf32, #tpu.memory_space<vmem>>, vector<16xf32>,
        %swap3A_434 = arith.index_cast %scan3A_278 : i32 to index
        %swap3A_435 = arith.constant 240 : index
        %swap3A_436 = tpu.vector_load %arg9[%swap3A_434, %swap3A_435] {strides = array<i32>} : memref<32x512xf32, #tpu.memory_space<vmem>>, vector<16xf32>,
        tpu.vector_store %arg9[%swap3A_434, %swap3A_435], %get3A_430 {strides = array<i32>} : memref<32x512xf32, #tpu.memory_space<vmem>>, vector<16xf32>,
        %mul3A_437 = arith.constant 513 : i32
        %mul3A_438 = arith.muli %scan3A_278, %mul3A_437 : i32
        %add3A_439 = arith.constant 256 : i32
        %add3A_440 = arith.addi %mul3A_438, %add3A_439 : i32
        %get3A_441 = arith.index_cast %add3A_440 : i32 to index
        %get3A_442 = tpu.vector_load %arg8[%get3A_441] {strides = array<i32>} : memref<16416xf32, #tpu.memory_space<vmem>>, vector<16xf32>,
        %mul3A_443 = arith.constant 513 : i32
        %mul3A_444 = arith.muli %scan3A_278, %mul3A_443 : i32
        %add3A_445 = arith.constant 256 : i32
        %add3A_446 = arith.addi %mul3A_444, %add3A_445 : i32
        %add3A_447 = arith.constant 16 : i32
        %add3A_448 = arith.addi %add3A_446, %add3A_447 : i32
        %get3A_449 = arith.index_cast %add3A_448 : i32 to index
        %get3A_450 = tpu.vector_load %arg8[%get3A_449] {strides = array<i32>} : memref<16416xf32, #tpu.memory_space<vmem>>, vector<16xf32>,
        %swap3A_451 = arith.index_cast %scan3A_278 : i32 to index
        %swap3A_452 = arith.constant 256 : index
        %swap3A_453 = tpu.vector_load %arg9[%swap3A_451, %swap3A_452] {strides = array<i32>} : memref<32x512xf32, #tpu.memory_space<vmem>>, vector<16xf32>,
        tpu.vector_store %arg9[%swap3A_451, %swap3A_452], %get3A_442 {strides = array<i32>} : memref<32x512xf32, #tpu.memory_space<vmem>>, vector<16xf32>,
        %swap3A_454 = arith.index_cast %scan3A_278 : i32 to index
        %swap3A_455 = arith.constant 272 : index
        %swap3A_456 = tpu.vector_load %arg9[%swap3A_454, %swap3A_455] {strides = array<i32>} : memref<32x512xf32, #tpu.memory_space<vmem>>, vector<16xf32>,
        tpu.vector_store %arg9[%swap3A_454, %swap3A_455], %get3A_450 {strides = array<i32>} : memref<32x512xf32, #tpu.memory_space<vmem>>, vector<16xf32>,
        %mul3A_457 = arith.constant 513 : i32
        %mul3A_458 = arith.muli %scan3A_278, %mul3A_457 : i32
        %add3A_459 = arith.constant 288 : i32
        %add3A_460 = arith.addi %mul3A_458, %add3A_459 : i32
        %get3A_461 = arith.index_cast %add3A_460 : i32 to index
        %get3A_462 = tpu.vector_load %arg8[%get3A_461] {strides = array<i32>} : memref<16416xf32, #tpu.memory_space<vmem>>, vector<16xf32>,
        %mul3A_463 = arith.constant 513 : i32
        %mul3A_464 = arith.muli %scan3A_278, %mul3A_463 : i32
        %add3A_465 = arith.constant 288 : i32
        %add3A_466 = arith.addi %mul3A_464, %add3A_465 : i32
        %add3A_467 = arith.constant 16 : i32
        %add3A_468 = arith.addi %add3A_466, %add3A_467 : i32
        %get3A_469 = arith.index_cast %add3A_468 : i32 to index
        %get3A_470 = tpu.vector_load %arg8[%get3A_469] {strides = array<i32>} : memref<16416xf32, #tpu.memory_space<vmem>>, vector<16xf32>,
        %swap3A_471 = arith.index_cast %scan3A_278 : i32 to index
        %swap3A_472 = arith.constant 288 : index
        %swap3A_473 = tpu.vector_load %arg9[%swap3A_471, %swap3A_472] {strides = array<i32>} : memref<32x512xf32, #tpu.memory_space<vmem>>, vector<16xf32>,
        tpu.vector_store %arg9[%swap3A_471, %swap3A_472], %get3A_462 {strides = array<i32>} : memref<32x512xf32, #tpu.memory_space<vmem>>, vector<16xf32>,
        %swap3A_474 = arith.index_cast %scan3A_278 : i32 to index
        %swap3A_475 = arith.constant 304 : index
        %swap3A_476 = tpu.vector_load %arg9[%swap3A_474, %swap3A_475] {strides = array<i32>} : memref<32x512xf32, #tpu.memory_space<vmem>>, vector<16xf32>,
        tpu.vector_store %arg9[%swap3A_474, %swap3A_475], %get3A_470 {strides = array<i32>} : memref<32x512xf32, #tpu.memory_space<vmem>>, vector<16xf32>,
        %mul3A_477 = arith.constant 513 : i32
        %mul3A_478 = arith.muli %scan3A_278, %mul3A_477 : i32
        %add3A_479 = arith.constant 320 : i32
        %add3A_480 = arith.addi %mul3A_478, %add3A_479 : i32
        %get3A_481 = arith.index_cast %add3A_480 : i32 to index
        %get3A_482 = tpu.vector_load %arg8[%get3A_481] {strides = array<i32>} : memref<16416xf32, #tpu.memory_space<vmem>>, vector<16xf32>,
        %mul3A_483 = arith.constant 513 : i32
        %mul3A_484 = arith.muli %scan3A_278, %mul3A_483 : i32
        %add3A_485 = arith.constant 320 : i32
        %add3A_486 = arith.addi %mul3A_484, %add3A_485 : i32
        %add3A_487 = arith.constant 16 : i32
        %add3A_488 = arith.addi %add3A_486, %add3A_487 : i32
        %get3A_489 = arith.index_cast %add3A_488 : i32 to index
        %get3A_490 = tpu.vector_load %arg8[%get3A_489] {strides = array<i32>} : memref<16416xf32, #tpu.memory_space<vmem>>, vector<16xf32>,
        %swap3A_491 = arith.index_cast %scan3A_278 : i32 to index
        %swap3A_492 = arith.constant 320 : index
        %swap3A_493 = tpu.vector_load %arg9[%swap3A_491, %swap3A_492] {strides = array<i32>} : memref<32x512xf32, #tpu.memory_space<vmem>>, vector<16xf32>,
        tpu.vector_store %arg9[%swap3A_491, %swap3A_492], %get3A_482 {strides = array<i32>} : memref<32x512xf32, #tpu.memory_space<vmem>>, vector<16xf32>,
        %swap3A_494 = arith.index_cast %scan3A_278 : i32 to index
        %swap3A_495 = arith.constant 336 : index
        %swap3A_496 = tpu.vector_load %arg9[%swap3A_494, %swap3A_495] {strides = array<i32>} : memref<32x512xf32, #tpu.memory_space<vmem>>, vector<16xf32>,
        tpu.vector_store %arg9[%swap3A_494, %swap3A_495], %get3A_490 {strides = array<i32>} : memref<32x512xf32, #tpu.memory_space<vmem>>, vector<16xf32>,
        %mul3A_497 = arith.constant 513 : i32
        %mul3A_498 = arith.muli %scan3A_278, %mul3A_497 : i32
        %add3A_499 = arith.constant 352 : i32
        %add3A_500 = arith.addi %mul3A_498, %add3A_499 : i32
        %get3A_501 = arith.index_cast %add3A_500 : i32 to index
        %get3A_502 = tpu.vector_load %arg8[%get3A_501] {strides = array<i32>} : memref<16416xf32, #tpu.memory_space<vmem>>, vector<16xf32>,
        %mul3A_503 = arith.constant 513 : i32
        %mul3A_504 = arith.muli %scan3A_278, %mul3A_503 : i32
        %add3A_505 = arith.constant 352 : i32
        %add3A_506 = arith.addi %mul3A_504, %add3A_505 : i32
        %add3A_507 = arith.constant 16 : i32
        %add3A_508 = arith.addi %add3A_506, %add3A_507 : i32
        %get3A_509 = arith.index_cast %add3A_508 : i32 to index
        %get3A_510 = tpu.vector_load %arg8[%get3A_509] {strides = array<i32>} : memref<16416xf32, #tpu.memory_space<vmem>>, vector<16xf32>,
        %swap3A_511 = arith.index_cast %scan3A_278 : i32 to index
        %swap3A_512 = arith.constant 352 : index
        %swap3A_513 = tpu.vector_load %arg9[%swap3A_511, %swap3A_512] {strides = array<i32>} : memref<32x512xf32, #tpu.memory_space<vmem>>, vector<16xf32>,
        tpu.vector_store %arg9[%swap3A_511, %swap3A_512], %get3A_502 {strides = array<i32>} : memref<32x512xf32, #tpu.memory_space<vmem>>, vector<16xf32>,
        %swap3A_514 = arith.index_cast %scan3A_278 : i32 to index
        %swap3A_515 = arith.constant 368 : index
        %swap3A_516 = tpu.vector_load %arg9[%swap3A_514, %swap3A_515] {strides = array<i32>} : memref<32x512xf32, #tpu.memory_space<vmem>>, vector<16xf32>,
        tpu.vector_store %arg9[%swap3A_514, %swap3A_515], %get3A_510 {strides = array<i32>} : memref<32x512xf32, #tpu.memory_space<vmem>>, vector<16xf32>,
        %mul3A_517 = arith.constant 513 : i32
        %mul3A_518 = arith.muli %scan3A_278, %mul3A_517 : i32
        %add3A_519 = arith.constant 384 : i32
        %add3A_520 = arith.addi %mul3A_518, %add3A_519 : i32
        %get3A_521 = arith.index_cast %add3A_520 : i32 to index
        %get3A_522 = tpu.vector_load %arg8[%get3A_521] {strides = array<i32>} : memref<16416xf32, #tpu.memory_space<vmem>>, vector<16xf32>,
        %mul3A_523 = arith.constant 513 : i32
        %mul3A_524 = arith.muli %scan3A_278, %mul3A_523 : i32
        %add3A_525 = arith.constant 384 : i32
        %add3A_526 = arith.addi %mul3A_524, %add3A_525 : i32
        %add3A_527 = arith.constant 16 : i32
        %add3A_528 = arith.addi %add3A_526, %add3A_527 : i32
        %get3A_529 = arith.index_cast %add3A_528 : i32 to index
        %get3A_530 = tpu.vector_load %arg8[%get3A_529] {strides = array<i32>} : memref<16416xf32, #tpu.memory_space<vmem>>, vector<16xf32>,
        %swap3A_531 = arith.index_cast %scan3A_278 : i32 to index
        %swap3A_532 = arith.constant 384 : index
        %swap3A_533 = tpu.vector_load %arg9[%swap3A_531, %swap3A_532] {strides = array<i32>} : memref<32x512xf32, #tpu.memory_space<vmem>>, vector<16xf32>,
        tpu.vector_store %arg9[%swap3A_531, %swap3A_532], %get3A_522 {strides = array<i32>} : memref<32x512xf32, #tpu.memory_space<vmem>>, vector<16xf32>,
        %swap3A_534 = arith.index_cast %scan3A_278 : i32 to index
        %swap3A_535 = arith.constant 400 : index
        %swap3A_536 = tpu.vector_load %arg9[%swap3A_534, %swap3A_535] {strides = array<i32>} : memref<32x512xf32, #tpu.memory_space<vmem>>, vector<16xf32>,
        tpu.vector_store %arg9[%swap3A_534, %swap3A_535], %get3A_530 {strides = array<i32>} : memref<32x512xf32, #tpu.memory_space<vmem>>, vector<16xf32>,
        %mul3A_537 = arith.constant 513 : i32
        %mul3A_538 = arith.muli %scan3A_278, %mul3A_537 : i32
        %add3A_539 = arith.constant 416 : i32
        %add3A_540 = arith.addi %mul3A_538, %add3A_539 : i32
        %get3A_541 = arith.index_cast %add3A_540 : i32 to index
        %get3A_542 = tpu.vector_load %arg8[%get3A_541] {strides = array<i32>} : memref<16416xf32, #tpu.memory_space<vmem>>, vector<16xf32>,
        %mul3A_543 = arith.constant 513 : i32
        %mul3A_544 = arith.muli %scan3A_278, %mul3A_543 : i32
        %add3A_545 = arith.constant 416 : i32
        %add3A_546 = arith.addi %mul3A_544, %add3A_545 : i32
        %add3A_547 = arith.constant 16 : i32
        %add3A_548 = arith.addi %add3A_546, %add3A_547 : i32
        %get3A_549 = arith.index_cast %add3A_548 : i32 to index
        %get3A_550 = tpu.vector_load %arg8[%get3A_549] {strides = array<i32>} : memref<16416xf32, #tpu.memory_space<vmem>>, vector<16xf32>,
        %swap3A_551 = arith.index_cast %scan3A_278 : i32 to index
        %swap3A_552 = arith.constant 416 : index
        %swap3A_553 = tpu.vector_load %arg9[%swap3A_551, %swap3A_552] {strides = array<i32>} : memref<32x512xf32, #tpu.memory_space<vmem>>, vector<16xf32>,
        tpu.vector_store %arg9[%swap3A_551, %swap3A_552], %get3A_542 {strides = array<i32>} : memref<32x512xf32, #tpu.memory_space<vmem>>, vector<16xf32>,
        %swap3A_554 = arith.index_cast %scan3A_278 : i32 to index
        %swap3A_555 = arith.constant 432 : index
        %swap3A_556 = tpu.vector_load %arg9[%swap3A_554, %swap3A_555] {strides = array<i32>} : memref<32x512xf32, #tpu.memory_space<vmem>>, vector<16xf32>,
        tpu.vector_store %arg9[%swap3A_554, %swap3A_555], %get3A_550 {strides = array<i32>} : memref<32x512xf32, #tpu.memory_space<vmem>>, vector<16xf32>,
        %mul3A_557 = arith.constant 513 : i32
        %mul3A_558 = arith.muli %scan3A_278, %mul3A_557 : i32
        %add3A_559 = arith.constant 448 : i32
        %add3A_560 = arith.addi %mul3A_558, %add3A_559 : i32
        %get3A_561 = arith.index_cast %add3A_560 : i32 to index
        %get3A_562 = tpu.vector_load %arg8[%get3A_561] {strides = array<i32>} : memref<16416xf32, #tpu.memory_space<vmem>>, vector<16xf32>,
        %mul3A_563 = arith.constant 513 : i32
        %mul3A_564 = arith.muli %scan3A_278, %mul3A_563 : i32
        %add3A_565 = arith.constant 448 : i32
        %add3A_566 = arith.addi %mul3A_564, %add3A_565 : i32
        %add3A_567 = arith.constant 16 : i32
        %add3A_568 = arith.addi %add3A_566, %add3A_567 : i32
        %get3A_569 = arith.index_cast %add3A_568 : i32 to index
        %get3A_570 = tpu.vector_load %arg8[%get3A_569] {strides = array<i32>} : memref<16416xf32, #tpu.memory_space<vmem>>, vector<16xf32>,
        %swap3A_571 = arith.index_cast %scan3A_278 : i32 to index
        %swap3A_572 = arith.constant 448 : index
        %swap3A_573 = tpu.vector_load %arg9[%swap3A_571, %swap3A_572] {strides = array<i32>} : memref<32x512xf32, #tpu.memory_space<vmem>>, vector<16xf32>,
        tpu.vector_store %arg9[%swap3A_571, %swap3A_572], %get3A_562 {strides = array<i32>} : memref<32x512xf32, #tpu.memory_space<vmem>>, vector<16xf32>,
        %swap3A_574 = arith.index_cast %scan3A_278 : i32 to index
        %swap3A_575 = arith.constant 464 : index
        %swap3A_576 = tpu.vector_load %arg9[%swap3A_574, %swap3A_575] {strides = array<i32>} : memref<32x512xf32, #tpu.memory_space<vmem>>, vector<16xf32>,
        tpu.vector_store %arg9[%swap3A_574, %swap3A_575], %get3A_570 {strides = array<i32>} : memref<32x512xf32, #tpu.memory_space<vmem>>, vector<16xf32>,
        %mul3A_577 = arith.constant 513 : i32
        %mul3A_578 = arith.muli %scan3A_278, %mul3A_577 : i32
        %add3A_579 = arith.constant 480 : i32
        %add3A_580 = arith.addi %mul3A_578, %add3A_579 : i32
        %get3A_581 = arith.index_cast %add3A_580 : i32 to index
        %get3A_582 = tpu.vector_load %arg8[%get3A_581] {strides = array<i32>} : memref<16416xf32, #tpu.memory_space<vmem>>, vector<16xf32>,
        %mul3A_583 = arith.constant 513 : i32
        %mul3A_584 = arith.muli %scan3A_278, %mul3A_583 : i32
        %add3A_585 = arith.constant 480 : i32
        %add3A_586 = arith.addi %mul3A_584, %add3A_585 : i32
        %add3A_587 = arith.constant 16 : i32
        %add3A_588 = arith.addi %add3A_586, %add3A_587 : i32
        %get3A_589 = arith.index_cast %add3A_588 : i32 to index
        %get3A_590 = tpu.vector_load %arg8[%get3A_589] {strides = array<i32>} : memref<16416xf32, #tpu.memory_space<vmem>>, vector<16xf32>,
        %swap3A_591 = arith.index_cast %scan3A_278 : i32 to index
        %swap3A_592 = arith.constant 480 : index
        %swap3A_593 = tpu.vector_load %arg9[%swap3A_591, %swap3A_592] {strides = array<i32>} : memref<32x512xf32, #tpu.memory_space<vmem>>, vector<16xf32>,
        tpu.vector_store %arg9[%swap3A_591, %swap3A_592], %get3A_582 {strides = array<i32>} : memref<32x512xf32, #tpu.memory_space<vmem>>, vector<16xf32>,
        %swap3A_594 = arith.index_cast %scan3A_278 : i32 to index
        %swap3A_595 = arith.constant 496 : index
        %swap3A_596 = tpu.vector_load %arg9[%swap3A_594, %swap3A_595] {strides = array<i32>} : memref<32x512xf32, #tpu.memory_space<vmem>>, vector<16xf32>,
        tpu.vector_store %arg9[%swap3A_594, %swap3A_595], %get3A_590 {strides = array<i32>} : memref<32x512xf32, #tpu.memory_space<vmem>>, vector<16xf32>,
      }
      %scan3A_147 = arith.constant 32 : i32
      %jit3A_148 = arith.constant 64 : i32
      %div3A_149 = arith.divsi %add3A_121, %jit3A_148 : i32
      %sign3A_150 = arith.constant 0 : i32
      %sign3A_151 = arith.cmpi sgt, %add3A_121, %sign3A_150 : i32
      %sign3A_152 = arith.extui %sign3A_151 : i1 to i32
      %sign3A_153 = arith.constant 0 : i32
      %sign3A_154 = arith.cmpi slt, %add3A_121, %sign3A_153 : i32
      %sign3A_155 = arith.extui %sign3A_154 : i1 to i32
      %sign3A_156 = arith.subi %sign3A_152, %sign3A_155 : i32
      %sign3A_157 = arith.constant 0 : i32
      %sign3A_158 = arith.cmpi sgt, %jit3A_148, %sign3A_157 : i32
      %sign3A_159 = arith.extui %sign3A_158 : i1 to i32
      %sign3A_160 = arith.constant 0 : i32
      %sign3A_161 = arith.cmpi slt, %jit3A_148, %sign3A_160 : i32
      %sign3A_162 = arith.extui %sign3A_161 : i1 to i32
      %sign3A_163 = arith.subi %sign3A_159, %sign3A_162 : i32
      %ne3A_164 = arith.cmpi ne, %sign3A_156, %sign3A_163 : i32
      %rem3A_165 = arith.remsi %add3A_121, %jit3A_148 : i32
      %ne3A_166 = arith.constant 0 : i32
      %ne3A_167 = arith.cmpi ne, %rem3A_165, %ne3A_166 : i32
      %and3A_168 = arith.andi %ne3A_164, %ne3A_167 : i1
      %sub3A_169 = arith.constant 1 : i32
      %sub3A_170 = arith.subi %div3A_149, %sub3A_169 : i32
      %select_n3A_171 = arith.select %and3A_168, %sub3A_170, %div3A_149 : i32
      %jit3A_172 = arith.constant 64 : i32
      %eq3A_173 = arith.constant 0 : i32
      %eq3A_174 = arith.cmpi eq, %jit3A_172, %eq3A_173 : i32
      %jit3A_175 = arith.constant 1 : i32
      %select_n3A_176 = arith.select %eq3A_174, %jit3A_175, %jit3A_172 : i32
      %rem3A_177 = arith.remsi %add3A_121, %select_n3A_176 : i32
      %ne3A_178 = arith.constant 0 : i32
      %ne3A_179 = arith.cmpi ne, %rem3A_177, %ne3A_178 : i32
      %lt3A_180 = arith.constant 0 : i32
      %lt3A_181 = arith.cmpi slt, %rem3A_177, %lt3A_180 : i32
      %lt3A_182 = arith.constant 0 : i32
      %lt3A_183 = arith.cmpi slt, %select_n3A_176, %lt3A_182 : i32
      %ne3A_184 = arith.xori %lt3A_181, %lt3A_183 : i1
      %and3A_185 = arith.andi %ne3A_184, %ne3A_179 : i1
      %add3A_186 = arith.addi %rem3A_177, %select_n3A_176 : i32
      %select_n3A_187 = arith.select %and3A_185, %add3A_186, %rem3A_177 : i32
      %mul3A_188 = arith.constant 32 : i32
      %mul3A_189 = arith.muli %select_n3A_171, %mul3A_188 : i32
      %mul3A_190 = arith.constant 16 : i32
      %mul3A_191 = arith.muli %select_n3A_187, %mul3A_190 : i32
      %mul3A_192 = arith.constant 32 : i32
      %mul3A_193 = arith.muli %mul3A_191, %mul3A_192 : i32
      %dma_start3A_194 = tpu.memref_slice %arg4[%mul3A_189, %mul3A_193] : memref<832x32768xf32, #tpu.memory_space<hbm>> -> memref<32x512xf32, #tpu.memory_space<hbm>>
      %dma_start3A_195 = tpu.memref_slice %arg4[%mul3A_189, %mul3A_193] : memref<832x32768xf32, #tpu.memory_space<hbm>> -> memref<32x512xf32, #tpu.memory_space<hbm>>
      tpu.enqueue_dma source(%arg9 : memref<32x512xf32, #tpu.memory_space<vmem>>) target(%dma_start3A_195 : memref<32x512xf32, #tpu.memory_space<hbm>>) target_semaphore(%arg13 : memref<!tpu.dma_semaphore, #tpu.memory_space<semaphore_mem>>)
      %mul3A_196 = arith.constant 2 : i32
      %mul3A_197 = arith.muli %mul3A_196, %scan3A_116 : i32
      %add3A_198 = arith.constant 1 : i32
      %add3A_199 = arith.addi %mul3A_197, %add3A_198 : i32
      %add3A_200 = arith.addi %mul3A_2, %add3A_199 : i32
      %add3A_201 = arith.constant 1 : i32
      %add3A_202 = arith.addi %add3A_199, %add3A_201 : i32
      %lt3A_203 = arith.constant 52 : i32
      %lt3A_204 = arith.cmpi slt, %add3A_202, %lt3A_203 : i32
      %convert_element_type3A_205 = arith.extui %lt3A_204 : i1 to i32
      %cond3A_206 = arith.constant 0 : i32
      %cond3A_207 = arith.cmpi ne, %convert_element_type3A_205, %cond3A_206 : i32
      scf.if %cond3A_207 {
        %add3A_278 = arith.constant 1 : i32
        %add3A_279 = arith.addi %add3A_199, %add3A_278 : i32
        %mul3A_280 = arith.constant 16 : i32
        %mul3A_281 = arith.muli %add3A_279, %mul3A_280 : i32
        %dma_start3A_282 = tpu.memref_slice %arg5[%mul3A_281] : memref<832xi32, #tpu.memory_space<vmem>> -> memref<16xi32, #tpu.memory_space<vmem>>
        %dma_start3A_283 = arith.constant 0 : i32
        %dma_start3A_284 = arith.constant 0 : i32
        %dma_start3A_285 = tpu.memref_slice %arg3[%dma_start3A_283, %dma_start3A_284] : memref<100000x1024xf32, #tpu.memory_space<hbm>> -> memref<100000x1024xf32, #tpu.memory_space<hbm>>
        tpu.enqueue_indirect_dma source(%dma_start3A_285 : memref<100000x1024xf32, #tpu.memory_space<hbm>>) target(%arg6 : memref<16x1024xf32, #tpu.memory_space<vmem>>) offsets(%dma_start3A_282 : memref<16xi32, #tpu.memory_space<vmem>>) semaphore(%arg11 : memref<!tpu.dma_semaphore, #tpu.memory_space<semaphore_mem>>)
      } else {
      }
      %dma_wait3A_208 = arith.constant 0 : i32
      %dma_wait3A_209 = tpu.memref_slice %arg5[%dma_wait3A_208] : memref<832xi32, #tpu.memory_space<vmem>> -> memref<16xi32, #tpu.memory_space<vmem>>
      %dma_wait3A_210 = arith.constant 0 : i32
      %dma_wait3A_211 = arith.constant 0 : i32
      %dma_wait3A_212 = tpu.memref_slice %arg3[%dma_wait3A_210, %dma_wait3A_211] : memref<100000x1024xf32, #tpu.memory_space<hbm>> -> memref<100000x1024xf32, #tpu.memory_space<hbm>>
      tpu.wait_indirect_dma semaphore(%arg12 : memref<!tpu.dma_semaphore, #tpu.memory_space<semaphore_mem>>) src(%dma_wait3A_212 : memref<100000x1024xf32, #tpu.memory_space<hbm>>) dst(%arg7 : memref<16x1024xf32, #tpu.memory_space<vmem>>)
      %ge3A_213 = arith.constant 2 : i32
      %ge3A_214 = arith.cmpi sge, %add3A_199, %ge3A_213 : i32
      %convert_element_type3A_215 = arith.extui %ge3A_214 : i1 to i32
      %cond3A_216 = arith.constant 0 : i32
      %cond3A_217 = arith.cmpi ne, %convert_element_type3A_215, %cond3A_216 : i32
      scf.if %cond3A_217 {
        %sub3A_278 = arith.constant 2 : i32
        %sub3A_279 = arith.subi %add3A_200, %sub3A_278 : i32
        %jit3A_280 = arith.constant 64 : i32
        %div3A_281 = arith.divsi %sub3A_279, %jit3A_280 : i32
        %sign3A_282 = arith.constant 0 : i32
        %sign3A_283 = arith.cmpi sgt, %sub3A_279, %sign3A_282 : i32
        %sign3A_284 = arith.extui %sign3A_283 : i1 to i32
        %sign3A_285 = arith.constant 0 : i32
        %sign3A_286 = arith.cmpi slt, %sub3A_279, %sign3A_285 : i32
        %sign3A_287 = arith.extui %sign3A_286 : i1 to i32
        %sign3A_288 = arith.subi %sign3A_284, %sign3A_287 : i32
        %sign3A_289 = arith.constant 0 : i32
        %sign3A_290 = arith.cmpi sgt, %jit3A_280, %sign3A_289 : i32
        %sign3A_291 = arith.extui %sign3A_290 : i1 to i32
        %sign3A_292 = arith.constant 0 : i32
        %sign3A_293 = arith.cmpi slt, %jit3A_280, %sign3A_292 : i32
        %sign3A_294 = arith.extui %sign3A_293 : i1 to i32
        %sign3A_295 = arith.subi %sign3A_291, %sign3A_294 : i32
        %ne3A_296 = arith.cmpi ne, %sign3A_288, %sign3A_295 : i32
        %rem3A_297 = arith.remsi %sub3A_279, %jit3A_280 : i32
        %ne3A_298 = arith.constant 0 : i32
        %ne3A_299 = arith.cmpi ne, %rem3A_297, %ne3A_298 : i32
        %and3A_300 = arith.andi %ne3A_296, %ne3A_299 : i1
        %sub3A_301 = arith.constant 1 : i32
        %sub3A_302 = arith.subi %div3A_281, %sub3A_301 : i32
        %select_n3A_303 = arith.select %and3A_300, %sub3A_302, %div3A_281 : i32
        %jit3A_304 = arith.constant 64 : i32
        %eq3A_305 = arith.constant 0 : i32
        %eq3A_306 = arith.cmpi eq, %jit3A_304, %eq3A_305 : i32
        %jit3A_307 = arith.constant 1 : i32
        %select_n3A_308 = arith.select %eq3A_306, %jit3A_307, %jit3A_304 : i32
        %rem3A_309 = arith.remsi %sub3A_279, %select_n3A_308 : i32
        %ne3A_310 = arith.constant 0 : i32
        %ne3A_311 = arith.cmpi ne, %rem3A_309, %ne3A_310 : i32
        %lt3A_312 = arith.constant 0 : i32
        %lt3A_313 = arith.cmpi slt, %rem3A_309, %lt3A_312 : i32
        %lt3A_314 = arith.constant 0 : i32
        %lt3A_315 = arith.cmpi slt, %select_n3A_308, %lt3A_314 : i32
        %ne3A_316 = arith.xori %lt3A_313, %lt3A_315 : i1
        %and3A_317 = arith.andi %ne3A_316, %ne3A_311 : i1
        %add3A_318 = arith.addi %rem3A_309, %select_n3A_308 : i32
        %select_n3A_319 = arith.select %and3A_317, %add3A_318, %rem3A_309 : i32
        %mul3A_320 = arith.constant 32 : i32
        %mul3A_321 = arith.muli %select_n3A_303, %mul3A_320 : i32
        %mul3A_322 = arith.constant 16 : i32
        %mul3A_323 = arith.muli %select_n3A_319, %mul3A_322 : i32
        %mul3A_324 = arith.constant 32 : i32
        %mul3A_325 = arith.muli %mul3A_323, %mul3A_324 : i32
        %dma_wait3A_326 = tpu.memref_slice %arg4[%mul3A_321, %mul3A_325] : memref<832x32768xf32, #tpu.memory_space<hbm>> -> memref<32x512xf32, #tpu.memory_space<hbm>>
        %dma_wait3A_327 = tpu.memref_slice %arg4[%mul3A_321, %mul3A_325] : memref<832x32768xf32, #tpu.memory_space<hbm>> -> memref<32x512xf32, #tpu.memory_space<hbm>>
        tpu.wait_dma2 semaphore(%arg14 : memref<!tpu.dma_semaphore, #tpu.memory_space<semaphore_mem>>) src(%arg10 : memref<32x512xf32, #tpu.memory_space<vmem>>) dst(%dma_wait3A_327 : memref<32x512xf32, #tpu.memory_space<hbm>>)
      } else {
      }
      %scan3A_218 = arith.constant 0 : i32
      %scan3A_219 = arith.constant 0 : i32
      %scan3A_220 = arith.constant 16 : i32
      %scan3A_221 = arith.addi %scan3A_219, %scan3A_220 : i32
      %scan3A_222 = arith.constant 1 : i32
      scf.for %scan3A_278 = %scan3A_219 to %scan3A_221 step %scan3A_222  : i32 {
        %mul3A_279 = arith.constant 32 : i32
        %mul3A_280 = arith.muli %scan3A_278, %mul3A_279 : i32
        %add3A_281 = vector.broadcast %mul3A_280 : i32 to vector<16xi32>
        %add3A_282 = arith.addi %mul3A_7, %add3A_281 : vector<16xi32>
        %mul3A_283 = arith.constant 32 : i32
        %mul3A_284 = arith.muli %scan3A_278, %mul3A_283 : i32
        %add3A_285 = vector.broadcast %mul3A_284 : i32 to vector<16xi32>
        %add3A_286 = arith.addi %mul3A_13, %add3A_285 : vector<16xi32>
        %get3A = arith.index_cast %scan3A_278 : i32 to index
        %get3A_287 = arith.constant 0 : index
        %get3A_288 = tpu.vector_load %arg7[%get3A, %get3A_287] {strides = array<i32>} : memref<16x1024xf32, #tpu.memory_space<vmem>>, vector<16xf32>,
        %get3A_289 = arith.index_cast %scan3A_278 : i32 to index
        %get3A_290 = arith.constant 16 : index
        %get3A_291 = tpu.vector_load %arg7[%get3A_289, %get3A_290] {strides = array<i32>} : memref<16x1024xf32, #tpu.memory_space<vmem>>, vector<16xf32>,
        %get3A_292 = arith.index_cast %scan3A_278 : i32 to index
        %get3A_293 = arith.constant 32 : index
        %get3A_294 = tpu.vector_load %arg7[%get3A_292, %get3A_293] {strides = array<i32>} : memref<16x1024xf32, #tpu.memory_space<vmem>>, vector<16xf32>,
        %get3A_295 = arith.index_cast %scan3A_278 : i32 to index
        %get3A_296 = arith.constant 48 : index
        %get3A_297 = tpu.vector_load %arg7[%get3A_295, %get3A_296] {strides = array<i32>} : memref<16x1024xf32, #tpu.memory_space<vmem>>, vector<16xf32>,
        %get3A_298 = arith.index_cast %scan3A_278 : i32 to index
        %get3A_299 = arith.constant 64 : index
        %get3A_300 = tpu.vector_load %arg7[%get3A_298, %get3A_299] {strides = array<i32>} : memref<16x1024xf32, #tpu.memory_space<vmem>>, vector<16xf32>,
        %get3A_301 = arith.index_cast %scan3A_278 : i32 to index
        %get3A_302 = arith.constant 80 : index
        %get3A_303 = tpu.vector_load %arg7[%get3A_301, %get3A_302] {strides = array<i32>} : memref<16x1024xf32, #tpu.memory_space<vmem>>, vector<16xf32>,
        %get3A_304 = arith.index_cast %scan3A_278 : i32 to index
        %get3A_305 = arith.constant 96 : index
        %get3A_306 = tpu.vector_load %arg7[%get3A_304, %get3A_305] {strides = array<i32>} : memref<16x1024xf32, #tpu.memory_space<vmem>>, vector<16xf32>,
        %get3A_307 = arith.index_cast %scan3A_278 : i32 to index
        %get3A_308 = arith.constant 112 : index
        %get3A_309 = tpu.vector_load %arg7[%get3A_307, %get3A_308] {strides = array<i32>} : memref<16x1024xf32, #tpu.memory_space<vmem>>, vector<16xf32>,
        %add3A_310 = arith.constant 0 : i32
        %add3A_311 = vector.broadcast %add3A_310 : i32 to vector<16xi32>
        %add3A_312 = arith.addi %add3A_282, %add3A_311 : vector<16xi32>
        tpu.vector_store_idx %arg8[%add3A_312], %get3A_288 : memref<16416xf32, #tpu.memory_space<vmem>>[vector<16xi32>], vector<16xf32>,
        %add3A_313 = arith.constant 0 : i32
        %add3A_314 = vector.broadcast %add3A_313 : i32 to vector<16xi32>
        %add3A_315 = arith.addi %add3A_286, %add3A_314 : vector<16xi32>
        tpu.vector_store_idx %arg8[%add3A_315], %get3A_291 : memref<16416xf32, #tpu.memory_space<vmem>>[vector<16xi32>], vector<16xf32>,
        %add3A_316 = arith.constant 1 : i32
        %add3A_317 = vector.broadcast %add3A_316 : i32 to vector<16xi32>
        %add3A_318 = arith.addi %add3A_282, %add3A_317 : vector<16xi32>
        tpu.vector_store_idx %arg8[%add3A_318], %get3A_294 : memref<16416xf32, #tpu.memory_space<vmem>>[vector<16xi32>], vector<16xf32>,
        %add3A_319 = arith.constant 1 : i32
        %add3A_320 = vector.broadcast %add3A_319 : i32 to vector<16xi32>
        %add3A_321 = arith.addi %add3A_286, %add3A_320 : vector<16xi32>
        tpu.vector_store_idx %arg8[%add3A_321], %get3A_297 : memref<16416xf32, #tpu.memory_space<vmem>>[vector<16xi32>], vector<16xf32>,
        %add3A_322 = arith.constant 2 : i32
        %add3A_323 = vector.broadcast %add3A_322 : i32 to vector<16xi32>
        %add3A_324 = arith.addi %add3A_282, %add3A_323 : vector<16xi32>
        tpu.vector_store_idx %arg8[%add3A_324], %get3A_300 : memref<16416xf32, #tpu.memory_space<vmem>>[vector<16xi32>], vector<16xf32>,
        %add3A_325 = arith.constant 2 : i32
        %add3A_326 = vector.broadcast %add3A_325 : i32 to vector<16xi32>
        %add3A_327 = arith.addi %add3A_286, %add3A_326 : vector<16xi32>
        tpu.vector_store_idx %arg8[%add3A_327], %get3A_303 : memref<16416xf32, #tpu.memory_space<vmem>>[vector<16xi32>], vector<16xf32>,
        %add3A_328 = arith.constant 3 : i32
        %add3A_329 = vector.broadcast %add3A_328 : i32 to vector<16xi32>
        %add3A_330 = arith.addi %add3A_282, %add3A_329 : vector<16xi32>
        tpu.vector_store_idx %arg8[%add3A_330], %get3A_306 : memref<16416xf32, #tpu.memory_space<vmem>>[vector<16xi32>], vector<16xf32>,
        %add3A_331 = arith.constant 3 : i32
        %add3A_332 = vector.broadcast %add3A_331 : i32 to vector<16xi32>
        %add3A_333 = arith.addi %add3A_286, %add3A_332 : vector<16xi32>
        tpu.vector_store_idx %arg8[%add3A_333], %get3A_309 : memref<16416xf32, #tpu.memory_space<vmem>>[vector<16xi32>], vector<16xf32>,
        %get3A_334 = arith.index_cast %scan3A_278 : i32 to index
        %get3A_335 = arith.constant 128 : index
        %get3A_336 = tpu.vector_load %arg7[%get3A_334, %get3A_335] {strides = array<i32>} : memref<16x1024xf32, #tpu.memory_space<vmem>>, vector<16xf32>,
        %get3A_337 = arith.index_cast %scan3A_278 : i32 to index
        %get3A_338 = arith.constant 144 : index
        %get3A_339 = tpu.vector_load %arg7[%get3A_337, %get3A_338] {strides = array<i32>} : memref<16x1024xf32, #tpu.memory_space<vmem>>, vector<16xf32>,
        %get3A_340 = arith.index_cast %scan3A_278 : i32 to index
        %get3A_341 = arith.constant 160 : index
        %get3A_342 = tpu.vector_load %arg7[%get3A_340, %get3A_341] {strides = array<i32>} : memref<16x1024xf32, #tpu.memory_space<vmem>>, vector<16xf32>,
        %get3A_343 = arith.index_cast %scan3A_278 : i32 to index
        %get3A_344 = arith.constant 176 : index
        %get3A_345 = tpu.vector_load %arg7[%get3A_343, %get3A_344] {strides = array<i32>} : memref<16x1024xf32, #tpu.memory_space<vmem>>, vector<16xf32>,
        %get3A_346 = arith.index_cast %scan3A_278 : i32 to index
        %get3A_347 = arith.constant 192 : index
        %get3A_348 = tpu.vector_load %arg7[%get3A_346, %get3A_347] {strides = array<i32>} : memref<16x1024xf32, #tpu.memory_space<vmem>>, vector<16xf32>,
        %get3A_349 = arith.index_cast %scan3A_278 : i32 to index
        %get3A_350 = arith.constant 208 : index
        %get3A_351 = tpu.vector_load %arg7[%get3A_349, %get3A_350] {strides = array<i32>} : memref<16x1024xf32, #tpu.memory_space<vmem>>, vector<16xf32>,
        %get3A_352 = arith.index_cast %scan3A_278 : i32 to index
        %get3A_353 = arith.constant 224 : index
        %get3A_354 = tpu.vector_load %arg7[%get3A_352, %get3A_353] {strides = array<i32>} : memref<16x1024xf32, #tpu.memory_space<vmem>>, vector<16xf32>,
        %get3A_355 = arith.index_cast %scan3A_278 : i32 to index
        %get3A_356 = arith.constant 240 : index
        %get3A_357 = tpu.vector_load %arg7[%get3A_355, %get3A_356] {strides = array<i32>} : memref<16x1024xf32, #tpu.memory_space<vmem>>, vector<16xf32>,
        %add3A_358 = arith.constant 4 : i32
        %add3A_359 = vector.broadcast %add3A_358 : i32 to vector<16xi32>
        %add3A_360 = arith.addi %add3A_282, %add3A_359 : vector<16xi32>
        tpu.vector_store_idx %arg8[%add3A_360], %get3A_336 : memref<16416xf32, #tpu.memory_space<vmem>>[vector<16xi32>], vector<16xf32>,
        %add3A_361 = arith.constant 4 : i32
        %add3A_362 = vector.broadcast %add3A_361 : i32 to vector<16xi32>
        %add3A_363 = arith.addi %add3A_286, %add3A_362 : vector<16xi32>
        tpu.vector_store_idx %arg8[%add3A_363], %get3A_339 : memref<16416xf32, #tpu.memory_space<vmem>>[vector<16xi32>], vector<16xf32>,
        %add3A_364 = arith.constant 5 : i32
        %add3A_365 = vector.broadcast %add3A_364 : i32 to vector<16xi32>
        %add3A_366 = arith.addi %add3A_282, %add3A_365 : vector<16xi32>
        tpu.vector_store_idx %arg8[%add3A_366], %get3A_342 : memref<16416xf32, #tpu.memory_space<vmem>>[vector<16xi32>], vector<16xf32>,
        %add3A_367 = arith.constant 5 : i32
        %add3A_368 = vector.broadcast %add3A_367 : i32 to vector<16xi32>
        %add3A_369 = arith.addi %add3A_286, %add3A_368 : vector<16xi32>
        tpu.vector_store_idx %arg8[%add3A_369], %get3A_345 : memref<16416xf32, #tpu.memory_space<vmem>>[vector<16xi32>], vector<16xf32>,
        %add3A_370 = arith.constant 6 : i32
        %add3A_371 = vector.broadcast %add3A_370 : i32 to vector<16xi32>
        %add3A_372 = arith.addi %add3A_282, %add3A_371 : vector<16xi32>
        tpu.vector_store_idx %arg8[%add3A_372], %get3A_348 : memref<16416xf32, #tpu.memory_space<vmem>>[vector<16xi32>], vector<16xf32>,
        %add3A_373 = arith.constant 6 : i32
        %add3A_374 = vector.broadcast %add3A_373 : i32 to vector<16xi32>
        %add3A_375 = arith.addi %add3A_286, %add3A_374 : vector<16xi32>
        tpu.vector_store_idx %arg8[%add3A_375], %get3A_351 : memref<16416xf32, #tpu.memory_space<vmem>>[vector<16xi32>], vector<16xf32>,
        %add3A_376 = arith.constant 7 : i32
        %add3A_377 = vector.broadcast %add3A_376 : i32 to vector<16xi32>
        %add3A_378 = arith.addi %add3A_282, %add3A_377 : vector<16xi32>
        tpu.vector_store_idx %arg8[%add3A_378], %get3A_354 : memref<16416xf32, #tpu.memory_space<vmem>>[vector<16xi32>], vector<16xf32>,
        %add3A_379 = arith.constant 7 : i32
        %add3A_380 = vector.broadcast %add3A_379 : i32 to vector<16xi32>
        %add3A_381 = arith.addi %add3A_286, %add3A_380 : vector<16xi32>
        tpu.vector_store_idx %arg8[%add3A_381], %get3A_357 : memref<16416xf32, #tpu.memory_space<vmem>>[vector<16xi32>], vector<16xf32>,
        %get3A_382 = arith.index_cast %scan3A_278 : i32 to index
        %get3A_383 = arith.constant 256 : index
        %get3A_384 = tpu.vector_load %arg7[%get3A_382, %get3A_383] {strides = array<i32>} : memref<16x1024xf32, #tpu.memory_space<vmem>>, vector<16xf32>,
        %get3A_385 = arith.index_cast %scan3A_278 : i32 to index
        %get3A_386 = arith.constant 272 : index
        %get3A_387 = tpu.vector_load %arg7[%get3A_385, %get3A_386] {strides = array<i32>} : memref<16x1024xf32, #tpu.memory_space<vmem>>, vector<16xf32>,
        %get3A_388 = arith.index_cast %scan3A_278 : i32 to index
        %get3A_389 = arith.constant 288 : index
        %get3A_390 = tpu.vector_load %arg7[%get3A_388, %get3A_389] {strides = array<i32>} : memref<16x1024xf32, #tpu.memory_space<vmem>>, vector<16xf32>,
        %get3A_391 = arith.index_cast %scan3A_278 : i32 to index
        %get3A_392 = arith.constant 304 : index
        %get3A_393 = tpu.vector_load %arg7[%get3A_391, %get3A_392] {strides = array<i32>} : memref<16x1024xf32, #tpu.memory_space<vmem>>, vector<16xf32>,
        %get3A_394 = arith.index_cast %scan3A_278 : i32 to index
        %get3A_395 = arith.constant 320 : index
        %get3A_396 = tpu.vector_load %arg7[%get3A_394, %get3A_395] {strides = array<i32>} : memref<16x1024xf32, #tpu.memory_space<vmem>>, vector<16xf32>,
        %get3A_397 = arith.index_cast %scan3A_278 : i32 to index
        %get3A_398 = arith.constant 336 : index
        %get3A_399 = tpu.vector_load %arg7[%get3A_397, %get3A_398] {strides = array<i32>} : memref<16x1024xf32, #tpu.memory_space<vmem>>, vector<16xf32>,
        %get3A_400 = arith.index_cast %scan3A_278 : i32 to index
        %get3A_401 = arith.constant 352 : index
        %get3A_402 = tpu.vector_load %arg7[%get3A_400, %get3A_401] {strides = array<i32>} : memref<16x1024xf32, #tpu.memory_space<vmem>>, vector<16xf32>,
        %get3A_403 = arith.index_cast %scan3A_278 : i32 to index
        %get3A_404 = arith.constant 368 : index
        %get3A_405 = tpu.vector_load %arg7[%get3A_403, %get3A_404] {strides = array<i32>} : memref<16x1024xf32, #tpu.memory_space<vmem>>, vector<16xf32>,
        %add3A_406 = arith.constant 8 : i32
        %add3A_407 = vector.broadcast %add3A_406 : i32 to vector<16xi32>
        %add3A_408 = arith.addi %add3A_282, %add3A_407 : vector<16xi32>
        tpu.vector_store_idx %arg8[%add3A_408], %get3A_384 : memref<16416xf32, #tpu.memory_space<vmem>>[vector<16xi32>], vector<16xf32>,
        %add3A_409 = arith.constant 8 : i32
        %add3A_410 = vector.broadcast %add3A_409 : i32 to vector<16xi32>
        %add3A_411 = arith.addi %add3A_286, %add3A_410 : vector<16xi32>
        tpu.vector_store_idx %arg8[%add3A_411], %get3A_387 : memref<16416xf32, #tpu.memory_space<vmem>>[vector<16xi32>], vector<16xf32>,
        %add3A_412 = arith.constant 9 : i32
        %add3A_413 = vector.broadcast %add3A_412 : i32 to vector<16xi32>
        %add3A_414 = arith.addi %add3A_282, %add3A_413 : vector<16xi32>
        tpu.vector_store_idx %arg8[%add3A_414], %get3A_390 : memref<16416xf32, #tpu.memory_space<vmem>>[vector<16xi32>], vector<16xf32>,
        %add3A_415 = arith.constant 9 : i32
        %add3A_416 = vector.broadcast %add3A_415 : i32 to vector<16xi32>
        %add3A_417 = arith.addi %add3A_286, %add3A_416 : vector<16xi32>
        tpu.vector_store_idx %arg8[%add3A_417], %get3A_393 : memref<16416xf32, #tpu.memory_space<vmem>>[vector<16xi32>], vector<16xf32>,
        %add3A_418 = arith.constant 10 : i32
        %add3A_419 = vector.broadcast %add3A_418 : i32 to vector<16xi32>
        %add3A_420 = arith.addi %add3A_282, %add3A_419 : vector<16xi32>
        tpu.vector_store_idx %arg8[%add3A_420], %get3A_396 : memref<16416xf32, #tpu.memory_space<vmem>>[vector<16xi32>], vector<16xf32>,
        %add3A_421 = arith.constant 10 : i32
        %add3A_422 = vector.broadcast %add3A_421 : i32 to vector<16xi32>
        %add3A_423 = arith.addi %add3A_286, %add3A_422 : vector<16xi32>
        tpu.vector_store_idx %arg8[%add3A_423], %get3A_399 : memref<16416xf32, #tpu.memory_space<vmem>>[vector<16xi32>], vector<16xf32>,
        %add3A_424 = arith.constant 11 : i32
        %add3A_425 = vector.broadcast %add3A_424 : i32 to vector<16xi32>
        %add3A_426 = arith.addi %add3A_282, %add3A_425 : vector<16xi32>
        tpu.vector_store_idx %arg8[%add3A_426], %get3A_402 : memref<16416xf32, #tpu.memory_space<vmem>>[vector<16xi32>], vector<16xf32>,
        %add3A_427 = arith.constant 11 : i32
        %add3A_428 = vector.broadcast %add3A_427 : i32 to vector<16xi32>
        %add3A_429 = arith.addi %add3A_286, %add3A_428 : vector<16xi32>
        tpu.vector_store_idx %arg8[%add3A_429], %get3A_405 : memref<16416xf32, #tpu.memory_space<vmem>>[vector<16xi32>], vector<16xf32>,
        %get3A_430 = arith.index_cast %scan3A_278 : i32 to index
        %get3A_431 = arith.constant 384 : index
        %get3A_432 = tpu.vector_load %arg7[%get3A_430, %get3A_431] {strides = array<i32>} : memref<16x1024xf32, #tpu.memory_space<vmem>>, vector<16xf32>,
        %get3A_433 = arith.index_cast %scan3A_278 : i32 to index
        %get3A_434 = arith.constant 400 : index
        %get3A_435 = tpu.vector_load %arg7[%get3A_433, %get3A_434] {strides = array<i32>} : memref<16x1024xf32, #tpu.memory_space<vmem>>, vector<16xf32>,
        %get3A_436 = arith.index_cast %scan3A_278 : i32 to index
        %get3A_437 = arith.constant 416 : index
        %get3A_438 = tpu.vector_load %arg7[%get3A_436, %get3A_437] {strides = array<i32>} : memref<16x1024xf32, #tpu.memory_space<vmem>>, vector<16xf32>,
        %get3A_439 = arith.index_cast %scan3A_278 : i32 to index
        %get3A_440 = arith.constant 432 : index
        %get3A_441 = tpu.vector_load %arg7[%get3A_439, %get3A_440] {strides = array<i32>} : memref<16x1024xf32, #tpu.memory_space<vmem>>, vector<16xf32>,
        %get3A_442 = arith.index_cast %scan3A_278 : i32 to index
        %get3A_443 = arith.constant 448 : index
        %get3A_444 = tpu.vector_load %arg7[%get3A_442, %get3A_443] {strides = array<i32>} : memref<16x1024xf32, #tpu.memory_space<vmem>>, vector<16xf32>,
        %get3A_445 = arith.index_cast %scan3A_278 : i32 to index
        %get3A_446 = arith.constant 464 : index
        %get3A_447 = tpu.vector_load %arg7[%get3A_445, %get3A_446] {strides = array<i32>} : memref<16x1024xf32, #tpu.memory_space<vmem>>, vector<16xf32>,
        %get3A_448 = arith.index_cast %scan3A_278 : i32 to index
        %get3A_449 = arith.constant 480 : index
        %get3A_450 = tpu.vector_load %arg7[%get3A_448, %get3A_449] {strides = array<i32>} : memref<16x1024xf32, #tpu.memory_space<vmem>>, vector<16xf32>,
        %get3A_451 = arith.index_cast %scan3A_278 : i32 to index
        %get3A_452 = arith.constant 496 : index
        %get3A_453 = tpu.vector_load %arg7[%get3A_451, %get3A_452] {strides = array<i32>} : memref<16x1024xf32, #tpu.memory_space<vmem>>, vector<16xf32>,
        %add3A_454 = arith.constant 12 : i32
        %add3A_455 = vector.broadcast %add3A_454 : i32 to vector<16xi32>
        %add3A_456 = arith.addi %add3A_282, %add3A_455 : vector<16xi32>
        tpu.vector_store_idx %arg8[%add3A_456], %get3A_432 : memref<16416xf32, #tpu.memory_space<vmem>>[vector<16xi32>], vector<16xf32>,
        %add3A_457 = arith.constant 12 : i32
        %add3A_458 = vector.broadcast %add3A_457 : i32 to vector<16xi32>
        %add3A_459 = arith.addi %add3A_286, %add3A_458 : vector<16xi32>
        tpu.vector_store_idx %arg8[%add3A_459], %get3A_435 : memref<16416xf32, #tpu.memory_space<vmem>>[vector<16xi32>], vector<16xf32>,
        %add3A_460 = arith.constant 13 : i32
        %add3A_461 = vector.broadcast %add3A_460 : i32 to vector<16xi32>
        %add3A_462 = arith.addi %add3A_282, %add3A_461 : vector<16xi32>
        tpu.vector_store_idx %arg8[%add3A_462], %get3A_438 : memref<16416xf32, #tpu.memory_space<vmem>>[vector<16xi32>], vector<16xf32>,
        %add3A_463 = arith.constant 13 : i32
        %add3A_464 = vector.broadcast %add3A_463 : i32 to vector<16xi32>
        %add3A_465 = arith.addi %add3A_286, %add3A_464 : vector<16xi32>
        tpu.vector_store_idx %arg8[%add3A_465], %get3A_441 : memref<16416xf32, #tpu.memory_space<vmem>>[vector<16xi32>], vector<16xf32>,
        %add3A_466 = arith.constant 14 : i32
        %add3A_467 = vector.broadcast %add3A_466 : i32 to vector<16xi32>
        %add3A_468 = arith.addi %add3A_282, %add3A_467 : vector<16xi32>
        tpu.vector_store_idx %arg8[%add3A_468], %get3A_444 : memref<16416xf32, #tpu.memory_space<vmem>>[vector<16xi32>], vector<16xf32>,
        %add3A_469 = arith.constant 14 : i32
        %add3A_470 = vector.broadcast %add3A_469 : i32 to vector<16xi32>
        %add3A_471 = arith.addi %add3A_286, %add3A_470 : vector<16xi32>
        tpu.vector_store_idx %arg8[%add3A_471], %get3A_447 : memref<16416xf32, #tpu.memory_space<vmem>>[vector<16xi32>], vector<16xf32>,
        %add3A_472 = arith.constant 15 : i32
        %add3A_473 = vector.broadcast %add3A_472 : i32 to vector<16xi32>
        %add3A_474 = arith.addi %add3A_282, %add3A_473 : vector<16xi32>
        tpu.vector_store_idx %arg8[%add3A_474], %get3A_450 : memref<16416xf32, #tpu.memory_space<vmem>>[vector<16xi32>], vector<16xf32>,
        %add3A_475 = arith.constant 15 : i32
        %add3A_476 = vector.broadcast %add3A_475 : i32 to vector<16xi32>
        %add3A_477 = arith.addi %add3A_286, %add3A_476 : vector<16xi32>
        tpu.vector_store_idx %arg8[%add3A_477], %get3A_453 : memref<16416xf32, #tpu.memory_space<vmem>>[vector<16xi32>], vector<16xf32>,
        %get3A_478 = arith.index_cast %scan3A_278 : i32 to index
        %get3A_479 = arith.constant 512 : index
        %get3A_480 = tpu.vector_load %arg7[%get3A_478, %get3A_479] {strides = array<i32>} : memref<16x1024xf32, #tpu.memory_space<vmem>>, vector<16xf32>,
        %get3A_481 = arith.index_cast %scan3A_278 : i32 to index
        %get3A_482 = arith.constant 528 : index
        %get3A_483 = tpu.vector_load %arg7[%get3A_481, %get3A_482] {strides = array<i32>} : memref<16x1024xf32, #tpu.memory_space<vmem>>, vector<16xf32>,
        %get3A_484 = arith.index_cast %scan3A_278 : i32 to index
        %get3A_485 = arith.constant 544 : index
        %get3A_486 = tpu.vector_load %arg7[%get3A_484, %get3A_485] {strides = array<i32>} : memref<16x1024xf32, #tpu.memory_space<vmem>>, vector<16xf32>,
        %get3A_487 = arith.index_cast %scan3A_278 : i32 to index
        %get3A_488 = arith.constant 560 : index
        %get3A_489 = tpu.vector_load %arg7[%get3A_487, %get3A_488] {strides = array<i32>} : memref<16x1024xf32, #tpu.memory_space<vmem>>, vector<16xf32>,
        %get3A_490 = arith.index_cast %scan3A_278 : i32 to index
        %get3A_491 = arith.constant 576 : index
        %get3A_492 = tpu.vector_load %arg7[%get3A_490, %get3A_491] {strides = array<i32>} : memref<16x1024xf32, #tpu.memory_space<vmem>>, vector<16xf32>,
        %get3A_493 = arith.index_cast %scan3A_278 : i32 to index
        %get3A_494 = arith.constant 592 : index
        %get3A_495 = tpu.vector_load %arg7[%get3A_493, %get3A_494] {strides = array<i32>} : memref<16x1024xf32, #tpu.memory_space<vmem>>, vector<16xf32>,
        %get3A_496 = arith.index_cast %scan3A_278 : i32 to index
        %get3A_497 = arith.constant 608 : index
        %get3A_498 = tpu.vector_load %arg7[%get3A_496, %get3A_497] {strides = array<i32>} : memref<16x1024xf32, #tpu.memory_space<vmem>>, vector<16xf32>,
        %get3A_499 = arith.index_cast %scan3A_278 : i32 to index
        %get3A_500 = arith.constant 624 : index
        %get3A_501 = tpu.vector_load %arg7[%get3A_499, %get3A_500] {strides = array<i32>} : memref<16x1024xf32, #tpu.memory_space<vmem>>, vector<16xf32>,
        %add3A_502 = arith.constant 16 : i32
        %add3A_503 = vector.broadcast %add3A_502 : i32 to vector<16xi32>
        %add3A_504 = arith.addi %add3A_282, %add3A_503 : vector<16xi32>
        tpu.vector_store_idx %arg8[%add3A_504], %get3A_480 : memref<16416xf32, #tpu.memory_space<vmem>>[vector<16xi32>], vector<16xf32>,
        %add3A_505 = arith.constant 16 : i32
        %add3A_506 = vector.broadcast %add3A_505 : i32 to vector<16xi32>
        %add3A_507 = arith.addi %add3A_286, %add3A_506 : vector<16xi32>
        tpu.vector_store_idx %arg8[%add3A_507], %get3A_483 : memref<16416xf32, #tpu.memory_space<vmem>>[vector<16xi32>], vector<16xf32>,
        %add3A_508 = arith.constant 17 : i32
        %add3A_509 = vector.broadcast %add3A_508 : i32 to vector<16xi32>
        %add3A_510 = arith.addi %add3A_282, %add3A_509 : vector<16xi32>
        tpu.vector_store_idx %arg8[%add3A_510], %get3A_486 : memref<16416xf32, #tpu.memory_space<vmem>>[vector<16xi32>], vector<16xf32>,
        %add3A_511 = arith.constant 17 : i32
        %add3A_512 = vector.broadcast %add3A_511 : i32 to vector<16xi32>
        %add3A_513 = arith.addi %add3A_286, %add3A_512 : vector<16xi32>
        tpu.vector_store_idx %arg8[%add3A_513], %get3A_489 : memref<16416xf32, #tpu.memory_space<vmem>>[vector<16xi32>], vector<16xf32>,
        %add3A_514 = arith.constant 18 : i32
        %add3A_515 = vector.broadcast %add3A_514 : i32 to vector<16xi32>
        %add3A_516 = arith.addi %add3A_282, %add3A_515 : vector<16xi32>
        tpu.vector_store_idx %arg8[%add3A_516], %get3A_492 : memref<16416xf32, #tpu.memory_space<vmem>>[vector<16xi32>], vector<16xf32>,
        %add3A_517 = arith.constant 18 : i32
        %add3A_518 = vector.broadcast %add3A_517 : i32 to vector<16xi32>
        %add3A_519 = arith.addi %add3A_286, %add3A_518 : vector<16xi32>
        tpu.vector_store_idx %arg8[%add3A_519], %get3A_495 : memref<16416xf32, #tpu.memory_space<vmem>>[vector<16xi32>], vector<16xf32>,
        %add3A_520 = arith.constant 19 : i32
        %add3A_521 = vector.broadcast %add3A_520 : i32 to vector<16xi32>
        %add3A_522 = arith.addi %add3A_282, %add3A_521 : vector<16xi32>
        tpu.vector_store_idx %arg8[%add3A_522], %get3A_498 : memref<16416xf32, #tpu.memory_space<vmem>>[vector<16xi32>], vector<16xf32>,
        %add3A_523 = arith.constant 19 : i32
        %add3A_524 = vector.broadcast %add3A_523 : i32 to vector<16xi32>
        %add3A_525 = arith.addi %add3A_286, %add3A_524 : vector<16xi32>
        tpu.vector_store_idx %arg8[%add3A_525], %get3A_501 : memref<16416xf32, #tpu.memory_space<vmem>>[vector<16xi32>], vector<16xf32>,
        %get3A_526 = arith.index_cast %scan3A_278 : i32 to index
        %get3A_527 = arith.constant 640 : index
        %get3A_528 = tpu.vector_load %arg7[%get3A_526, %get3A_527] {strides = array<i32>} : memref<16x1024xf32, #tpu.memory_space<vmem>>, vector<16xf32>,
        %get3A_529 = arith.index_cast %scan3A_278 : i32 to index
        %get3A_530 = arith.constant 656 : index
        %get3A_531 = tpu.vector_load %arg7[%get3A_529, %get3A_530] {strides = array<i32>} : memref<16x1024xf32, #tpu.memory_space<vmem>>, vector<16xf32>,
        %get3A_532 = arith.index_cast %scan3A_278 : i32 to index
        %get3A_533 = arith.constant 672 : index
        %get3A_534 = tpu.vector_load %arg7[%get3A_532, %get3A_533] {strides = array<i32>} : memref<16x1024xf32, #tpu.memory_space<vmem>>, vector<16xf32>,
        %get3A_535 = arith.index_cast %scan3A_278 : i32 to index
        %get3A_536 = arith.constant 688 : index
        %get3A_537 = tpu.vector_load %arg7[%get3A_535, %get3A_536] {strides = array<i32>} : memref<16x1024xf32, #tpu.memory_space<vmem>>, vector<16xf32>,
        %get3A_538 = arith.index_cast %scan3A_278 : i32 to index
        %get3A_539 = arith.constant 704 : index
        %get3A_540 = tpu.vector_load %arg7[%get3A_538, %get3A_539] {strides = array<i32>} : memref<16x1024xf32, #tpu.memory_space<vmem>>, vector<16xf32>,
        %get3A_541 = arith.index_cast %scan3A_278 : i32 to index
        %get3A_542 = arith.constant 720 : index
        %get3A_543 = tpu.vector_load %arg7[%get3A_541, %get3A_542] {strides = array<i32>} : memref<16x1024xf32, #tpu.memory_space<vmem>>, vector<16xf32>,
        %get3A_544 = arith.index_cast %scan3A_278 : i32 to index
        %get3A_545 = arith.constant 736 : index
        %get3A_546 = tpu.vector_load %arg7[%get3A_544, %get3A_545] {strides = array<i32>} : memref<16x1024xf32, #tpu.memory_space<vmem>>, vector<16xf32>,
        %get3A_547 = arith.index_cast %scan3A_278 : i32 to index
        %get3A_548 = arith.constant 752 : index
        %get3A_549 = tpu.vector_load %arg7[%get3A_547, %get3A_548] {strides = array<i32>} : memref<16x1024xf32, #tpu.memory_space<vmem>>, vector<16xf32>,
        %add3A_550 = arith.constant 20 : i32
        %add3A_551 = vector.broadcast %add3A_550 : i32 to vector<16xi32>
        %add3A_552 = arith.addi %add3A_282, %add3A_551 : vector<16xi32>
        tpu.vector_store_idx %arg8[%add3A_552], %get3A_528 : memref<16416xf32, #tpu.memory_space<vmem>>[vector<16xi32>], vector<16xf32>,
        %add3A_553 = arith.constant 20 : i32
        %add3A_554 = vector.broadcast %add3A_553 : i32 to vector<16xi32>
        %add3A_555 = arith.addi %add3A_286, %add3A_554 : vector<16xi32>
        tpu.vector_store_idx %arg8[%add3A_555], %get3A_531 : memref<16416xf32, #tpu.memory_space<vmem>>[vector<16xi32>], vector<16xf32>,
        %add3A_556 = arith.constant 21 : i32
        %add3A_557 = vector.broadcast %add3A_556 : i32 to vector<16xi32>
        %add3A_558 = arith.addi %add3A_282, %add3A_557 : vector<16xi32>
        tpu.vector_store_idx %arg8[%add3A_558], %get3A_534 : memref<16416xf32, #tpu.memory_space<vmem>>[vector<16xi32>], vector<16xf32>,
        %add3A_559 = arith.constant 21 : i32
        %add3A_560 = vector.broadcast %add3A_559 : i32 to vector<16xi32>
        %add3A_561 = arith.addi %add3A_286, %add3A_560 : vector<16xi32>
        tpu.vector_store_idx %arg8[%add3A_561], %get3A_537 : memref<16416xf32, #tpu.memory_space<vmem>>[vector<16xi32>], vector<16xf32>,
        %add3A_562 = arith.constant 22 : i32
        %add3A_563 = vector.broadcast %add3A_562 : i32 to vector<16xi32>
        %add3A_564 = arith.addi %add3A_282, %add3A_563 : vector<16xi32>
        tpu.vector_store_idx %arg8[%add3A_564], %get3A_540 : memref<16416xf32, #tpu.memory_space<vmem>>[vector<16xi32>], vector<16xf32>,
        %add3A_565 = arith.constant 22 : i32
        %add3A_566 = vector.broadcast %add3A_565 : i32 to vector<16xi32>
        %add3A_567 = arith.addi %add3A_286, %add3A_566 : vector<16xi32>
        tpu.vector_store_idx %arg8[%add3A_567], %get3A_543 : memref<16416xf32, #tpu.memory_space<vmem>>[vector<16xi32>], vector<16xf32>,
        %add3A_568 = arith.constant 23 : i32
        %add3A_569 = vector.broadcast %add3A_568 : i32 to vector<16xi32>
        %add3A_570 = arith.addi %add3A_282, %add3A_569 : vector<16xi32>
        tpu.vector_store_idx %arg8[%add3A_570], %get3A_546 : memref<16416xf32, #tpu.memory_space<vmem>>[vector<16xi32>], vector<16xf32>,
        %add3A_571 = arith.constant 23 : i32
        %add3A_572 = vector.broadcast %add3A_571 : i32 to vector<16xi32>
        %add3A_573 = arith.addi %add3A_286, %add3A_572 : vector<16xi32>
        tpu.vector_store_idx %arg8[%add3A_573], %get3A_549 : memref<16416xf32, #tpu.memory_space<vmem>>[vector<16xi32>], vector<16xf32>,
        %get3A_574 = arith.index_cast %scan3A_278 : i32 to index
        %get3A_575 = arith.constant 768 : index
        %get3A_576 = tpu.vector_load %arg7[%get3A_574, %get3A_575] {strides = array<i32>} : memref<16x1024xf32, #tpu.memory_space<vmem>>, vector<16xf32>,
        %get3A_577 = arith.index_cast %scan3A_278 : i32 to index
        %get3A_578 = arith.constant 784 : index
        %get3A_579 = tpu.vector_load %arg7[%get3A_577, %get3A_578] {strides = array<i32>} : memref<16x1024xf32, #tpu.memory_space<vmem>>, vector<16xf32>,
        %get3A_580 = arith.index_cast %scan3A_278 : i32 to index
        %get3A_581 = arith.constant 800 : index
        %get3A_582 = tpu.vector_load %arg7[%get3A_580, %get3A_581] {strides = array<i32>} : memref<16x1024xf32, #tpu.memory_space<vmem>>, vector<16xf32>,
        %get3A_583 = arith.index_cast %scan3A_278 : i32 to index
        %get3A_584 = arith.constant 816 : index
        %get3A_585 = tpu.vector_load %arg7[%get3A_583, %get3A_584] {strides = array<i32>} : memref<16x1024xf32, #tpu.memory_space<vmem>>, vector<16xf32>,
        %get3A_586 = arith.index_cast %scan3A_278 : i32 to index
        %get3A_587 = arith.constant 832 : index
        %get3A_588 = tpu.vector_load %arg7[%get3A_586, %get3A_587] {strides = array<i32>} : memref<16x1024xf32, #tpu.memory_space<vmem>>, vector<16xf32>,
        %get3A_589 = arith.index_cast %scan3A_278 : i32 to index
        %get3A_590 = arith.constant 848 : index
        %get3A_591 = tpu.vector_load %arg7[%get3A_589, %get3A_590] {strides = array<i32>} : memref<16x1024xf32, #tpu.memory_space<vmem>>, vector<16xf32>,
        %get3A_592 = arith.index_cast %scan3A_278 : i32 to index
        %get3A_593 = arith.constant 864 : index
        %get3A_594 = tpu.vector_load %arg7[%get3A_592, %get3A_593] {strides = array<i32>} : memref<16x1024xf32, #tpu.memory_space<vmem>>, vector<16xf32>,
        %get3A_595 = arith.index_cast %scan3A_278 : i32 to index
        %get3A_596 = arith.constant 880 : index
        %get3A_597 = tpu.vector_load %arg7[%get3A_595, %get3A_596] {strides = array<i32>} : memref<16x1024xf32, #tpu.memory_space<vmem>>, vector<16xf32>,
        %add3A_598 = arith.constant 24 : i32
        %add3A_599 = vector.broadcast %add3A_598 : i32 to vector<16xi32>
        %add3A_600 = arith.addi %add3A_282, %add3A_599 : vector<16xi32>
        tpu.vector_store_idx %arg8[%add3A_600], %get3A_576 : memref<16416xf32, #tpu.memory_space<vmem>>[vector<16xi32>], vector<16xf32>,
        %add3A_601 = arith.constant 24 : i32
        %add3A_602 = vector.broadcast %add3A_601 : i32 to vector<16xi32>
        %add3A_603 = arith.addi %add3A_286, %add3A_602 : vector<16xi32>
        tpu.vector_store_idx %arg8[%add3A_603], %get3A_579 : memref<16416xf32, #tpu.memory_space<vmem>>[vector<16xi32>], vector<16xf32>,
        %add3A_604 = arith.constant 25 : i32
        %add3A_605 = vector.broadcast %add3A_604 : i32 to vector<16xi32>
        %add3A_606 = arith.addi %add3A_282, %add3A_605 : vector<16xi32>
        tpu.vector_store_idx %arg8[%add3A_606], %get3A_582 : memref<16416xf32, #tpu.memory_space<vmem>>[vector<16xi32>], vector<16xf32>,
        %add3A_607 = arith.constant 25 : i32
        %add3A_608 = vector.broadcast %add3A_607 : i32 to vector<16xi32>
        %add3A_609 = arith.addi %add3A_286, %add3A_608 : vector<16xi32>
        tpu.vector_store_idx %arg8[%add3A_609], %get3A_585 : memref<16416xf32, #tpu.memory_space<vmem>>[vector<16xi32>], vector<16xf32>,
        %add3A_610 = arith.constant 26 : i32
        %add3A_611 = vector.broadcast %add3A_610 : i32 to vector<16xi32>
        %add3A_612 = arith.addi %add3A_282, %add3A_611 : vector<16xi32>
        tpu.vector_store_idx %arg8[%add3A_612], %get3A_588 : memref<16416xf32, #tpu.memory_space<vmem>>[vector<16xi32>], vector<16xf32>,
        %add3A_613 = arith.constant 26 : i32
        %add3A_614 = vector.broadcast %add3A_613 : i32 to vector<16xi32>
        %add3A_615 = arith.addi %add3A_286, %add3A_614 : vector<16xi32>
        tpu.vector_store_idx %arg8[%add3A_615], %get3A_591 : memref<16416xf32, #tpu.memory_space<vmem>>[vector<16xi32>], vector<16xf32>,
        %add3A_616 = arith.constant 27 : i32
        %add3A_617 = vector.broadcast %add3A_616 : i32 to vector<16xi32>
        %add3A_618 = arith.addi %add3A_282, %add3A_617 : vector<16xi32>
        tpu.vector_store_idx %arg8[%add3A_618], %get3A_594 : memref<16416xf32, #tpu.memory_space<vmem>>[vector<16xi32>], vector<16xf32>,
        %add3A_619 = arith.constant 27 : i32
        %add3A_620 = vector.broadcast %add3A_619 : i32 to vector<16xi32>
        %add3A_621 = arith.addi %add3A_286, %add3A_620 : vector<16xi32>
        tpu.vector_store_idx %arg8[%add3A_621], %get3A_597 : memref<16416xf32, #tpu.memory_space<vmem>>[vector<16xi32>], vector<16xf32>,
        %get3A_622 = arith.index_cast %scan3A_278 : i32 to index
        %get3A_623 = arith.constant 896 : index
        %get3A_624 = tpu.vector_load %arg7[%get3A_622, %get3A_623] {strides = array<i32>} : memref<16x1024xf32, #tpu.memory_space<vmem>>, vector<16xf32>,
        %get3A_625 = arith.index_cast %scan3A_278 : i32 to index
        %get3A_626 = arith.constant 912 : index
        %get3A_627 = tpu.vector_load %arg7[%get3A_625, %get3A_626] {strides = array<i32>} : memref<16x1024xf32, #tpu.memory_space<vmem>>, vector<16xf32>,
        %get3A_628 = arith.index_cast %scan3A_278 : i32 to index
        %get3A_629 = arith.constant 928 : index
        %get3A_630 = tpu.vector_load %arg7[%get3A_628, %get3A_629] {strides = array<i32>} : memref<16x1024xf32, #tpu.memory_space<vmem>>, vector<16xf32>,
        %get3A_631 = arith.index_cast %scan3A_278 : i32 to index
        %get3A_632 = arith.constant 944 : index
        %get3A_633 = tpu.vector_load %arg7[%get3A_631, %get3A_632] {strides = array<i32>} : memref<16x1024xf32, #tpu.memory_space<vmem>>, vector<16xf32>,
        %get3A_634 = arith.index_cast %scan3A_278 : i32 to index
        %get3A_635 = arith.constant 960 : index
        %get3A_636 = tpu.vector_load %arg7[%get3A_634, %get3A_635] {strides = array<i32>} : memref<16x1024xf32, #tpu.memory_space<vmem>>, vector<16xf32>,
        %get3A_637 = arith.index_cast %scan3A_278 : i32 to index
        %get3A_638 = arith.constant 976 : index
        %get3A_639 = tpu.vector_load %arg7[%get3A_637, %get3A_638] {strides = array<i32>} : memref<16x1024xf32, #tpu.memory_space<vmem>>, vector<16xf32>,
        %get3A_640 = arith.index_cast %scan3A_278 : i32 to index
        %get3A_641 = arith.constant 992 : index
        %get3A_642 = tpu.vector_load %arg7[%get3A_640, %get3A_641] {strides = array<i32>} : memref<16x1024xf32, #tpu.memory_space<vmem>>, vector<16xf32>,
        %get3A_643 = arith.index_cast %scan3A_278 : i32 to index
        %get3A_644 = arith.constant 1008 : index
        %get3A_645 = tpu.vector_load %arg7[%get3A_643, %get3A_644] {strides = array<i32>} : memref<16x1024xf32, #tpu.memory_space<vmem>>, vector<16xf32>,
        %add3A_646 = arith.constant 28 : i32
        %add3A_647 = vector.broadcast %add3A_646 : i32 to vector<16xi32>
        %add3A_648 = arith.addi %add3A_282, %add3A_647 : vector<16xi32>
        tpu.vector_store_idx %arg8[%add3A_648], %get3A_624 : memref<16416xf32, #tpu.memory_space<vmem>>[vector<16xi32>], vector<16xf32>,
        %add3A_649 = arith.constant 28 : i32
        %add3A_650 = vector.broadcast %add3A_649 : i32 to vector<16xi32>
        %add3A_651 = arith.addi %add3A_286, %add3A_650 : vector<16xi32>
        tpu.vector_store_idx %arg8[%add3A_651], %get3A_627 : memref<16416xf32, #tpu.memory_space<vmem>>[vector<16xi32>], vector<16xf32>,
        %add3A_652 = arith.constant 29 : i32
        %add3A_653 = vector.broadcast %add3A_652 : i32 to vector<16xi32>
        %add3A_654 = arith.addi %add3A_282, %add3A_653 : vector<16xi32>
        tpu.vector_store_idx %arg8[%add3A_654], %get3A_630 : memref<16416xf32, #tpu.memory_space<vmem>>[vector<16xi32>], vector<16xf32>,
        %add3A_655 = arith.constant 29 : i32
        %add3A_656 = vector.broadcast %add3A_655 : i32 to vector<16xi32>
        %add3A_657 = arith.addi %add3A_286, %add3A_656 : vector<16xi32>
        tpu.vector_store_idx %arg8[%add3A_657], %get3A_633 : memref<16416xf32, #tpu.memory_space<vmem>>[vector<16xi32>], vector<16xf32>,
        %add3A_658 = arith.constant 30 : i32
        %add3A_659 = vector.broadcast %add3A_658 : i32 to vector<16xi32>
        %add3A_660 = arith.addi %add3A_282, %add3A_659 : vector<16xi32>
        tpu.vector_store_idx %arg8[%add3A_660], %get3A_636 : memref<16416xf32, #tpu.memory_space<vmem>>[vector<16xi32>], vector<16xf32>,
        %add3A_661 = arith.constant 30 : i32
        %add3A_662 = vector.broadcast %add3A_661 : i32 to vector<16xi32>
        %add3A_663 = arith.addi %add3A_286, %add3A_662 : vector<16xi32>
        tpu.vector_store_idx %arg8[%add3A_663], %get3A_639 : memref<16416xf32, #tpu.memory_space<vmem>>[vector<16xi32>], vector<16xf32>,
        %add3A_664 = arith.constant 31 : i32
        %add3A_665 = vector.broadcast %add3A_664 : i32 to vector<16xi32>
        %add3A_666 = arith.addi %add3A_282, %add3A_665 : vector<16xi32>
        tpu.vector_store_idx %arg8[%add3A_666], %get3A_642 : memref<16416xf32, #tpu.memory_space<vmem>>[vector<16xi32>], vector<16xf32>,
        %add3A_667 = arith.constant 31 : i32
        %add3A_668 = vector.broadcast %add3A_667 : i32 to vector<16xi32>
        %add3A_669 = arith.addi %add3A_286, %add3A_668 : vector<16xi32>
        tpu.vector_store_idx %arg8[%add3A_669], %get3A_645 : memref<16416xf32, #tpu.memory_space<vmem>>[vector<16xi32>], vector<16xf32>,
      }
      %scan3A_223 = arith.constant 16 : i32
      %scan3A_224 = arith.constant 0 : i32
      %scan3A_225 = arith.constant 0 : i32
      %scan3A_226 = arith.constant 32 : i32
      %scan3A_227 = arith.addi %scan3A_225, %scan3A_226 : i32
      %scan3A_228 = arith.constant 1 : i32
      scf.for %scan3A_278 = %scan3A_225 to %scan3A_227 step %scan3A_228  : i32 {
        %mul3A_279 = arith.constant 513 : i32
        %mul3A_280 = arith.muli %scan3A_278, %mul3A_279 : i32
        %add3A_281 = arith.constant 0 : i32
        %add3A_282 = arith.addi %mul3A_280, %add3A_281 : i32
        %get3A = arith.index_cast %add3A_282 : i32 to index
        %get3A_283 = tpu.vector_load %arg8[%get3A] {strides = array<i32>} : memref<16416xf32, #tpu.memory_space<vmem>>, vector<16xf32>,
        %mul3A_284 = arith.constant 513 : i32
        %mul3A_285 = arith.muli %scan3A_278, %mul3A_284 : i32
        %add3A_286 = arith.constant 0 : i32
        %add3A_287 = arith.addi %mul3A_285, %add3A_286 : i32
        %add3A_288 = arith.constant 16 : i32
        %add3A_289 = arith.addi %add3A_287, %add3A_288 : i32
        %get3A_290 = arith.index_cast %add3A_289 : i32 to index
        %get3A_291 = tpu.vector_load %arg8[%get3A_290] {strides = array<i32>} : memref<16416xf32, #tpu.memory_space<vmem>>, vector<16xf32>,
        %swap3A = arith.index_cast %scan3A_278 : i32 to index
        %swap3A_292 = arith.constant 0 : index
        %swap3A_293 = tpu.vector_load %arg10[%swap3A, %swap3A_292] {strides = array<i32>} : memref<32x512xf32, #tpu.memory_space<vmem>>, vector<16xf32>,
        tpu.vector_store %arg10[%swap3A, %swap3A_292], %get3A_283 {strides = array<i32>} : memref<32x512xf32, #tpu.memory_space<vmem>>, vector<16xf32>,
        %swap3A_294 = arith.index_cast %scan3A_278 : i32 to index
        %swap3A_295 = arith.constant 16 : index
        %swap3A_296 = tpu.vector_load %arg10[%swap3A_294, %swap3A_295] {strides = array<i32>} : memref<32x512xf32, #tpu.memory_space<vmem>>, vector<16xf32>,
        tpu.vector_store %arg10[%swap3A_294, %swap3A_295], %get3A_291 {strides = array<i32>} : memref<32x512xf32, #tpu.memory_space<vmem>>, vector<16xf32>,
        %mul3A_297 = arith.constant 513 : i32
        %mul3A_298 = arith.muli %scan3A_278, %mul3A_297 : i32
        %add3A_299 = arith.constant 32 : i32
        %add3A_300 = arith.addi %mul3A_298, %add3A_299 : i32
        %get3A_301 = arith.index_cast %add3A_300 : i32 to index
        %get3A_302 = tpu.vector_load %arg8[%get3A_301] {strides = array<i32>} : memref<16416xf32, #tpu.memory_space<vmem>>, vector<16xf32>,
        %mul3A_303 = arith.constant 513 : i32
        %mul3A_304 = arith.muli %scan3A_278, %mul3A_303 : i32
        %add3A_305 = arith.constant 32 : i32
        %add3A_306 = arith.addi %mul3A_304, %add3A_305 : i32
        %add3A_307 = arith.constant 16 : i32
        %add3A_308 = arith.addi %add3A_306, %add3A_307 : i32
        %get3A_309 = arith.index_cast %add3A_308 : i32 to index
        %get3A_310 = tpu.vector_load %arg8[%get3A_309] {strides = array<i32>} : memref<16416xf32, #tpu.memory_space<vmem>>, vector<16xf32>,
        %swap3A_311 = arith.index_cast %scan3A_278 : i32 to index
        %swap3A_312 = arith.constant 32 : index
        %swap3A_313 = tpu.vector_load %arg10[%swap3A_311, %swap3A_312] {strides = array<i32>} : memref<32x512xf32, #tpu.memory_space<vmem>>, vector<16xf32>,
        tpu.vector_store %arg10[%swap3A_311, %swap3A_312], %get3A_302 {strides = array<i32>} : memref<32x512xf32, #tpu.memory_space<vmem>>, vector<16xf32>,
        %swap3A_314 = arith.index_cast %scan3A_278 : i32 to index
        %swap3A_315 = arith.constant 48 : index
        %swap3A_316 = tpu.vector_load %arg10[%swap3A_314, %swap3A_315] {strides = array<i32>} : memref<32x512xf32, #tpu.memory_space<vmem>>, vector<16xf32>,
        tpu.vector_store %arg10[%swap3A_314, %swap3A_315], %get3A_310 {strides = array<i32>} : memref<32x512xf32, #tpu.memory_space<vmem>>, vector<16xf32>,
        %mul3A_317 = arith.constant 513 : i32
        %mul3A_318 = arith.muli %scan3A_278, %mul3A_317 : i32
        %add3A_319 = arith.constant 64 : i32
        %add3A_320 = arith.addi %mul3A_318, %add3A_319 : i32
        %get3A_321 = arith.index_cast %add3A_320 : i32 to index
        %get3A_322 = tpu.vector_load %arg8[%get3A_321] {strides = array<i32>} : memref<16416xf32, #tpu.memory_space<vmem>>, vector<16xf32>,
        %mul3A_323 = arith.constant 513 : i32
        %mul3A_324 = arith.muli %scan3A_278, %mul3A_323 : i32
        %add3A_325 = arith.constant 64 : i32
        %add3A_326 = arith.addi %mul3A_324, %add3A_325 : i32
        %add3A_327 = arith.constant 16 : i32
        %add3A_328 = arith.addi %add3A_326, %add3A_327 : i32
        %get3A_329 = arith.index_cast %add3A_328 : i32 to index
        %get3A_330 = tpu.vector_load %arg8[%get3A_329] {strides = array<i32>} : memref<16416xf32, #tpu.memory_space<vmem>>, vector<16xf32>,
        %swap3A_331 = arith.index_cast %scan3A_278 : i32 to index
        %swap3A_332 = arith.constant 64 : index
        %swap3A_333 = tpu.vector_load %arg10[%swap3A_331, %swap3A_332] {strides = array<i32>} : memref<32x512xf32, #tpu.memory_space<vmem>>, vector<16xf32>,
        tpu.vector_store %arg10[%swap3A_331, %swap3A_332], %get3A_322 {strides = array<i32>} : memref<32x512xf32, #tpu.memory_space<vmem>>, vector<16xf32>,
        %swap3A_334 = arith.index_cast %scan3A_278 : i32 to index
        %swap3A_335 = arith.constant 80 : index
        %swap3A_336 = tpu.vector_load %arg10[%swap3A_334, %swap3A_335] {strides = array<i32>} : memref<32x512xf32, #tpu.memory_space<vmem>>, vector<16xf32>,
        tpu.vector_store %arg10[%swap3A_334, %swap3A_335], %get3A_330 {strides = array<i32>} : memref<32x512xf32, #tpu.memory_space<vmem>>, vector<16xf32>,
        %mul3A_337 = arith.constant 513 : i32
        %mul3A_338 = arith.muli %scan3A_278, %mul3A_337 : i32
        %add3A_339 = arith.constant 96 : i32
        %add3A_340 = arith.addi %mul3A_338, %add3A_339 : i32
        %get3A_341 = arith.index_cast %add3A_340 : i32 to index
        %get3A_342 = tpu.vector_load %arg8[%get3A_341] {strides = array<i32>} : memref<16416xf32, #tpu.memory_space<vmem>>, vector<16xf32>,
        %mul3A_343 = arith.constant 513 : i32
        %mul3A_344 = arith.muli %scan3A_278, %mul3A_343 : i32
        %add3A_345 = arith.constant 96 : i32
        %add3A_346 = arith.addi %mul3A_344, %add3A_345 : i32
        %add3A_347 = arith.constant 16 : i32
        %add3A_348 = arith.addi %add3A_346, %add3A_347 : i32
        %get3A_349 = arith.index_cast %add3A_348 : i32 to index
        %get3A_350 = tpu.vector_load %arg8[%get3A_349] {strides = array<i32>} : memref<16416xf32, #tpu.memory_space<vmem>>, vector<16xf32>,
        %swap3A_351 = arith.index_cast %scan3A_278 : i32 to index
        %swap3A_352 = arith.constant 96 : index
        %swap3A_353 = tpu.vector_load %arg10[%swap3A_351, %swap3A_352] {strides = array<i32>} : memref<32x512xf32, #tpu.memory_space<vmem>>, vector<16xf32>,
        tpu.vector_store %arg10[%swap3A_351, %swap3A_352], %get3A_342 {strides = array<i32>} : memref<32x512xf32, #tpu.memory_space<vmem>>, vector<16xf32>,
        %swap3A_354 = arith.index_cast %scan3A_278 : i32 to index
        %swap3A_355 = arith.constant 112 : index
        %swap3A_356 = tpu.vector_load %arg10[%swap3A_354, %swap3A_355] {strides = array<i32>} : memref<32x512xf32, #tpu.memory_space<vmem>>, vector<16xf32>,
        tpu.vector_store %arg10[%swap3A_354, %swap3A_355], %get3A_350 {strides = array<i32>} : memref<32x512xf32, #tpu.memory_space<vmem>>, vector<16xf32>,
        %mul3A_357 = arith.constant 513 : i32
        %mul3A_358 = arith.muli %scan3A_278, %mul3A_357 : i32
        %add3A_359 = arith.constant 128 : i32
        %add3A_360 = arith.addi %mul3A_358, %add3A_359 : i32
        %get3A_361 = arith.index_cast %add3A_360 : i32 to index
        %get3A_362 = tpu.vector_load %arg8[%get3A_361] {strides = array<i32>} : memref<16416xf32, #tpu.memory_space<vmem>>, vector<16xf32>,
        %mul3A_363 = arith.constant 513 : i32
        %mul3A_364 = arith.muli %scan3A_278, %mul3A_363 : i32
        %add3A_365 = arith.constant 128 : i32
        %add3A_366 = arith.addi %mul3A_364, %add3A_365 : i32
        %add3A_367 = arith.constant 16 : i32
        %add3A_368 = arith.addi %add3A_366, %add3A_367 : i32
        %get3A_369 = arith.index_cast %add3A_368 : i32 to index
        %get3A_370 = tpu.vector_load %arg8[%get3A_369] {strides = array<i32>} : memref<16416xf32, #tpu.memory_space<vmem>>, vector<16xf32>,
        %swap3A_371 = arith.index_cast %scan3A_278 : i32 to index
        %swap3A_372 = arith.constant 128 : index
        %swap3A_373 = tpu.vector_load %arg10[%swap3A_371, %swap3A_372] {strides = array<i32>} : memref<32x512xf32, #tpu.memory_space<vmem>>, vector<16xf32>,
        tpu.vector_store %arg10[%swap3A_371, %swap3A_372], %get3A_362 {strides = array<i32>} : memref<32x512xf32, #tpu.memory_space<vmem>>, vector<16xf32>,
        %swap3A_374 = arith.index_cast %scan3A_278 : i32 to index
        %swap3A_375 = arith.constant 144 : index
        %swap3A_376 = tpu.vector_load %arg10[%swap3A_374, %swap3A_375] {strides = array<i32>} : memref<32x512xf32, #tpu.memory_space<vmem>>, vector<16xf32>,
        tpu.vector_store %arg10[%swap3A_374, %swap3A_375], %get3A_370 {strides = array<i32>} : memref<32x512xf32, #tpu.memory_space<vmem>>, vector<16xf32>,
        %mul3A_377 = arith.constant 513 : i32
        %mul3A_378 = arith.muli %scan3A_278, %mul3A_377 : i32
        %add3A_379 = arith.constant 160 : i32
        %add3A_380 = arith.addi %mul3A_378, %add3A_379 : i32
        %get3A_381 = arith.index_cast %add3A_380 : i32 to index
        %get3A_382 = tpu.vector_load %arg8[%get3A_381] {strides = array<i32>} : memref<16416xf32, #tpu.memory_space<vmem>>, vector<16xf32>,
        %mul3A_383 = arith.constant 513 : i32
        %mul3A_384 = arith.muli %scan3A_278, %mul3A_383 : i32
        %add3A_385 = arith.constant 160 : i32
        %add3A_386 = arith.addi %mul3A_384, %add3A_385 : i32
        %add3A_387 = arith.constant 16 : i32
        %add3A_388 = arith.addi %add3A_386, %add3A_387 : i32
        %get3A_389 = arith.index_cast %add3A_388 : i32 to index
        %get3A_390 = tpu.vector_load %arg8[%get3A_389] {strides = array<i32>} : memref<16416xf32, #tpu.memory_space<vmem>>, vector<16xf32>,
        %swap3A_391 = arith.index_cast %scan3A_278 : i32 to index
        %swap3A_392 = arith.constant 160 : index
        %swap3A_393 = tpu.vector_load %arg10[%swap3A_391, %swap3A_392] {strides = array<i32>} : memref<32x512xf32, #tpu.memory_space<vmem>>, vector<16xf32>,
        tpu.vector_store %arg10[%swap3A_391, %swap3A_392], %get3A_382 {strides = array<i32>} : memref<32x512xf32, #tpu.memory_space<vmem>>, vector<16xf32>,
        %swap3A_394 = arith.index_cast %scan3A_278 : i32 to index
        %swap3A_395 = arith.constant 176 : index
        %swap3A_396 = tpu.vector_load %arg10[%swap3A_394, %swap3A_395] {strides = array<i32>} : memref<32x512xf32, #tpu.memory_space<vmem>>, vector<16xf32>,
        tpu.vector_store %arg10[%swap3A_394, %swap3A_395], %get3A_390 {strides = array<i32>} : memref<32x512xf32, #tpu.memory_space<vmem>>, vector<16xf32>,
        %mul3A_397 = arith.constant 513 : i32
        %mul3A_398 = arith.muli %scan3A_278, %mul3A_397 : i32
        %add3A_399 = arith.constant 192 : i32
        %add3A_400 = arith.addi %mul3A_398, %add3A_399 : i32
        %get3A_401 = arith.index_cast %add3A_400 : i32 to index
        %get3A_402 = tpu.vector_load %arg8[%get3A_401] {strides = array<i32>} : memref<16416xf32, #tpu.memory_space<vmem>>, vector<16xf32>,
        %mul3A_403 = arith.constant 513 : i32
        %mul3A_404 = arith.muli %scan3A_278, %mul3A_403 : i32
        %add3A_405 = arith.constant 192 : i32
        %add3A_406 = arith.addi %mul3A_404, %add3A_405 : i32
        %add3A_407 = arith.constant 16 : i32
        %add3A_408 = arith.addi %add3A_406, %add3A_407 : i32
        %get3A_409 = arith.index_cast %add3A_408 : i32 to index
        %get3A_410 = tpu.vector_load %arg8[%get3A_409] {strides = array<i32>} : memref<16416xf32, #tpu.memory_space<vmem>>, vector<16xf32>,
        %swap3A_411 = arith.index_cast %scan3A_278 : i32 to index
        %swap3A_412 = arith.constant 192 : index
        %swap3A_413 = tpu.vector_load %arg10[%swap3A_411, %swap3A_412] {strides = array<i32>} : memref<32x512xf32, #tpu.memory_space<vmem>>, vector<16xf32>,
        tpu.vector_store %arg10[%swap3A_411, %swap3A_412], %get3A_402 {strides = array<i32>} : memref<32x512xf32, #tpu.memory_space<vmem>>, vector<16xf32>,
        %swap3A_414 = arith.index_cast %scan3A_278 : i32 to index
        %swap3A_415 = arith.constant 208 : index
        %swap3A_416 = tpu.vector_load %arg10[%swap3A_414, %swap3A_415] {strides = array<i32>} : memref<32x512xf32, #tpu.memory_space<vmem>>, vector<16xf32>,
        tpu.vector_store %arg10[%swap3A_414, %swap3A_415], %get3A_410 {strides = array<i32>} : memref<32x512xf32, #tpu.memory_space<vmem>>, vector<16xf32>,
        %mul3A_417 = arith.constant 513 : i32
        %mul3A_418 = arith.muli %scan3A_278, %mul3A_417 : i32
        %add3A_419 = arith.constant 224 : i32
        %add3A_420 = arith.addi %mul3A_418, %add3A_419 : i32
        %get3A_421 = arith.index_cast %add3A_420 : i32 to index
        %get3A_422 = tpu.vector_load %arg8[%get3A_421] {strides = array<i32>} : memref<16416xf32, #tpu.memory_space<vmem>>, vector<16xf32>,
        %mul3A_423 = arith.constant 513 : i32
        %mul3A_424 = arith.muli %scan3A_278, %mul3A_423 : i32
        %add3A_425 = arith.constant 224 : i32
        %add3A_426 = arith.addi %mul3A_424, %add3A_425 : i32
        %add3A_427 = arith.constant 16 : i32
        %add3A_428 = arith.addi %add3A_426, %add3A_427 : i32
        %get3A_429 = arith.index_cast %add3A_428 : i32 to index
        %get3A_430 = tpu.vector_load %arg8[%get3A_429] {strides = array<i32>} : memref<16416xf32, #tpu.memory_space<vmem>>, vector<16xf32>,
        %swap3A_431 = arith.index_cast %scan3A_278 : i32 to index
        %swap3A_432 = arith.constant 224 : index
        %swap3A_433 = tpu.vector_load %arg10[%swap3A_431, %swap3A_432] {strides = array<i32>} : memref<32x512xf32, #tpu.memory_space<vmem>>, vector<16xf32>,
        tpu.vector_store %arg10[%swap3A_431, %swap3A_432], %get3A_422 {strides = array<i32>} : memref<32x512xf32, #tpu.memory_space<vmem>>, vector<16xf32>,
        %swap3A_434 = arith.index_cast %scan3A_278 : i32 to index
        %swap3A_435 = arith.constant 240 : index
        %swap3A_436 = tpu.vector_load %arg10[%swap3A_434, %swap3A_435] {strides = array<i32>} : memref<32x512xf32, #tpu.memory_space<vmem>>, vector<16xf32>,
        tpu.vector_store %arg10[%swap3A_434, %swap3A_435], %get3A_430 {strides = array<i32>} : memref<32x512xf32, #tpu.memory_space<vmem>>, vector<16xf32>,
        %mul3A_437 = arith.constant 513 : i32
        %mul3A_438 = arith.muli %scan3A_278, %mul3A_437 : i32
        %add3A_439 = arith.constant 256 : i32
        %add3A_440 = arith.addi %mul3A_438, %add3A_439 : i32
        %get3A_441 = arith.index_cast %add3A_440 : i32 to index
        %get3A_442 = tpu.vector_load %arg8[%get3A_441] {strides = array<i32>} : memref<16416xf32, #tpu.memory_space<vmem>>, vector<16xf32>,
        %mul3A_443 = arith.constant 513 : i32
        %mul3A_444 = arith.muli %scan3A_278, %mul3A_443 : i32
        %add3A_445 = arith.constant 256 : i32
        %add3A_446 = arith.addi %mul3A_444, %add3A_445 : i32
        %add3A_447 = arith.constant 16 : i32
        %add3A_448 = arith.addi %add3A_446, %add3A_447 : i32
        %get3A_449 = arith.index_cast %add3A_448 : i32 to index
        %get3A_450 = tpu.vector_load %arg8[%get3A_449] {strides = array<i32>} : memref<16416xf32, #tpu.memory_space<vmem>>, vector<16xf32>,
        %swap3A_451 = arith.index_cast %scan3A_278 : i32 to index
        %swap3A_452 = arith.constant 256 : index
        %swap3A_453 = tpu.vector_load %arg10[%swap3A_451, %swap3A_452] {strides = array<i32>} : memref<32x512xf32, #tpu.memory_space<vmem>>, vector<16xf32>,
        tpu.vector_store %arg10[%swap3A_451, %swap3A_452], %get3A_442 {strides = array<i32>} : memref<32x512xf32, #tpu.memory_space<vmem>>, vector<16xf32>,
        %swap3A_454 = arith.index_cast %scan3A_278 : i32 to index
        %swap3A_455 = arith.constant 272 : index
        %swap3A_456 = tpu.vector_load %arg10[%swap3A_454, %swap3A_455] {strides = array<i32>} : memref<32x512xf32, #tpu.memory_space<vmem>>, vector<16xf32>,
        tpu.vector_store %arg10[%swap3A_454, %swap3A_455], %get3A_450 {strides = array<i32>} : memref<32x512xf32, #tpu.memory_space<vmem>>, vector<16xf32>,
        %mul3A_457 = arith.constant 513 : i32
        %mul3A_458 = arith.muli %scan3A_278, %mul3A_457 : i32
        %add3A_459 = arith.constant 288 : i32
        %add3A_460 = arith.addi %mul3A_458, %add3A_459 : i32
        %get3A_461 = arith.index_cast %add3A_460 : i32 to index
        %get3A_462 = tpu.vector_load %arg8[%get3A_461] {strides = array<i32>} : memref<16416xf32, #tpu.memory_space<vmem>>, vector<16xf32>,
        %mul3A_463 = arith.constant 513 : i32
        %mul3A_464 = arith.muli %scan3A_278, %mul3A_463 : i32
        %add3A_465 = arith.constant 288 : i32
        %add3A_466 = arith.addi %mul3A_464, %add3A_465 : i32
        %add3A_467 = arith.constant 16 : i32
        %add3A_468 = arith.addi %add3A_466, %add3A_467 : i32
        %get3A_469 = arith.index_cast %add3A_468 : i32 to index
        %get3A_470 = tpu.vector_load %arg8[%get3A_469] {strides = array<i32>} : memref<16416xf32, #tpu.memory_space<vmem>>, vector<16xf32>,
        %swap3A_471 = arith.index_cast %scan3A_278 : i32 to index
        %swap3A_472 = arith.constant 288 : index
        %swap3A_473 = tpu.vector_load %arg10[%swap3A_471, %swap3A_472] {strides = array<i32>} : memref<32x512xf32, #tpu.memory_space<vmem>>, vector<16xf32>,
        tpu.vector_store %arg10[%swap3A_471, %swap3A_472], %get3A_462 {strides = array<i32>} : memref<32x512xf32, #tpu.memory_space<vmem>>, vector<16xf32>,
        %swap3A_474 = arith.index_cast %scan3A_278 : i32 to index
        %swap3A_475 = arith.constant 304 : index
        %swap3A_476 = tpu.vector_load %arg10[%swap3A_474, %swap3A_475] {strides = array<i32>} : memref<32x512xf32, #tpu.memory_space<vmem>>, vector<16xf32>,
        tpu.vector_store %arg10[%swap3A_474, %swap3A_475], %get3A_470 {strides = array<i32>} : memref<32x512xf32, #tpu.memory_space<vmem>>, vector<16xf32>,
        %mul3A_477 = arith.constant 513 : i32
        %mul3A_478 = arith.muli %scan3A_278, %mul3A_477 : i32
        %add3A_479 = arith.constant 320 : i32
        %add3A_480 = arith.addi %mul3A_478, %add3A_479 : i32
        %get3A_481 = arith.index_cast %add3A_480 : i32 to index
        %get3A_482 = tpu.vector_load %arg8[%get3A_481] {strides = array<i32>} : memref<16416xf32, #tpu.memory_space<vmem>>, vector<16xf32>,
        %mul3A_483 = arith.constant 513 : i32
        %mul3A_484 = arith.muli %scan3A_278, %mul3A_483 : i32
        %add3A_485 = arith.constant 320 : i32
        %add3A_486 = arith.addi %mul3A_484, %add3A_485 : i32
        %add3A_487 = arith.constant 16 : i32
        %add3A_488 = arith.addi %add3A_486, %add3A_487 : i32
        %get3A_489 = arith.index_cast %add3A_488 : i32 to index
        %get3A_490 = tpu.vector_load %arg8[%get3A_489] {strides = array<i32>} : memref<16416xf32, #tpu.memory_space<vmem>>, vector<16xf32>,
        %swap3A_491 = arith.index_cast %scan3A_278 : i32 to index
        %swap3A_492 = arith.constant 320 : index
        %swap3A_493 = tpu.vector_load %arg10[%swap3A_491, %swap3A_492] {strides = array<i32>} : memref<32x512xf32, #tpu.memory_space<vmem>>, vector<16xf32>,
        tpu.vector_store %arg10[%swap3A_491, %swap3A_492], %get3A_482 {strides = array<i32>} : memref<32x512xf32, #tpu.memory_space<vmem>>, vector<16xf32>,
        %swap3A_494 = arith.index_cast %scan3A_278 : i32 to index
        %swap3A_495 = arith.constant 336 : index
        %swap3A_496 = tpu.vector_load %arg10[%swap3A_494, %swap3A_495] {strides = array<i32>} : memref<32x512xf32, #tpu.memory_space<vmem>>, vector<16xf32>,
        tpu.vector_store %arg10[%swap3A_494, %swap3A_495], %get3A_490 {strides = array<i32>} : memref<32x512xf32, #tpu.memory_space<vmem>>, vector<16xf32>,
        %mul3A_497 = arith.constant 513 : i32
        %mul3A_498 = arith.muli %scan3A_278, %mul3A_497 : i32
        %add3A_499 = arith.constant 352 : i32
        %add3A_500 = arith.addi %mul3A_498, %add3A_499 : i32
        %get3A_501 = arith.index_cast %add3A_500 : i32 to index
        %get3A_502 = tpu.vector_load %arg8[%get3A_501] {strides = array<i32>} : memref<16416xf32, #tpu.memory_space<vmem>>, vector<16xf32>,
        %mul3A_503 = arith.constant 513 : i32
        %mul3A_504 = arith.muli %scan3A_278, %mul3A_503 : i32
        %add3A_505 = arith.constant 352 : i32
        %add3A_506 = arith.addi %mul3A_504, %add3A_505 : i32
        %add3A_507 = arith.constant 16 : i32
        %add3A_508 = arith.addi %add3A_506, %add3A_507 : i32
        %get3A_509 = arith.index_cast %add3A_508 : i32 to index
        %get3A_510 = tpu.vector_load %arg8[%get3A_509] {strides = array<i32>} : memref<16416xf32, #tpu.memory_space<vmem>>, vector<16xf32>,
        %swap3A_511 = arith.index_cast %scan3A_278 : i32 to index
        %swap3A_512 = arith.constant 352 : index
        %swap3A_513 = tpu.vector_load %arg10[%swap3A_511, %swap3A_512] {strides = array<i32>} : memref<32x512xf32, #tpu.memory_space<vmem>>, vector<16xf32>,
        tpu.vector_store %arg10[%swap3A_511, %swap3A_512], %get3A_502 {strides = array<i32>} : memref<32x512xf32, #tpu.memory_space<vmem>>, vector<16xf32>,
        %swap3A_514 = arith.index_cast %scan3A_278 : i32 to index
        %swap3A_515 = arith.constant 368 : index
        %swap3A_516 = tpu.vector_load %arg10[%swap3A_514, %swap3A_515] {strides = array<i32>} : memref<32x512xf32, #tpu.memory_space<vmem>>, vector<16xf32>,
        tpu.vector_store %arg10[%swap3A_514, %swap3A_515], %get3A_510 {strides = array<i32>} : memref<32x512xf32, #tpu.memory_space<vmem>>, vector<16xf32>,
        %mul3A_517 = arith.constant 513 : i32
        %mul3A_518 = arith.muli %scan3A_278, %mul3A_517 : i32
        %add3A_519 = arith.constant 384 : i32
        %add3A_520 = arith.addi %mul3A_518, %add3A_519 : i32
        %get3A_521 = arith.index_cast %add3A_520 : i32 to index
        %get3A_522 = tpu.vector_load %arg8[%get3A_521] {strides = array<i32>} : memref<16416xf32, #tpu.memory_space<vmem>>, vector<16xf32>,
        %mul3A_523 = arith.constant 513 : i32
        %mul3A_524 = arith.muli %scan3A_278, %mul3A_523 : i32
        %add3A_525 = arith.constant 384 : i32
        %add3A_526 = arith.addi %mul3A_524, %add3A_525 : i32
        %add3A_527 = arith.constant 16 : i32
        %add3A_528 = arith.addi %add3A_526, %add3A_527 : i32
        %get3A_529 = arith.index_cast %add3A_528 : i32 to index
        %get3A_530 = tpu.vector_load %arg8[%get3A_529] {strides = array<i32>} : memref<16416xf32, #tpu.memory_space<vmem>>, vector<16xf32>,
        %swap3A_531 = arith.index_cast %scan3A_278 : i32 to index
        %swap3A_532 = arith.constant 384 : index
        %swap3A_533 = tpu.vector_load %arg10[%swap3A_531, %swap3A_532] {strides = array<i32>} : memref<32x512xf32, #tpu.memory_space<vmem>>, vector<16xf32>,
        tpu.vector_store %arg10[%swap3A_531, %swap3A_532], %get3A_522 {strides = array<i32>} : memref<32x512xf32, #tpu.memory_space<vmem>>, vector<16xf32>,
        %swap3A_534 = arith.index_cast %scan3A_278 : i32 to index
        %swap3A_535 = arith.constant 400 : index
        %swap3A_536 = tpu.vector_load %arg10[%swap3A_534, %swap3A_535] {strides = array<i32>} : memref<32x512xf32, #tpu.memory_space<vmem>>, vector<16xf32>,
        tpu.vector_store %arg10[%swap3A_534, %swap3A_535], %get3A_530 {strides = array<i32>} : memref<32x512xf32, #tpu.memory_space<vmem>>, vector<16xf32>,
        %mul3A_537 = arith.constant 513 : i32
        %mul3A_538 = arith.muli %scan3A_278, %mul3A_537 : i32
        %add3A_539 = arith.constant 416 : i32
        %add3A_540 = arith.addi %mul3A_538, %add3A_539 : i32
        %get3A_541 = arith.index_cast %add3A_540 : i32 to index
        %get3A_542 = tpu.vector_load %arg8[%get3A_541] {strides = array<i32>} : memref<16416xf32, #tpu.memory_space<vmem>>, vector<16xf32>,
        %mul3A_543 = arith.constant 513 : i32
        %mul3A_544 = arith.muli %scan3A_278, %mul3A_543 : i32
        %add3A_545 = arith.constant 416 : i32
        %add3A_546 = arith.addi %mul3A_544, %add3A_545 : i32
        %add3A_547 = arith.constant 16 : i32
        %add3A_548 = arith.addi %add3A_546, %add3A_547 : i32
        %get3A_549 = arith.index_cast %add3A_548 : i32 to index
        %get3A_550 = tpu.vector_load %arg8[%get3A_549] {strides = array<i32>} : memref<16416xf32, #tpu.memory_space<vmem>>, vector<16xf32>,
        %swap3A_551 = arith.index_cast %scan3A_278 : i32 to index
        %swap3A_552 = arith.constant 416 : index
        %swap3A_553 = tpu.vector_load %arg10[%swap3A_551, %swap3A_552] {strides = array<i32>} : memref<32x512xf32, #tpu.memory_space<vmem>>, vector<16xf32>,
        tpu.vector_store %arg10[%swap3A_551, %swap3A_552], %get3A_542 {strides = array<i32>} : memref<32x512xf32, #tpu.memory_space<vmem>>, vector<16xf32>,
        %swap3A_554 = arith.index_cast %scan3A_278 : i32 to index
        %swap3A_555 = arith.constant 432 : index
        %swap3A_556 = tpu.vector_load %arg10[%swap3A_554, %swap3A_555] {strides = array<i32>} : memref<32x512xf32, #tpu.memory_space<vmem>>, vector<16xf32>,
        tpu.vector_store %arg10[%swap3A_554, %swap3A_555], %get3A_550 {strides = array<i32>} : memref<32x512xf32, #tpu.memory_space<vmem>>, vector<16xf32>,
        %mul3A_557 = arith.constant 513 : i32
        %mul3A_558 = arith.muli %scan3A_278, %mul3A_557 : i32
        %add3A_559 = arith.constant 448 : i32
        %add3A_560 = arith.addi %mul3A_558, %add3A_559 : i32
        %get3A_561 = arith.index_cast %add3A_560 : i32 to index
        %get3A_562 = tpu.vector_load %arg8[%get3A_561] {strides = array<i32>} : memref<16416xf32, #tpu.memory_space<vmem>>, vector<16xf32>,
        %mul3A_563 = arith.constant 513 : i32
        %mul3A_564 = arith.muli %scan3A_278, %mul3A_563 : i32
        %add3A_565 = arith.constant 448 : i32
        %add3A_566 = arith.addi %mul3A_564, %add3A_565 : i32
        %add3A_567 = arith.constant 16 : i32
        %add3A_568 = arith.addi %add3A_566, %add3A_567 : i32
        %get3A_569 = arith.index_cast %add3A_568 : i32 to index
        %get3A_570 = tpu.vector_load %arg8[%get3A_569] {strides = array<i32>} : memref<16416xf32, #tpu.memory_space<vmem>>, vector<16xf32>,
        %swap3A_571 = arith.index_cast %scan3A_278 : i32 to index
        %swap3A_572 = arith.constant 448 : index
        %swap3A_573 = tpu.vector_load %arg10[%swap3A_571, %swap3A_572] {strides = array<i32>} : memref<32x512xf32, #tpu.memory_space<vmem>>, vector<16xf32>,
        tpu.vector_store %arg10[%swap3A_571, %swap3A_572], %get3A_562 {strides = array<i32>} : memref<32x512xf32, #tpu.memory_space<vmem>>, vector<16xf32>,
        %swap3A_574 = arith.index_cast %scan3A_278 : i32 to index
        %swap3A_575 = arith.constant 464 : index
        %swap3A_576 = tpu.vector_load %arg10[%swap3A_574, %swap3A_575] {strides = array<i32>} : memref<32x512xf32, #tpu.memory_space<vmem>>, vector<16xf32>,
        tpu.vector_store %arg10[%swap3A_574, %swap3A_575], %get3A_570 {strides = array<i32>} : memref<32x512xf32, #tpu.memory_space<vmem>>, vector<16xf32>,
        %mul3A_577 = arith.constant 513 : i32
        %mul3A_578 = arith.muli %scan3A_278, %mul3A_577 : i32
        %add3A_579 = arith.constant 480 : i32
        %add3A_580 = arith.addi %mul3A_578, %add3A_579 : i32
        %get3A_581 = arith.index_cast %add3A_580 : i32 to index
        %get3A_582 = tpu.vector_load %arg8[%get3A_581] {strides = array<i32>} : memref<16416xf32, #tpu.memory_space<vmem>>, vector<16xf32>,
        %mul3A_583 = arith.constant 513 : i32
        %mul3A_584 = arith.muli %scan3A_278, %mul3A_583 : i32
        %add3A_585 = arith.constant 480 : i32
        %add3A_586 = arith.addi %mul3A_584, %add3A_585 : i32
        %add3A_587 = arith.constant 16 : i32
        %add3A_588 = arith.addi %add3A_586, %add3A_587 : i32
        %get3A_589 = arith.index_cast %add3A_588 : i32 to index
        %get3A_590 = tpu.vector_load %arg8[%get3A_589] {strides = array<i32>} : memref<16416xf32, #tpu.memory_space<vmem>>, vector<16xf32>,
        %swap3A_591 = arith.index_cast %scan3A_278 : i32 to index
        %swap3A_592 = arith.constant 480 : index
        %swap3A_593 = tpu.vector_load %arg10[%swap3A_591, %swap3A_592] {strides = array<i32>} : memref<32x512xf32, #tpu.memory_space<vmem>>, vector<16xf32>,
        tpu.vector_store %arg10[%swap3A_591, %swap3A_592], %get3A_582 {strides = array<i32>} : memref<32x512xf32, #tpu.memory_space<vmem>>, vector<16xf32>,
        %swap3A_594 = arith.index_cast %scan3A_278 : i32 to index
        %swap3A_595 = arith.constant 496 : index
        %swap3A_596 = tpu.vector_load %arg10[%swap3A_594, %swap3A_595] {strides = array<i32>} : memref<32x512xf32, #tpu.memory_space<vmem>>, vector<16xf32>,
        tpu.vector_store %arg10[%swap3A_594, %swap3A_595], %get3A_590 {strides = array<i32>} : memref<32x512xf32, #tpu.memory_space<vmem>>, vector<16xf32>,
      }
      %scan3A_229 = arith.constant 32 : i32
      %jit3A_230 = arith.constant 64 : i32
      %div3A_231 = arith.divsi %add3A_200, %jit3A_230 : i32
      %sign3A_232 = arith.constant 0 : i32
      %sign3A_233 = arith.cmpi sgt, %add3A_200, %sign3A_232 : i32
      %sign3A_234 = arith.extui %sign3A_233 : i1 to i32
      %sign3A_235 = arith.constant 0 : i32
      %sign3A_236 = arith.cmpi slt, %add3A_200, %sign3A_235 : i32
      %sign3A_237 = arith.extui %sign3A_236 : i1 to i32
      %sign3A_238 = arith.subi %sign3A_234, %sign3A_237 : i32
      %sign3A_239 = arith.constant 0 : i32
      %sign3A_240 = arith.cmpi sgt, %jit3A_230, %sign3A_239 : i32
      %sign3A_241 = arith.extui %sign3A_240 : i1 to i32
      %sign3A_242 = arith.constant 0 : i32
      %sign3A_243 = arith.cmpi slt, %jit3A_230, %sign3A_242 : i32
      %sign3A_244 = arith.extui %sign3A_243 : i1 to i32
      %sign3A_245 = arith.subi %sign3A_241, %sign3A_244 : i32
      %ne3A_246 = arith.cmpi ne, %sign3A_238, %sign3A_245 : i32
      %rem3A_247 = arith.remsi %add3A_200, %jit3A_230 : i32
      %ne3A_248 = arith.constant 0 : i32
      %ne3A_249 = arith.cmpi ne, %rem3A_247, %ne3A_248 : i32
      %and3A_250 = arith.andi %ne3A_246, %ne3A_249 : i1
      %sub3A_251 = arith.constant 1 : i32
      %sub3A_252 = arith.subi %div3A_231, %sub3A_251 : i32
      %select_n3A_253 = arith.select %and3A_250, %sub3A_252, %div3A_231 : i32
      %jit3A_254 = arith.constant 64 : i32
      %eq3A_255 = arith.constant 0 : i32
      %eq3A_256 = arith.cmpi eq, %jit3A_254, %eq3A_255 : i32
      %jit3A_257 = arith.constant 1 : i32
      %select_n3A_258 = arith.select %eq3A_256, %jit3A_257, %jit3A_254 : i32
      %rem3A_259 = arith.remsi %add3A_200, %select_n3A_258 : i32
      %ne3A_260 = arith.constant 0 : i32
      %ne3A_261 = arith.cmpi ne, %rem3A_259, %ne3A_260 : i32
      %lt3A_262 = arith.constant 0 : i32
      %lt3A_263 = arith.cmpi slt, %rem3A_259, %lt3A_262 : i32
      %lt3A_264 = arith.constant 0 : i32
      %lt3A_265 = arith.cmpi slt, %select_n3A_258, %lt3A_264 : i32
      %ne3A_266 = arith.xori %lt3A_263, %lt3A_265 : i1
      %and3A_267 = arith.andi %ne3A_266, %ne3A_261 : i1
      %add3A_268 = arith.addi %rem3A_259, %select_n3A_258 : i32
      %select_n3A_269 = arith.select %and3A_267, %add3A_268, %rem3A_259 : i32
      %mul3A_270 = arith.constant 32 : i32
      %mul3A_271 = arith.muli %select_n3A_253, %mul3A_270 : i32
      %mul3A_272 = arith.constant 16 : i32
      %mul3A_273 = arith.muli %select_n3A_269, %mul3A_272 : i32
      %mul3A_274 = arith.constant 32 : i32
      %mul3A_275 = arith.muli %mul3A_273, %mul3A_274 : i32
      %dma_start3A_276 = tpu.memref_slice %arg4[%mul3A_271, %mul3A_275] : memref<832x32768xf32, #tpu.memory_space<hbm>> -> memref<32x512xf32, #tpu.memory_space<hbm>>
      %dma_start3A_277 = tpu.memref_slice %arg4[%mul3A_271, %mul3A_275] : memref<832x32768xf32, #tpu.memory_space<hbm>> -> memref<32x512xf32, #tpu.memory_space<hbm>>
      tpu.enqueue_dma source(%arg10 : memref<32x512xf32, #tpu.memory_space<vmem>>) target(%dma_start3A_277 : memref<32x512xf32, #tpu.memory_space<hbm>>) target_semaphore(%arg14 : memref<!tpu.dma_semaphore, #tpu.memory_space<semaphore_mem>>)
    }
    %scan3A_22 = arith.constant 26 : i32
    %add3A_23 = arith.constant 52 : i32
    %add3A_24 = arith.addi %mul3A_2, %add3A_23 : i32
    %sub3A = arith.constant 2 : i32
    %sub3A_25 = arith.subi %add3A_24, %sub3A : i32
    %jit3A = arith.constant 64 : i32
    %div3A = arith.divsi %sub3A_25, %jit3A : i32
    %sign3A = arith.constant 0 : i32
    %sign3A_26 = arith.cmpi sgt, %sub3A_25, %sign3A : i32
    %sign3A_27 = arith.extui %sign3A_26 : i1 to i32
    %sign3A_28 = arith.constant 0 : i32
    %sign3A_29 = arith.cmpi slt, %sub3A_25, %sign3A_28 : i32
    %sign3A_30 = arith.extui %sign3A_29 : i1 to i32
    %sign3A_31 = arith.subi %sign3A_27, %sign3A_30 : i32
    %sign3A_32 = arith.constant 0 : i32
    %sign3A_33 = arith.cmpi sgt, %jit3A, %sign3A_32 : i32
    %sign3A_34 = arith.extui %sign3A_33 : i1 to i32
    %sign3A_35 = arith.constant 0 : i32
    %sign3A_36 = arith.cmpi slt, %jit3A, %sign3A_35 : i32
    %sign3A_37 = arith.extui %sign3A_36 : i1 to i32
    %sign3A_38 = arith.subi %sign3A_34, %sign3A_37 : i32
    %ne3A = arith.cmpi ne, %sign3A_31, %sign3A_38 : i32
    %rem3A = arith.remsi %sub3A_25, %jit3A : i32
    %ne3A_39 = arith.constant 0 : i32
    %ne3A_40 = arith.cmpi ne, %rem3A, %ne3A_39 : i32
    %and3A = arith.andi %ne3A, %ne3A_40 : i1
    %sub3A_41 = arith.constant 1 : i32
    %sub3A_42 = arith.subi %div3A, %sub3A_41 : i32
    %select_n3A = arith.select %and3A, %sub3A_42, %div3A : i32
    %jit3A_43 = arith.constant 64 : i32
    %eq3A = arith.constant 0 : i32
    %eq3A_44 = arith.cmpi eq, %jit3A_43, %eq3A : i32
    %jit3A_45 = arith.constant 1 : i32
    %select_n3A_46 = arith.select %eq3A_44, %jit3A_45, %jit3A_43 : i32
    %rem3A_47 = arith.remsi %sub3A_25, %select_n3A_46 : i32
    %ne3A_48 = arith.constant 0 : i32
    %ne3A_49 = arith.cmpi ne, %rem3A_47, %ne3A_48 : i32
    %lt3A = arith.constant 0 : i32
    %lt3A_50 = arith.cmpi slt, %rem3A_47, %lt3A : i32
    %lt3A_51 = arith.constant 0 : i32
    %lt3A_52 = arith.cmpi slt, %select_n3A_46, %lt3A_51 : i32
    %ne3A_53 = arith.xori %lt3A_50, %lt3A_52 : i1
    %and3A_54 = arith.andi %ne3A_53, %ne3A_49 : i1
    %add3A_55 = arith.addi %rem3A_47, %select_n3A_46 : i32
    %select_n3A_56 = arith.select %and3A_54, %add3A_55, %rem3A_47 : i32
    %mul3A_57 = arith.constant 32 : i32
    %mul3A_58 = arith.muli %select_n3A, %mul3A_57 : i32
    %mul3A_59 = arith.constant 16 : i32
    %mul3A_60 = arith.muli %select_n3A_56, %mul3A_59 : i32
    %mul3A_61 = arith.constant 32 : i32
    %mul3A_62 = arith.muli %mul3A_60, %mul3A_61 : i32
    %dma_wait3A = tpu.memref_slice %arg4[%mul3A_58, %mul3A_62] : memref<832x32768xf32, #tpu.memory_space<hbm>> -> memref<32x512xf32, #tpu.memory_space<hbm>>
    %dma_wait3A_63 = tpu.memref_slice %arg4[%mul3A_58, %mul3A_62] : memref<832x32768xf32, #tpu.memory_space<hbm>> -> memref<32x512xf32, #tpu.memory_space<hbm>>
    tpu.wait_dma2 semaphore(%arg13 : memref<!tpu.dma_semaphore, #tpu.memory_space<semaphore_mem>>) src(%arg9 : memref<32x512xf32, #tpu.memory_space<vmem>>) dst(%dma_wait3A_63 : memref<32x512xf32, #tpu.memory_space<hbm>>)
    %add3A_64 = arith.constant 52 : i32
    %add3A_65 = arith.addi %mul3A_2, %add3A_64 : i32
    %sub3A_66 = arith.constant 1 : i32
    %sub3A_67 = arith.subi %add3A_65, %sub3A_66 : i32
    %jit3A_68 = arith.constant 64 : i32
    %div3A_69 = arith.divsi %sub3A_67, %jit3A_68 : i32
    %sign3A_70 = arith.constant 0 : i32
    %sign3A_71 = arith.cmpi sgt, %sub3A_67, %sign3A_70 : i32
    %sign3A_72 = arith.extui %sign3A_71 : i1 to i32
    %sign3A_73 = arith.constant 0 : i32
    %sign3A_74 = arith.cmpi slt, %sub3A_67, %sign3A_73 : i32
    %sign3A_75 = arith.extui %sign3A_74 : i1 to i32
    %sign3A_76 = arith.subi %sign3A_72, %sign3A_75 : i32
    %sign3A_77 = arith.constant 0 : i32
    %sign3A_78 = arith.cmpi sgt, %jit3A_68, %sign3A_77 : i32
    %sign3A_79 = arith.extui %sign3A_78 : i1 to i32
    %sign3A_80 = arith.constant 0 : i32
    %sign3A_81 = arith.cmpi slt, %jit3A_68, %sign3A_80 : i32
    %sign3A_82 = arith.extui %sign3A_81 : i1 to i32
    %sign3A_83 = arith.subi %sign3A_79, %sign3A_82 : i32
    %ne3A_84 = arith.cmpi ne, %sign3A_76, %sign3A_83 : i32
    %rem3A_85 = arith.remsi %sub3A_67, %jit3A_68 : i32
    %ne3A_86 = arith.constant 0 : i32
    %ne3A_87 = arith.cmpi ne, %rem3A_85, %ne3A_86 : i32
    %and3A_88 = arith.andi %ne3A_84, %ne3A_87 : i1
    %sub3A_89 = arith.constant 1 : i32
    %sub3A_90 = arith.subi %div3A_69, %sub3A_89 : i32
    %select_n3A_91 = arith.select %and3A_88, %sub3A_90, %div3A_69 : i32
    %jit3A_92 = arith.constant 64 : i32
    %eq3A_93 = arith.constant 0 : i32
    %eq3A_94 = arith.cmpi eq, %jit3A_92, %eq3A_93 : i32
    %jit3A_95 = arith.constant 1 : i32
    %select_n3A_96 = arith.select %eq3A_94, %jit3A_95, %jit3A_92 : i32
    %rem3A_97 = arith.remsi %sub3A_67, %select_n3A_96 : i32
    %ne3A_98 = arith.constant 0 : i32
    %ne3A_99 = arith.cmpi ne, %rem3A_97, %ne3A_98 : i32
    %lt3A_100 = arith.constant 0 : i32
    %lt3A_101 = arith.cmpi slt, %rem3A_97, %lt3A_100 : i32
    %lt3A_102 = arith.constant 0 : i32
    %lt3A_103 = arith.cmpi slt, %select_n3A_96, %lt3A_102 : i32
    %ne3A_104 = arith.xori %lt3A_101, %lt3A_103 : i1
    %and3A_105 = arith.andi %ne3A_104, %ne3A_99 : i1
    %add3A_106 = arith.addi %rem3A_97, %select_n3A_96 : i32
    %select_n3A_107 = arith.select %and3A_105, %add3A_106, %rem3A_97 : i32
    %mul3A_108 = arith.constant 32 : i32
    %mul3A_109 = arith.muli %select_n3A_91, %mul3A_108 : i32
    %mul3A_110 = arith.constant 16 : i32
    %mul3A_111 = arith.muli %select_n3A_107, %mul3A_110 : i32
    %mul3A_112 = arith.constant 32 : i32
    %mul3A_113 = arith.muli %mul3A_111, %mul3A_112 : i32
    %dma_wait3A_114 = tpu.memref_slice %arg4[%mul3A_109, %mul3A_113] : memref<832x32768xf32, #tpu.memory_space<hbm>> -> memref<32x512xf32, #tpu.memory_space<hbm>>
    %dma_wait3A_115 = tpu.memref_slice %arg4[%mul3A_109, %mul3A_113] : memref<832x32768xf32, #tpu.memory_space<hbm>> -> memref<32x512xf32, #tpu.memory_space<hbm>>
    tpu.wait_dma2 semaphore(%arg14 : memref<!tpu.dma_semaphore, #tpu.memory_space<semaphore_mem>>) src(%arg10 : memref<32x512xf32, #tpu.memory_space<vmem>>) dst(%dma_wait3A_115 : memref<32x512xf32, #tpu.memory_space<hbm>>)
    return
  }
}

</mosaic_0001>

<sc_bundles>
// kernel: kernel.3.cloned.1.call-start
scs
__scs_entry_jumppad:
0x0: {  	(pc) =	sbr.rel $0x88, $3  }
0x1: {  	(tag) =	ssettag $0x0;
	lr =	simm.s32 $0x1  }
0x2: {  	[smem:$0x3F9F] =	sst lr;
	_ =	strace $0xD0000000  }
0x3: {  	_ = 	snop  }
0x4: {  	_ = 	snop  }
0x5: {  	_ = 	snop  }
0x6: {  	_ = 	snop  }
0x7: {  	_ = 	snop  }
__scs_overlays_trampoline_lowered:
0x8: {  	[smem:$0x3FAE] =	sst s0  }
0x9: {  	[smem:$0x3FAF] =	sst s1  }
0xa: {  	[smem:$0x3FB0] =	sst s2  }
0xb: {  	[smem:$0x3FB1] =	sst s3  }
0xc: {  	[smem:$0x3FB2] =	sst s4  }
0xd: {  	[smem:$0x3FB3] =	sst s5  }
0xe: {  	[smem:$0x3FB4] =	sst s6  }
0xf: {  	[smem:$0x3FB5] =	sst s7  }
0x10: {  	[smem:$0x3FB6] =	sst s8  }
0x11: {  	[smem:$0x3FB7] =	sst s9;
	s0 =	simm.s32 @!p0 $0x0  }
0x12: {  	s1 =	sld [smem:$0x3F9D];
	s0 =	simm.s32 @p0 $0x1  }
0x13: {  	[smem:$0x3FB8] =	sst s0;
	s0 =	simm.s32 @!p1 $0x0  }
0x14: {  	s2 =	sld [smem:$0x3F9C];
	s0 =	simm.s32 @p1 $0x1  }
0x15: {  	[smem:$0x3FB9] =	sst s0;
	s0 =	simm.s32 @!p2 $0x0  }
0x16: {  	s3 =	sld [smem:$0x3FDB];
	s0 =	simm.s32 @p2 $0x1  }
0x17: {  	s4 =	simm.s32 $0x1BF5;
	[smem:$0x3FBB] =	sst s0  }
0x18: {  	s0 =	sld [smem:$0x3F9E];
	_ =	swait.ge [sflag:s4], $0x0  }
0x19: {  	s7 =	sld [smem:$0x3F9F]  }
0x1a: {  	s8 =	sadd.s32 $0xFFFFE003, lr  }
0x1b: {  	s9 =	sadd.s32 $0xFFFFFEF7, lr;
	s5 =	simm.s32 $0xFFFFFFFF;
	p2 =	slt.u32 s8, $0xFFFFF086  }
0x1c: {  	p1 =	slt.u32 s9, $0xF7A;
	s5 =	simm.s32 @!p2 $0x0  }
0x1d: {  	s5 =	simm.s32 @p1 $0x1;
	p0 =	seq.s32 s7, s2  }
0x1e: {  	s7 =	smul.u32 @!p0 $0xF7A, s2;
	p2 =	seq.s32 @!p0 s5, $0x0  }
0x1f: {  	s9 =	smul.u32 $0xF7A, s1;
	s8 =	simm.s32 @!p0 $0x1BF5;
	p2 =	por !p2, p0  }
0x20: {  	[sflag:s8] =	ssyncset.s32 @!p0 $0xFFFFF086;
	s6 =	sadd.s32 @!p0 s3, s7;
	s7 =	simm.s32 @!p0 $0x108  }
0x21: {  	s3 =	sadd.s32 s3, s9;
	s6 =	sadd.s32 @!p0 $0x88, s6;
	s7 =	simm.s32 @p2 $0x1082  }
0x22: {  	[simem:s7], [sflag:s8] =	dma.local @!p0 [hbm:s6], $0xF7A  }
0x23: {  	s9 =	sor.u32 $0xD0000000, s2;
	s6 =	simm.s32 $0x108;
	_ =	swait.ge @!p0 [sflag:s8], $0x0  }
0x24: {  	s3 =	sadd.s32 $0x88, s3;
	s6 =	simm.s32 @!p1 $0x1082;
	[sflag:s4] =	ssyncset.s32 $0xFFFFF086  }
0x25: {  	[simem:s6], [sflag:s4] =	dma.local [hbm:s3], $0xF7A  }
0x26: {  	[smem:$0x3F9F] =	sst s1;
	(tag) =	ssettag s2;
	_ =	strace s9  }
0x27: {  	s1 =	sld [smem:$0x3FAF]  }
0x28: {  	s2 =	sld [smem:$0x3FB0]  }
0x29: {  	s4 =	sld [smem:$0x3FB2]  }
0x2a: {  	p0 =	seq.s32 s5, $0x0;
	s5 =	sld [smem:$0x3FB3]  }
0x2b: {  	s6 =	sld [smem:$0x3FB4]  }
0x2c: {  	s7 =	sld [smem:$0x3FB5]  }
0x2d: {  	s3 =	simm.s32 $0x108;
	s8 =	sld [smem:$0x3FB6]  }
0x2e: {  	s3 =	simm.s32 @!p0 $0x1082;
	s9 =	sld [smem:$0x3FB7]  }
0x2f: {  	lr =	sadd.s32 s0, s3;
	s0 =	sld [smem:$0x3FAE]  }
0x30: {  	s3 =	sld [smem:$0x3FB1]  }
0x31: {  	[smem:$0x3FBA] =	sst s10  }
0x32: {  	s10 =	sld [smem:$0x3FB8];
	_ =	sdelay $0x3  }
0x33: {  	p0 =	seq.s32 s10, $0x1;
	s10 =	sld [smem:$0x3FBA];
	_ =	sdelay $0x3  }
0x34: {  	[smem:$0x3FBA] =	sst s10  }
0x35: {  	s10 =	sld [smem:$0x3FB9];
	_ =	sdelay $0x3  }
0x36: {  	p1 =	seq.s32 s10, $0x1;
	s10 =	sld [smem:$0x3FBA];
	_ =	sdelay $0x3  }
0x37: {  	[smem:$0x3FBA] =	sst s10  }
0x38: {  	s10 =	sld [smem:$0x3FBB]  }
0x39: {  	_ = 	snop;
	(pc) =	sbr.ind lr, $3  }
0x3a: {  	_ = 	snop  }
0x3b: {  	_ = 	snop  }
0x3c: {  	p2 =	seq.s32 s10, $0x1;
	s10 =	sld [smem:$0x3FBA]  }
0x3d: {  	_ =	shalt  }
0x3e: {  	_ =	shalt  }
0x3f: {  	_ =	shalt  }
0x40: {  	_ =	shalt  }
0x41: {  	_ =	shalt  }
0x42: {  	_ =	shalt  }
0x43: {  	_ =	shalt  }
0x44: {  	_ =	shalt  }
0x45: {  	_ =	shalt  }
0x46: {  	_ =	shalt  }
0x47: {  	_ =	shalt  }
0x48: {  	_ =	shalt  }
0x49: {  	_ =	shalt  }
0x4a: {  	_ =	shalt  }
0x4b: {  	_ =	shalt  }
0x4c: {  	_ =	shalt  }
0x4d: {  	_ =	shalt  }
0x4e: {  	_ =	shalt  }
0x4f: {  	_ =	shalt  }
0x50: {  	_ =	shalt  }
0x51: {  	_ =	shalt  }
0x52: {  	_ =	shalt  }
0x53: {  	_ =	shalt  }
0x54: {  	_ =	shalt  }
0x55: {  	_ =	shalt  }
0x56: {  	_ =	shalt  }
0x57: {  	_ =	shalt  }
0x58: {  	_ =	shalt  }
0x59: {  	_ =	shalt  }
0x5a: {  	_ =	shalt  }
0x5b: {  	_ =	shalt  }
0x5c: {  	_ =	shalt  }
0x5d: {  	_ =	shalt  }
0x5e: {  	_ =	shalt  }
0x5f: {  	_ =	shalt  }
0x60: {  	_ =	shalt  }
0x61: {  	_ =	shalt  }
0x62: {  	_ =	shalt  }
0x63: {  	_ =	shalt  }
0x64: {  	_ =	shalt  }
0x65: {  	_ =	shalt  }
0x66: {  	_ =	shalt  }
0x67: {  	_ =	shalt  }
0x68: {  	_ =	shalt  }
0x69: {  	_ =	shalt  }
0x6a: {  	_ =	shalt  }
0x6b: {  	_ =	shalt  }
0x6c: {  	_ =	shalt  }
0x6d: {  	_ =	shalt  }
0x6e: {  	_ =	shalt  }
0x6f: {  	_ =	shalt  }
0x70: {  	_ =	shalt  }
0x71: {  	_ =	shalt  }
0x72: {  	_ =	shalt  }
0x73: {  	_ =	shalt  }
0x74: {  	_ =	shalt  }
0x75: {  	_ =	shalt  }
0x76: {  	_ =	shalt  }
0x77: {  	_ =	shalt  }
0x78: {  	_ =	shalt  }
0x79: {  	_ =	shalt  }
0x7a: {  	_ =	shalt  }
0x7b: {  	_ =	shalt  }
0x7c: {  	_ =	shalt  }
0x7d: {  	_ =	shalt  }
0x7e: {  	_ =	shalt  }
0x7f: {  	_ =	shalt  }
0x80: {  	_ =	shalt  }
0x81: {  	_ =	shalt  }
0x82: {  	_ =	shalt  }
0x83: {  	_ =	shalt  }
0x84: {  	_ =	shalt  }
0x85: {  	_ =	shalt  }
0x86: {  	_ =	shalt  }
0x87: {  	_ =	shalt  }
.Lfunc_end0:
.L_simem_size_0:
called_computation_lowered:
.L_overlay_start_0:
0x88: {  	s2 =	sld [smem:$0x3FD9]  }
0x89: {  	s3 =	sld [smem:$0x3FFE];
	_ =	sdelay $0x1  }
0x8a: {  	s1 =	srdreg.scid  }
0x8b: {  	s0 =	sand.u32 $0x1, s1  }
0x8c: {  	s17 =	sshll.u32 s0, $0xA;
	s2 =	sadd.s32 s3, s2  }
0x8d: {  	s2 =	sadd.s32 s2, s17  }
0x8e: {  	[smem:$0x3FC6] =	sst s2  }
0x8f: {  	_ = 	snop  }
0x90: {  	s2 =	sld [smem:$0x3FD0];
	(tm) =	ssettm $0x1  }
0x91: {  	s18 =	sld [smem:$0x3FFB];
	_ =	sdelay $0x3  }
0x92: {  	_ =	strace s18  }
0x93: {  	s3 =	sld [smem:$0x3FFC];
	_ =	sdelay $0x3  }
0x94: {  	_ =	strace s3  }
0x95: {  	s3 =	sld [smem:$0x3FFD];
	_ =	sdelay $0x3  }
0x96: {  	_ =	strace s3  }
0x97: {  	_ =	strace $0x8FFFFFFF  }
0x98: {  	s19 =	sld [smem:$0x3FDB];
	_ =	sdelay $0x1  }
0x99: {  	s4 =	simm.s32 $_scs_section_size  }
0x9a: {  	s5 =	simm.s32 $_size__tile_overlayer_lowered;
	s6 =	simm.s32 $_tile_overlayer_lowered  }
0x9b: {  	s22 =	simm.s32 $0x1BFF;
	s21 =	sshll.u32 s6, $0x1;
	s3 =	sadd.s32 s4, s19  }
0x9c: {  	s7 =	simm.s32 $0x0;
	s20 =	sshll.u32 s5, $0x1;
	s5 =	sadd.s32 s21, s3  }
0x9d: {  	[timem:s7], [sflag:s22] =	dma.local [hbm:s5], s20  }
0x9e: {  	_ =	swait.ge [sflag:s22], s20  }
0x9f: {  	s4 =	ssub.s32 $0x0, s20;
	[sflag:s22] =	ssyncset.done $0x0  }
0xa0: {  	[sflag:s22] =	ssyncadd.s32 s4;
	_ =	sdelay $0x1  }
0xa1: {  	s23 =	simm.s32 $0x1B8B  }
0xa2: {  	_ =	swait.ge [sflag:s23], $0x1  }
0xa3: {  	[sflag:s23] =	ssyncset.done $0x0  }
0xa4: {  	s25 =	simm.s32 $0x1B8E;
	s24 =	sld [smem:$0x3FFE];
	[sflag:s23] =	ssyncadd.s32 $0xFFFFFFFF  }
0xa5: {  	s26 =	simm.s32 $execute0_lowered;
	[smem:$0x3FD2] =	sst s25  }
0xa6: {  	s5 =	sshll.u32 s26, $0x1;
	_ =	strace $0x80000046;
	[dreg:$0x1] =	wrdreg $0xFFFFFFFF  }
0xa7: {  	s28 =	simm.s32 $_size_execute0_lowered;
	s3 =	sadd.s32 s3, s5;
	[dreg:$0x0] =	wrdreg $0x0  }
0xa8: {  	s5 =	sshll.u32 s28, $0x1;
	[dreg:$0x2] =	wrdreg s3  }
0xa9: {  	[dreg:$0x3] =	wrdreg s5  }
0xaa: {  	[dreg:$0x4] =	wrdreg $0xC0  }
0xab: {  	_ =	task [dreg:s7], $0x5FFFF  }
0xac: {  	[dreg:$0x1] =	wrdreg $0xFFFFFFFF  }
0xad: {  	[dreg:$0x0] =	wrdreg $0x60  }
0xae: {  	[dreg:$0x2] =	wrdreg s24  }
0xaf: {  	[dreg:$0x3] =	wrdreg s2  }
0xb0: {  	[dreg:$0x4] =	wrdreg $0x9  }
0xb1: {  	_ =	task.clear_ibuf [dreg:s7], $0x5FFFF;
	_ =	strace $0x90000046  }
0xb2: {  	s29 =	simm.s32 $0x9;
	_ =	strace $0x80000048  }
0xb3: {  	_ =	swait.ge [sflag:s29], $0x1  }
0xb4: {  	[sflag:s29] =	ssyncadd.s32 $0xFFFFFFFF  }
0xb5: {  	_ =	strace $0x90000048  }
0xb6: {  	_ =	sfence  }
0xb7: {  	s30 =	sld [smem:$0x0];
	_ =	sdelay $0x2  }
0xb8: {  	s31 =	sshll.u32 s1, $0xD;
	s1 =	sshrl.u32 s1, $0x2  }
0xb9: {  	s3 =	sand.u32 $0x4000, s31;
	s1 =	sadd.s32 s1, s30  }
0xba: {  	s0 =	sor.u32 s3, s0;
	s1 =	sshll.u32 s1, $0x11  }
0xbb: {  	s0 =	sor.u32 s1, s0  }
0xbc: {  	s0 =	sadd.s32 $0x8F2B, s0  }
0xbd: {  	[sflag:s0] =	ssyncadd.remote.s32 $0x1  }
0xbe: {  	_ =	sfence.sel $0xFFFF  }
0xbf: {  	[dreg:$0x0] =	wrdreg $0xFFFFFFFF;
	(pc) =	sbr.abs _section_cstart, $3  }
0xc0: {  	[dreg:$0x1] =	wrdreg $0xFFFFFFFF  }
0xc1: {  	_ =	task.clear_ibuf [dreg:s7], $0x2FFFF;
	_ =	strace $0x9FFFFFFF  }
0xc2: {  	(tm) =	ssettm $0x7FFFFFFF  }
0xc3: {  	_ =	shalt  }
tec
execute0_lowered:
.L_overlay_start_1:
0x0: {  	(tag) =	ssettag $0x1  }
0x1: {  	v1 =	vlaneseq.u32  }
0x2: {  	v2 =	vshrl.u32 v1, $0x3;
	v3 =	vand.u32 $0x7, v1  }
0x3: {  	s3 =	stileid.u32;
	v0 =	vmul.u32 $0x201, v1;
	v1 =	vor.u32 $0x8, v1;
	[tilespmem:$0x1FD30] =	vst v3;
	v2 =	vmul.u32 $0x8, v2  }
0x4: {  	s0 =	rddreg [dreg:$0x0];
	s4 =	sshll.u32 s3, $0x1;
	s3 =	simm.s32 $0x0;
	[tilespmem:$0x1FD50] =	vst v1  }
0x5: {  	[smem:$0x7FF] =	sst s3;
	v1 =	vadd.s32 $0x1A, v0;
	[tilespmem:$0x1FD40] =	vst v2  }
0x6: {  	s2 =	rddreg [dreg:$0x1];
	v6 =	vadd.s32 $0x2, v0;
	_ =	strace $0x80000047;
	[tilespmem:$0x1FD60] =	vst v1  }
0x7: {  	v23 =	vadd.s32 $0x2012, v0;
	[tilespmem:$0x1FD80] =	vst v6  }
0x8: {  	v31 =	vadd.s32 $0x3, v0;
	[tilespmem:$0x1FD90] =	vst v23  }
0x9: {  	v19 =	vadd.s32 $0x2013, v0;
	[tilespmem:$0x1FDA0] =	vst v31  }
0xa: {  	v33 =	vadd.s32 $0x4, v0;
	[tilespmem:$0x1FDB0] =	vst v19  }
0xb: {  	v25 =	vadd.s32 $0x2014, v0;
	[tilespmem:$0x1FDC0] =	vst v33  }
0xc: {  	v35 =	vadd.s32 $0x5, v0;
	[tilespmem:$0x1FDD0] =	vst v25  }
0xd: {  	v21 =	vadd.s32 $0x2015, v0;
	[tilespmem:$0x1FDE0] =	vst v35  }
0xe: {  	v38 =	vadd.s32 $0x6, v0;
	[tilespmem:$0x1FDF0] =	vst v21  }
0xf: {  	v39 =	vadd.s32 $0x2016, v0;
	[tilespmem:$0x1FE00] =	vst v38  }
0x10: {  	v40 =	vadd.s32 $0x7, v0;
	[tilespmem:$0x1FE10] =	vst v39  }
0x11: {  	v41 =	vadd.s32 $0x2017, v0;
	[tilespmem:$0x1FE20] =	vst v40  }
0x12: {  	v42 =	vadd.s32 $0x8, v0;
	[tilespmem:$0x1FE30] =	vst v41  }
0x13: {  	v43 =	vadd.s32 $0x2018, v0;
	[tilespmem:$0x1FE40] =	vst v42  }
0x14: {  	v44 =	vadd.s32 $0x9, v0;
	[tilespmem:$0x1FE50] =	vst v43  }
0x15: {  	v45 =	vadd.s32 $0x2019, v0;
	[tilespmem:$0x1FE60] =	vst v44  }
0x16: {  	v46 =	vadd.s32 $0xA, v0;
	[tilespmem:$0x1FE70] =	vst v45  }
0x17: {  	v47 =	vadd.s32 $0x201A, v0;
	[tilespmem:$0x1FE80] =	vst v46  }
0x18: {  	v48 =	vadd.s32 $0xB, v0;
	[tilespmem:$0x1FE90] =	vst v47  }
0x19: {  	v49 =	vadd.s32 $0x201B, v0;
	[tilespmem:$0x1FEA0] =	vst v48  }
0x1a: {  	v50 =	vadd.s32 $0xC, v0;
	[tilespmem:$0x1FEB0] =	vst v49  }
0x1b: {  	v52 =	vadd.s32 $0x201C, v0;
	[tilespmem:$0x1FEC0] =	vst v50  }
0x1c: {  	v51 =	vadd.s32 $0xD, v0;
	[tilespmem:$0x1FED0] =	vst v52  }
0x1d: {  	v53 =	vadd.s32 $0x201D, v0;
	[tilespmem:$0x1FEE0] =	vst v51  }
0x1e: {  	v54 =	vadd.s32 $0xE, v0;
	[tilespmem:$0x1FEF0] =	vst v53  }
0x1f: {  	v55 =	vadd.s32 $0x201E, v0;
	[tilespmem:$0x1FF00] =	vst v54  }
0x20: {  	v56 =	vadd.s32 $0xF, v0;
	[tilespmem:$0x1FF10] =	vst v55  }
0x21: {  	v37 =	vadd.s32 $0x201F, v0;
	[tilespmem:$0x1FF20] =	vst v56  }
0x22: {  	v27 =	vadd.s32 $0x10, v0;
	[tilespmem:$0x1FF30] =	vst v37  }
0x23: {  	v20 =	vadd.s32 $0x2020, v0;
	[tilespmem:$0x1FF40] =	vst v27  }
0x24: {  	v5 =	vadd.s32 $0x11, v0;
	[tilespmem:$0x1FF50] =	vst v20  }
0x25: {  	v29 =	vadd.s32 $0x2021, v0;
	[tilespmem:$0x1FF60] =	vst v5  }
0x26: {  	s1 =	srdreg.scid;
	s24 =	simm.s32 $0x6380;
	s28 =	simm.s32 $0x7B80;
	v58 =	vadd.s32 $0x2022, v0;
	[tilespmem:$0x1FF70] =	vst v29  }
0x27: {  	s29 =	simm.s32 $0x1;
	s30 =	simm.s32 $0x8380;
	s31 =	simm.s32 $0x1000;
	v57 =	vadd.s32 $0x12, v0;
	[tilespmem:$0x1FF80] =	vst v58  }
0x28: {  	s10 =	simm.s32 $0x4;
	s11 =	simm.s32 $0x10400;
	s1 =	sand.u32 $0x1, s1;
	v59 =	vadd.s32 $0x13, v0;
	[tilespmem:$0x1FF90] =	vst v57  }
0x29: {  	s13 =	simm.s32 $0x0;
	s5 =	sor.u32 s1, s4;
	s1 =	ssub.s32 $0x2, s1;
	v60 =	vadd.s32 $0x2023, v0;
	[tilespmem:$0x1FFA0] =	vst v59  }
0x2a: {  	vm0 =	vmmov $0xffff;
	s8 =	sadd.s32 $0x1400, s0;
	s4 =	smul.u32 $0x68, s5;
	s6 =	sshrl.u32 s1, $0x1;
	v61 =	vadd.s32 $0x14, v0;
	[tilespmem:$0x1FFB0] =	vst v60  }
0x2b: {  	s9 =	sadd.s32 $0x1500, s0;
	v16 =	vadd.s32 $0x2010, v0;
	v17 =	vadd.s32 $0x1, v0;
	s5 =	smul.u32 $0x34, s5;
	v62 =	vadd.s32 $0x2024, v0;
	s1 =	ssub.s32 s1, s6;
	[tilespmem:$0x1FFC0] =	vst v61  }
0x2c: {  	v18 =	vadd.s32 $0x2011, v0;
	v7 =	vadd.s32 $0x15, v0;
	v22 =	vadd.s32 $0x2029, v0;
	s6 =	simm.s32 $0x2;
	s7 =	sadd.s32 s4, s0;
	s4 =	sadd.s32 $0x1200, s0;
	[tilespmem:$0x1FFD0] =	vst v62  }
0x2d: {  	v8 =	vadd.s32 $0x2025, v0;
	v9 =	vadd.s32 $0x16, v0;
	v10 =	vadd.s32 $0x2026, v0;
	s26 =	smax.u32 s1, $0x1;
	s1 =	simm.s32 $0x40000;
	[tilespmem:$0x1FFE0] =	vst v22;
	s25 =	sadd.s32 $0x400, s7  }
0x2e: {  	v11 =	vadd.s32 $0x17, v0;
	v12 =	vadd.s32 $0x2027, v0;
	v1 =	vadd.s32 $0x202A, v0;
	[tilespmem:$0x1FFF0] =	vst v7;
	s7 =	sadd.s32 $0x1300, s0;
	[dreg:$0x4] =	wrdreg s26;
	s26 =	simm.s32 $0x7380  }
0x2f: {  	v13 =	vadd.s32 $0x18, v0;
	v14 =	vadd.s32 $0x2028, v0;
	v15 =	vadd.s32 $0x19, v0;
	s0 =	simm.s32 $0xC400;
	[tilespmem:$0x1FD70] =	vst v1;
	[dreg:$0x3] =	wrdreg s25;
	s25 =	simm.s32 $0x6B80  }
.LBB2_1:
0x30: {  	[dreg:$0x5] =	wrdreg s13  }
0x31: {  	s12 =	rddreg [dreg:$0x3];
	s15 =	simm.s32 $0x5  }
0x32: {  	[tilespmem:s3], [sflag:$0x5] =	stream.linear.gather [hbm4b:s12+s3], $0x340, $0x38;
	[tilespmem:$0x14400] =	vst v63  }
0x33: {  	_ =	swait.ge [sflag:s15], $0x340  }
0x34: {  	[sflag:s15] =	ssyncset.done $0x0  }
0x35: {  	[sflag:s15] =	ssyncadd.s32 $0xFFFFFCC0  }
0x36: {  	v1 =	vld [tilespmem:$0x0];
	_ =	sdelay $0x4  }
0x37: {  	v2 =	vshll.u32 v1, $0x3  }
0x38: {  	v1 =	vand.u32 $0x7, v1;
	v2 =	vand.u32 $0xFFFFFFC0, v2  }
0x39: {  	v1 =	vor.u32 v1, v2;
	v2 =	vld [tilespmem:$0x1FD30];
	_ =	sdelay $0x1  }
0x3a: {  	v3 =	vld [tilespmem:$0x1FD40];
	_ =	sdelay $0x2  }
0x3b: {  	v2 =	vperm.xlane v1, v2;
	_ =	sdelay $0x1  }
0x3c: {  	v2 =	vadd.s32 v3, v2  }
0x3d: {  	v4 =	vld [tilespmem:$0x1FD50];
	_ =	sdelay $0x2  }
0x3e: {  	s16 =	simm.s32 $0x380  }
0x3f: {  	[tilespmem:s16], [sflag:$0x1] =	stream.indirect_vreg.gather [hbm4b:s4+s3], $0x80, v2, vm0, $0xb8;
	[tilespmem:$0x14400] =	vst v63  }
0x40: {  	s17 =	simm.s32 $0xB80;
	v1 =	vperm.xlane v1, v4  }
0x41: {  	[tilespmem:s17], [sflag:$0x1] =	stream.indirect_vreg.gather [hbm4b:s7+s3], $0x80, v2, vm0, $0xb8;
	[tilespmem:$0x14400] =	vst v63  }
0x42: {  	s18 =	simm.s32 $0x1380;
	v1 =	vadd.s32 v3, v1  }
0x43: {  	[tilespmem:s18], [sflag:$0x1] =	stream.indirect_vreg.gather [hbm4b:s8+s3], $0x80, v2, vm0, $0xb8;
	[tilespmem:$0x14400] =	vst v63  }
0x44: {  	s19 =	simm.s32 $0x1B80  }
0x45: {  	[tilespmem:s19], [sflag:$0x1] =	stream.indirect_vreg.gather [hbm4b:s9+s3], $0x80, v2, vm0, $0xb8;
	[tilespmem:$0x14400] =	vst v63  }
0x46: {  	s20 =	simm.s32 $0x2380  }
0x47: {  	[tilespmem:s20], [sflag:$0x1] =	stream.indirect_vreg.gather [hbm4b:s4+s3], $0x80, v1, vm0, $0xb8;
	[tilespmem:$0x14400] =	vst v63  }
0x48: {  	s21 =	simm.s32 $0x2B80  }
0x49: {  	[tilespmem:s21], [sflag:$0x1] =	stream.indirect_vreg.gather [hbm4b:s7+s3], $0x80, v1, vm0, $0xb8;
	[tilespmem:$0x14400] =	vst v63  }
0x4a: {  	s22 =	simm.s32 $0x3380  }
0x4b: {  	[tilespmem:s22], [sflag:$0x1] =	stream.indirect_vreg.gather [hbm4b:s8+s3], $0x80, v1, vm0, $0xb8;
	[tilespmem:$0x14400] =	vst v63  }
0x4c: {  	s23 =	simm.s32 $0x3B80;
	s12 =	simm.s32 $0x0  }
0x4d: {  	[tilespmem:s23], [sflag:$0x1] =	stream.indirect_vreg.gather [hbm4b:s9+s3], $0x80, v1, vm0, $0xb8;
	[tilespmem:$0x14400] =	vst v63  }
.LBB2_2:
0x4e: {  	s13 =	sshllo.u32 s12, $0x1  }
0x4f: {  	s14 =	sshll.u32 s13, $0x4  }
0x50: {  	s14 =	sand.u32 $0x3FFFFFF0, s14  }
0x51: {  	v1 =	vld [tilespmem:s14+$0x0];
	_ =	sdelay $0x4  }
0x52: {  	v2 =	vshll.u32 v1, $0x3  }
0x53: {  	v1 =	vand.u32 $0x7, v1;
	v2 =	vand.u32 $0xFFFFFFC0, v2  }
0x54: {  	v1 =	vor.u32 v1, v2;
	v2 =	vld [tilespmem:$0x1FD30];
	_ =	sdelay $0x1  }
0x55: {  	v3 =	vld [tilespmem:$0x1FD40];
	_ =	sdelay $0x2  }
0x56: {  	v2 =	vperm.xlane v1, v2;
	_ =	sdelay $0x1  }
0x57: {  	v2 =	vadd.s32 v3, v2  }
0x58: {  	v4 =	vld [tilespmem:$0x1FD50];
	_ =	sdelay $0x2  }
0x59: {  	s19 =	simm.s32 $0x4380  }
0x5a: {  	[tilespmem:s19], [sflag:$0x2] =	stream.indirect_vreg.gather [hbm4b:s4+s3], $0x80, v2, vm0, $0xb8;
	[tilespmem:$0x14400] =	vst v63  }
0x5b: {  	s20 =	simm.s32 $0x4B80;
	v1 =	vperm.xlane v1, v4  }
0x5c: {  	[tilespmem:s20], [sflag:$0x2] =	stream.indirect_vreg.gather [hbm4b:s7+s3], $0x80, v2, vm0, $0xb8;
	[tilespmem:$0x14400] =	vst v63  }
0x5d: {  	s21 =	simm.s32 $0x5380;
	v1 =	vadd.s32 v3, v1  }
0x5e: {  	[tilespmem:s21], [sflag:$0x2] =	stream.indirect_vreg.gather [hbm4b:s8+s3], $0x80, v2, vm0, $0xb8;
	[tilespmem:$0x14400] =	vst v63  }
0x5f: {  	s22 =	simm.s32 $0x5B80  }
0x60: {  	[tilespmem:s22], [sflag:$0x2] =	stream.indirect_vreg.gather [hbm4b:s9+s3], $0x80, v2, vm0, $0xb8;
	[tilespmem:$0x14400] =	vst v63  }
0x61: {  	_ = 	snop  }
0x62: {  	[tilespmem:s24], [sflag:$0x2] =	stream.indirect_vreg.gather [hbm4b:s4+s3], $0x80, v1, vm0, $0xb8;
	[tilespmem:$0x14400] =	vst v63  }
0x63: {  	_ = 	snop  }
0x64: {  	[tilespmem:s25], [sflag:$0x2] =	stream.indirect_vreg.gather [hbm4b:s7+s3], $0x80, v1, vm0, $0xb8;
	[tilespmem:$0x14400] =	vst v63  }
0x65: {  	_ = 	snop  }
0x66: {  	[tilespmem:s26], [sflag:$0x2] =	stream.indirect_vreg.gather [hbm4b:s8+s3], $0x80, v1, vm0, $0xb8;
	[tilespmem:$0x14400] =	vst v63  }
0x67: {  	_ = 	snop  }
0x68: {  	[tilespmem:s28], [sflag:$0x2] =	stream.indirect_vreg.gather [hbm4b:s9+s3], $0x80, v1, vm0, $0xb8;
	[tilespmem:$0x14400] =	vst v63  }
0x69: {  	_ =	swait.ge [sflag:s29], $0x4000  }
0x6a: {  	p0 =	seq.s32 s12, $0x0;
	[sflag:s29] =	ssyncset.done $0x0  }
0x6b: {  	s23 =	sshll.u32 s12, $0x1;
	s15 =	simm.s32 @!p0 $0x3;
	[sflag:s29] =	ssyncadd.s32 $0xFFFFC000  }
0x6c: {  	s16 =	simm.s32 $0x0;
	s17 =	simm.s32 $0x0;
	_ =	swait.ge @!p0 [sflag:s15], $0x4000  }
0x6d: {  	s18 =	simm.s32 $0x0;
	v39 =	vmovc v5;
	v23 =	vmov v29;
	v31 =	vmov v57;
	v19 =	vmov v58;
	s14 =	sadd.s32 s5, s23;
	[sflag:s15] =	ssyncset.done @!p0 $0x0  }
0x6e: {  	v33 =	vmovc v59;
	v25 =	vmovc v60;
	v35 =	vmov v61;
	v21 =	vmov v62;
	v38 =	vmov v22;
	s19 =	simm.s32 $0x0;
	[sflag:s15] =	ssyncadd.s32 @!p0 $0xFFFFC000;
	s15 =	simm.s32 $0x0  }
.LBB2_3:
0x6f: {  	s20 =	sand.u32 $0x2000, s17;
	s21 =	sand.u32 $0x380, s18  }
0x70: {  	v22 =	vld [tilespmem:$0x1FDD0];
	s20 =	sor.u32 s21, s20  }
0x71: {  	v1 =	vld [tilespmem:s20+$0x380]  }
0x72: {  	v2 =	vld [tilespmem:s20+$0x390]  }
0x73: {  	v3 =	vld [tilespmem:s20+$0x3A0]  }
0x74: {  	v4 =	vor.u32 s19, v0;
	v5 =	vld [tilespmem:s20+$0x3B0]  }
0x75: {  	v57 =	vor.u32 s19, v16;
	v58 =	vld [tilespmem:s20+$0x3C0]  }
0x76: {  	v59 =	vld [tilespmem:s20+$0x3D0]  }
0x77: {  	v60 =	vor.u32 s19, v17;
	v61 =	vld [tilespmem:s20+$0x3E0]  }
0x78: {  	v63 =	vld [tilespmem:s20+$0x3F0]  }
0x79: {  	[tilespmem:v4+s30+$0x0] =	vst.idx.msk $0xffff, v1;
	v1 =	vld [tilespmem:$0x1FD90]  }
0x7a: {  	[tilespmem:v57+s30+$0x0] =	vst.idx.msk $0xffff, v2;
	v2 =	vld [tilespmem:$0x1FDA0]  }
0x7b: {  	v57 =	vadd.s32 s19, v22;
	v22 =	vld [tilespmem:$0x1FDE0]  }
0x7c: {  	[tilespmem:v60+s30+$0x0] =	vst.idx.msk $0xffff, v3;
	v3 =	vld [tilespmem:$0x1FDB0]  }
0x7d: {  	v62 =	vadd.s32 s19, v18  }
0x7e: {  	v29 =	vmov v6;
	v6 =	vor.u32 s19, v6  }
0x7f: {  	v1 =	vadd.s32 s19, v1  }
0x80: {  	v2 =	vor.u32 s19, v2  }
0x81: {  	v32 =	vor.u32 s19, v22;
	v22 =	vld [tilespmem:$0x1FDF0];
	v3 =	vadd.s32 s19, v3  }
0x82: {  	[tilespmem:v62+s30+$0x0] =	vst.idx.msk $0xffff, v5  }
0x83: {  	[tilespmem:v6+s30+$0x0] =	vst.idx.msk $0xffff, v58  }
0x84: {  	[tilespmem:v1+s30+$0x0] =	vst.idx.msk $0xffff, v59  }
0x85: {  	v5 =	vld [tilespmem:$0x1FDC0];
	[tilespmem:v2+s30+$0x0] =	vst.idx.msk $0xffff, v61  }
0x86: {  	v34 =	vadd.s32 s19, v22;
	v22 =	vld [tilespmem:$0x1FE00];
	[tilespmem:v3+s30+$0x0] =	vst.idx.msk $0xffff, v63  }
0x87: {  	v1 =	vld [tilespmem:s20+$0x780]  }
0x88: {  	v2 =	vld [tilespmem:s20+$0x790]  }
0x89: {  	v3 =	vld [tilespmem:s20+$0x7A0]  }
0x8a: {  	v5 =	vor.u32 s19, v5;
	v4 =	vld [tilespmem:s20+$0x7B0]  }
0x8b: {  	v6 =	vld [tilespmem:s20+$0x7C0]  }
0x8c: {  	v58 =	vld [tilespmem:s20+$0x7D0]  }
0x8d: {  	v60 =	vld [tilespmem:s20+$0x7E0]  }
0x8e: {  	v62 =	vld [tilespmem:s20+$0x7F0]  }
0x8f: {  	[tilespmem:v5+s30+$0x0] =	vst.idx.msk $0xffff, v1;
	v1 =	vld [tilespmem:$0x1FE10];
	_ =	sdelay $0x3  }
0x90: {  	v36 =	vor.u32 s19, v22  }
0x91: {  	v1 =	vadd.s32 s19, v1  }
0x92: {  	[tilespmem:v57+s30+$0x0] =	vst.idx.msk $0xffff, v2;
	v2 =	vor.u32 s19, v40  }
0x93: {  	[tilespmem:v32+s30+$0x0] =	vst.idx.msk $0xffff, v3;
	v3 =	vadd.s32 s19, v41  }
0x94: {  	[tilespmem:v34+s30+$0x0] =	vst.idx.msk $0xffff, v4  }
0x95: {  	[tilespmem:v36+s30+$0x0] =	vst.idx.msk $0xffff, v6  }
0x96: {  	[tilespmem:v1+s30+$0x0] =	vst.idx.msk $0xffff, v58  }
0x97: {  	[tilespmem:v2+s30+$0x0] =	vst.idx.msk $0xffff, v60  }
0x98: {  	[tilespmem:v3+s30+$0x0] =	vst.idx.msk $0xffff, v62  }
0x99: {  	v1 =	vld [tilespmem:s20+$0xB80]  }
0x9a: {  	v2 =	vld [tilespmem:s20+$0xB90]  }
0x9b: {  	v5 =	vor.u32 s19, v42;
	v3 =	vld [tilespmem:s20+$0xBA0]  }
0x9c: {  	v57 =	vadd.s32 s19, v43;
	v4 =	vld [tilespmem:s20+$0xBB0]  }
0x9d: {  	v32 =	vor.u32 s19, v44;
	v6 =	vld [tilespmem:s20+$0xBC0]  }
0x9e: {  	v34 =	vadd.s32 s19, v45;
	v58 =	vld [tilespmem:s20+$0xBD0]  }
0x9f: {  	v36 =	vor.u32 s19, v46;
	v60 =	vld [tilespmem:s20+$0xBE0]  }
0xa0: {  	v62 =	vld [tilespmem:s20+$0xBF0];
	[tilespmem:v5+s30+$0x0] =	vst.idx.msk $0xffff, v1;
	v1 =	vadd.s32 s19, v47  }
0xa1: {  	[tilespmem:v57+s30+$0x0] =	vst.idx.msk $0xffff, v2;
	v2 =	vor.u32 s19, v48  }
0xa2: {  	[tilespmem:v32+s30+$0x0] =	vst.idx.msk $0xffff, v3;
	v3 =	vadd.s32 s19, v49  }
0xa3: {  	[tilespmem:v34+s30+$0x0] =	vst.idx.msk $0xffff, v4  }
0xa4: {  	[tilespmem:v36+s30+$0x0] =	vst.idx.msk $0xffff, v6  }
0xa5: {  	[tilespmem:v1+s30+$0x0] =	vst.idx.msk $0xffff, v58  }
0xa6: {  	[tilespmem:v2+s30+$0x0] =	vst.idx.msk $0xffff, v60  }
0xa7: {  	[tilespmem:v3+s30+$0x0] =	vst.idx.msk $0xffff, v62  }
0xa8: {  	v1 =	vld [tilespmem:s20+$0xF80]  }
0xa9: {  	v2 =	vld [tilespmem:s20+$0xF90]  }
0xaa: {  	v5 =	vor.u32 s19, v50;
	v3 =	vld [tilespmem:s20+$0xFA0]  }
0xab: {  	v57 =	vadd.s32 s19, v52;
	v4 =	vld [tilespmem:s20+$0xFB0]  }
0xac: {  	v32 =	vor.u32 s19, v51;
	v6 =	vld [tilespmem:s20+$0xFC0]  }
0xad: {  	v34 =	vadd.s32 s19, v53;
	v58 =	vld [tilespmem:s20+$0xFD0]  }
0xae: {  	v36 =	vor.u32 s19, v54;
	v60 =	vld [tilespmem:s20+$0xFE0]  }
0xaf: {  	v62 =	vld [tilespmem:s20+$0xFF0];
	[tilespmem:v5+s30+$0x0] =	vst.idx.msk $0xffff, v1;
	v1 =	vadd.s32 s19, v55  }
0xb0: {  	[tilespmem:v57+s30+$0x0] =	vst.idx.msk $0xffff, v2;
	v2 =	vor.u32 s19, v56  }
0xb1: {  	[tilespmem:v32+s30+$0x0] =	vst.idx.msk $0xffff, v3;
	v3 =	vadd.s32 s19, v37  }
0xb2: {  	[tilespmem:v34+s30+$0x0] =	vst.idx.msk $0xffff, v4  }
0xb3: {  	[tilespmem:v36+s30+$0x0] =	vst.idx.msk $0xffff, v6  }
0xb4: {  	[tilespmem:v1+s30+$0x0] =	vst.idx.msk $0xffff, v58  }
0xb5: {  	[tilespmem:v2+s30+$0x0] =	vst.idx.msk $0xffff, v60  }
0xb6: {  	[tilespmem:v3+s30+$0x0] =	vst.idx.msk $0xffff, v62  }
0xb7: {  	v1 =	vld [tilespmem:s20+$0x1380]  }
0xb8: {  	v2 =	vld [tilespmem:s20+$0x1390]  }
0xb9: {  	v5 =	vor.u32 s19, v27;
	v3 =	vld [tilespmem:s20+$0x13A0]  }
0xba: {  	v57 =	vadd.s32 s19, v20;
	v4 =	vld [tilespmem:s20+$0x13B0]  }
0xbb: {  	v32 =	vadd.s32 s19, v39;
	v6 =	vld [tilespmem:s20+$0x13C0]  }
0xbc: {  	v34 =	vadd.s32 s19, v23;
	v58 =	vld [tilespmem:s20+$0x13D0]  }
0xbd: {  	v36 =	vadd.s32 s19, v31;
	v60 =	vld [tilespmem:s20+$0x13E0]  }
0xbe: {  	v62 =	vld [tilespmem:s20+$0x13F0];
	[tilespmem:v5+s30+$0x0] =	vst.idx.msk $0xffff, v1;
	v1 =	vadd.s32 s19, v19  }
0xbf: {  	[tilespmem:v57+s30+$0x0] =	vst.idx.msk $0xffff, v2;
	v2 =	vadd.s32 s19, v33  }
0xc0: {  	[tilespmem:v32+s30+$0x0] =	vst.idx.msk $0xffff, v3;
	v3 =	vadd.s32 s19, v25  }
0xc1: {  	[tilespmem:v34+s30+$0x0] =	vst.idx.msk $0xffff, v4  }
0xc2: {  	[tilespmem:v36+s30+$0x0] =	vst.idx.msk $0xffff, v6  }
0xc3: {  	[tilespmem:v1+s30+$0x0] =	vst.idx.msk $0xffff, v58  }
0xc4: {  	[tilespmem:v2+s30+$0x0] =	vst.idx.msk $0xffff, v60  }
0xc5: {  	[tilespmem:v3+s30+$0x0] =	vst.idx.msk $0xffff, v62  }
0xc6: {  	v1 =	vld [tilespmem:s20+$0x1780]  }
0xc7: {  	v2 =	vld [tilespmem:s20+$0x1790]  }
0xc8: {  	v5 =	vadd.s32 s19, v35;
	v3 =	vld [tilespmem:s20+$0x17A0]  }
0xc9: {  	v57 =	vadd.s32 s19, v21;
	v4 =	vld [tilespmem:s20+$0x17B0]  }
0xca: {  	v32 =	vadd.s32 s19, v7;
	v6 =	vld [tilespmem:s20+$0x17C0]  }
0xcb: {  	v34 =	vadd.s32 s19, v8;
	v58 =	vld [tilespmem:s20+$0x17D0]  }
0xcc: {  	v36 =	vadd.s32 s19, v9;
	v60 =	vld [tilespmem:s20+$0x17E0]  }
0xcd: {  	v62 =	vld [tilespmem:s20+$0x17F0];
	[tilespmem:v5+s30+$0x0] =	vst.idx.msk $0xffff, v1;
	v1 =	vadd.s32 s19, v10  }
0xce: {  	[tilespmem:v57+s30+$0x0] =	vst.idx.msk $0xffff, v2;
	v2 =	vadd.s32 s19, v11  }
0xcf: {  	[tilespmem:v32+s30+$0x0] =	vst.idx.msk $0xffff, v3;
	v3 =	vadd.s32 s19, v12  }
0xd0: {  	[tilespmem:v34+s30+$0x0] =	vst.idx.msk $0xffff, v4  }
0xd1: {  	[tilespmem:v36+s30+$0x0] =	vst.idx.msk $0xffff, v6  }
0xd2: {  	[tilespmem:v1+s30+$0x0] =	vst.idx.msk $0xffff, v58  }
0xd3: {  	[tilespmem:v2+s30+$0x0] =	vst.idx.msk $0xffff, v60  }
0xd4: {  	v7 =	vld [tilespmem:$0x1FD60];
	[tilespmem:v3+s30+$0x0] =	vst.idx.msk $0xffff, v62  }
0xd5: {  	v1 =	vld [tilespmem:s20+$0x1B80]  }
0xd6: {  	v2 =	vld [tilespmem:s20+$0x1B90]  }
0xd7: {  	v3 =	vld [tilespmem:s20+$0x1BA0]  }
0xd8: {  	v5 =	vadd.s32 s19, v13;
	v4 =	vld [tilespmem:s20+$0x1BB0]  }
0xd9: {  	v6 =	vld [tilespmem:s20+$0x1BC0]  }
0xda: {  	v59 =	vld [tilespmem:s20+$0x1BD0]  }
0xdb: {  	v61 =	vld [tilespmem:s20+$0x1BE0]  }
0xdc: {  	v63 =	vld [tilespmem:s20+$0x1BF0]  }
0xdd: {  	[tilespmem:v5+s30+$0x0] =	vst.idx.msk $0xffff, v1;
	v1 =	vld [tilespmem:$0x1FD70]  }
0xde: {  	v32 =	vadd.s32 s19, v14  }
0xdf: {  	v34 =	vadd.s32 s19, v15  }
0xe0: {  	v36 =	vadd.s32 s19, v38  }
0xe1: {  	v7 =	vadd.s32 s19, v7  }
0xe2: {  	v57 =	vadd.s32 $0x1B, v0;
	v1 =	vadd.s32 s19, v1  }
0xe3: {  	v58 =	vadd.s32 $0x202B, v0;
	[tilespmem:v32+s30+$0x0] =	vst.idx.msk $0xffff, v2;
	v2 =	vadd.s32 s19, v57  }
0xe4: {  	[tilespmem:v34+s30+$0x0] =	vst.idx.msk $0xffff, v3;
	v3 =	vadd.s32 s19, v58  }
0xe5: {  	[tilespmem:v36+s30+$0x0] =	vst.idx.msk $0xffff, v4  }
0xe6: {  	s22 =	sand.u32 $0x7, s16;
	[tilespmem:v7+s30+$0x0] =	vst.idx.msk $0xffff, v6  }
0xe7: {  	s20 =	sshll.u32 s22, $0x7;
	[tilespmem:v1+s30+$0x0] =	vst.idx.msk $0xffff, v59  }
0xe8: {  	s20 =	sadd.s32 s20, s17;
	[tilespmem:v2+s30+$0x0] =	vst.idx.msk $0xffff, v61  }
0xe9: {  	s23 =	sor.u32 $0x1C00, s20;
	[tilespmem:v3+s30+$0x0] =	vst.idx.msk $0xffff, v63  }
0xea: {  	s22 =	sor.u32 $0x1C10, s20;
	v2 =	vld [tilespmem:s23+$0x380]  }
0xeb: {  	v59 =	vadd.s32 $0x1C, v0;
	v4 =	vld [tilespmem:s22+$0x380];
	s23 =	sor.u32 $0x1C20, s20  }
0xec: {  	v60 =	vadd.s32 $0x202C, v0;
	v3 =	vadd.s32 s19, v59;
	s22 =	sor.u32 $0x1C30, s20;
	v5 =	vld [tilespmem:s23+$0x380]  }
0xed: {  	v24 =	vmov v8;
	v8 =	vadd.s32 s19, v60;
	v61 =	vadd.s32 $0x1D, v0;
	v6 =	vld [tilespmem:s22+$0x380];
	s23 =	sor.u32 $0x1C40, s20  }
0xee: {  	v28 =	vmov v10;
	v62 =	vadd.s32 $0x202D, v0;
	v10 =	vadd.s32 s19, v61;
	s22 =	sor.u32 $0x1C50, s20;
	v7 =	vld [tilespmem:s23+$0x380]  }
0xef: {  	v26 =	vmovc v9;
	v32 =	vmov v12;
	v12 =	vadd.s32 s19, v62;
	v63 =	vadd.s32 $0x1E, v0;
	v9 =	vld [tilespmem:s22+$0x380];
	s23 =	sor.u32 $0x1C60, s20  }
0xf0: {  	v30 =	vmovc v11;
	v36 =	vmov v14;
	v1 =	vadd.s32 $0x202E, v0;
	v14 =	vadd.s32 s19, v63;
	s20 =	sor.u32 $0x1C70, s20;
	v11 =	vld [tilespmem:s23+$0x380]  }
0xf1: {  	v22 =	vmovc v15;
	v34 =	vmov v13;
	v15 =	vadd.s32 s19, v1;
	v13 =	vld [tilespmem:s20+$0x380];
	[tilespmem:v3+s30+$0x0] =	vst.idx.msk $0xffff, v2;
	v3 =	vadd.s32 $0x1F, v0  }
0xf2: {  	v2 =	vadd.s32 $0x202F, v0;
	[tilespmem:v8+s30+$0x0] =	vst.idx.msk $0xffff, v4;
	v4 =	vadd.s32 s19, v3  }
0xf3: {  	p1 =	sne.s32 s19, $0x1E0;
	[tilespmem:v10+s30+$0x0] =	vst.idx.msk $0xffff, v5;
	v5 =	vadd.s32 s19, v2  }
.Ltmp0:
0xf4: {  	[tilespmem:v12+s30+$0x0] =	vst.idx.msk $0xffff, v6;
	(pc) =	sbr.rel @p1 .LBB2_3-.Ltmp0, $4  }
0xf5: {  	[tilespmem:v14+s30+$0x0] =	vst.idx.msk $0xffff, v7  }
0xf6: {  	[tilespmem:v15+s30+$0x0] =	vst.idx.msk $0xffff, v9  }
0xf7: {  	s18 =	sadd.s32 $0x80, s18;
	v8 =	vmovc v24;
	v10 =	vmov v28;
	v6 =	vmov v29;
	v12 =	vmov v32;
	[tilespmem:v4+s30+$0x0] =	vst.idx.msk $0xffff, v11  }
0xf8: {  	s16 =	sadd.s32 $0x1, s16;
	s17 =	sadd.s32 $0x400, s17;
	s19 =	sadd.s32 $0x20, s19;
	v14 =	vmovc v36;
	v7 =	vld [tilespmem:$0x1FFF0];
	v15 =	vmovc v22;
	v9 =	vmov v26;
	v11 =	vmov v30;
	[tilespmem:v5+s30+$0x0] =	vst.idx.msk $0xffff, v13;
	v13 =	vmov v34  }
0xf9: {  	s16 =	simm.s32 $0x8490  }
0xfa: {  	v4 =	vld [tilespmem:s16+$0xFFFFFF00]  }
0xfb: {  	v5 =	vld [tilespmem:s16+$0xFFFFFEF0];
	_ =	sdelay $0x1  }
0xfc: {  	s17 =	sand.u32 $0x3000, s15;
	s18 =	sand.u32 $0x380, s15  }
0xfd: {  	s17 =	sor.u32 s18, s17  }
0xfe: {  	[tilespmem:s17+$0xC410] =	vst v4  }
0xff: {  	[tilespmem:s17+$0xC400] =	vst v5  }
0x100: {  	v4 =	vld [tilespmem:s16+$0xFFFFFF20]  }
0x101: {  	v5 =	vld [tilespmem:s16+$0xFFFFFF10];
	_ =	sdelay $0x3  }
0x102: {  	[tilespmem:s17+$0xC430] =	vst v4  }
0x103: {  	[tilespmem:s17+$0xC420] =	vst v5  }
0x104: {  	v4 =	vld [tilespmem:s16+$0xFFFFFF30]  }
0x105: {  	v5 =	vld [tilespmem:s16+$0xFFFFFF40];
	_ =	sdelay $0x3  }
0x106: {  	[tilespmem:s17+$0xC440] =	vst v4  }
0x107: {  	[tilespmem:s17+$0xC450] =	vst v5  }
0x108: {  	v4 =	vld [tilespmem:s16+$0xFFFFFF50]  }
0x109: {  	v5 =	vld [tilespmem:s16+$0xFFFFFF60];
	_ =	sdelay $0x3  }
0x10a: {  	s23 =	sand.u32 $0x3FFFFF80, s15;
	[tilespmem:s17+$0xC460] =	vst v4  }
0x10b: {  	s18 =	sadd.s32 $0x0, s23;
	[tilespmem:s17+$0xC470] =	vst v5  }
0x10c: {  	v4 =	vld [tilespmem:s18+$0x8400]  }
0x10d: {  	v5 =	vld [tilespmem:s16+$0xFFFFFF80];
	_ =	sdelay $0x3  }
0x10e: {  	[tilespmem:s17+$0xC800] =	vst v4  }
0x10f: {  	[tilespmem:s17+$0xC810] =	vst v5  }
0x110: {  	v4 =	vld [tilespmem:s16+$0xFFFFFF90]  }
0x111: {  	v5 =	vld [tilespmem:s16+$0xFFFFFFA0];
	_ =	sdelay $0x3  }
0x112: {  	[tilespmem:s17+$0xC820] =	vst v4  }
0x113: {  	[tilespmem:s17+$0xC830] =	vst v5  }
0x114: {  	v4 =	vld [tilespmem:s16+$0xFFFFFFB0]  }
0x115: {  	v5 =	vld [tilespmem:s16+$0xFFFFFFC0];
	_ =	sdelay $0x3  }
0x116: {  	[tilespmem:s17+$0xC840] =	vst v4  }
0x117: {  	[tilespmem:s17+$0xC850] =	vst v5  }
0x118: {  	v4 =	vld [tilespmem:s16+$0xFFFFFFD0]  }
0x119: {  	v5 =	vld [tilespmem:s16+$0xFFFFFFE0];
	_ =	sdelay $0x3  }
0x11a: {  	[tilespmem:s17+$0xC860] =	vst v4  }
0x11b: {  	[tilespmem:s17+$0xC870] =	vst v5  }
0x11c: {  	v4 =	vld [tilespmem:s18+$0x8480]  }
0x11d: {  	v5 =	vld [tilespmem:s16+$0x0];
	_ =	sdelay $0x3  }
0x11e: {  	[tilespmem:s17+$0xCC00] =	vst v4  }
0x11f: {  	[tilespmem:s17+$0xCC10] =	vst v5  }
0x120: {  	v4 =	vld [tilespmem:s16+$0x10]  }
0x121: {  	v5 =	vld [tilespmem:s16+$0x20];
	_ =	sdelay $0x3  }
0x122: {  	[tilespmem:s17+$0xCC20] =	vst v4  }
0x123: {  	[tilespmem:s17+$0xCC30] =	vst v5  }
0x124: {  	v4 =	vld [tilespmem:s16+$0x30]  }
0x125: {  	v5 =	vld [tilespmem:s16+$0x40];
	_ =	sdelay $0x3  }
0x126: {  	[tilespmem:s17+$0xCC40] =	vst v4  }
0x127: {  	[tilespmem:s17+$0xCC50] =	vst v5  }
0x128: {  	v4 =	vld [tilespmem:s16+$0x50]  }
0x129: {  	v5 =	vld [tilespmem:s16+$0x60];
	_ =	sdelay $0x3  }
0x12a: {  	[tilespmem:s17+$0xCC60] =	vst v4  }
0x12b: {  	[tilespmem:s17+$0xCC70] =	vst v5  }
0x12c: {  	v4 =	vld [tilespmem:s18+$0x8500]  }
0x12d: {  	v5 =	vld [tilespmem:s16+$0x80];
	_ =	sdelay $0x3  }
0x12e: {  	[tilespmem:s17+$0xD000] =	vst v4  }
0x12f: {  	[tilespmem:s17+$0xD010] =	vst v5  }
0x130: {  	v5 =	vld [tilespmem:s16+$0x90]  }
0x131: {  	v4 =	vld [tilespmem:s16+$0xA0];
	_ =	sdelay $0x1  }
0x132: {  	s19 =	simm.s32 $0x8691  }
0x133: {  	s20 =	simm.s32 $0x0;
	s21 =	simm.s32 $0x0;
	s18 =	simm.s32 $0x4  }
.LBB2_5:
0x134: {  	[tilespmem:s17+$0xD020] =	vst v5;
	s15 =	sadd.s32 $0x80, s15;
	s20 =	sadd.s32 $0x200, s20;
	s21 =	sadd.s32 $0x201, s21  }
0x135: {  	p1 =	sne.s32 s18, $0x7C;
	s22 =	smov.u32 s18;
	s18 =	sadd.s32 $0x4, s18;
	[tilespmem:s17+$0xD030] =	vst v4  }
0x136: {  	v4 =	vld [tilespmem:s16+$0xB0]  }
0x137: {  	v5 =	vld [tilespmem:s16+$0xC0];
	_ =	sdelay $0x3  }
0x138: {  	[tilespmem:s17+$0xD040] =	vst v4  }
0x139: {  	[tilespmem:s17+$0xD050] =	vst v5  }
0x13a: {  	v4 =	vld [tilespmem:s16+$0xD0]  }
0x13b: {  	v5 =	vld [tilespmem:s16+$0xE0];
	s16 =	smov.u32 s19;
	_ =	sdelay $0x3  }
0x13c: {  	[tilespmem:s17+$0xD060] =	vst v4  }
0x13d: {  	[tilespmem:s17+$0xD070] =	vst v5  }
0x13e: {  	v4 =	vld [tilespmem:s19+$0xFFFFFF00]  }
0x13f: {  	v5 =	vld [tilespmem:s19+$0xFFFFFEF0];
	_ =	sdelay $0x1  }
0x140: {  	s23 =	sand.u32 $0x380, s15;
	s17 =	sand.u32 $0x3000, s20  }
0x141: {  	s17 =	sor.u32 s23, s17  }
0x142: {  	[tilespmem:s17+$0xC410] =	vst v4  }
0x143: {  	[tilespmem:s17+$0xC400] =	vst v5  }
0x144: {  	v4 =	vld [tilespmem:s19+$0xFFFFFF20]  }
0x145: {  	v5 =	vld [tilespmem:s19+$0xFFFFFF10];
	_ =	sdelay $0x3  }
0x146: {  	[tilespmem:s17+$0xC430] =	vst v4  }
0x147: {  	[tilespmem:s17+$0xC420] =	vst v5  }
0x148: {  	v4 =	vld [tilespmem:s19+$0xFFFFFF30]  }
0x149: {  	v5 =	vld [tilespmem:s19+$0xFFFFFF40];
	_ =	sdelay $0x3  }
0x14a: {  	[tilespmem:s17+$0xC440] =	vst v4  }
0x14b: {  	[tilespmem:s17+$0xC450] =	vst v5  }
0x14c: {  	v4 =	vld [tilespmem:s19+$0xFFFFFF50]  }
0x14d: {  	v5 =	vld [tilespmem:s19+$0xFFFFFF60];
	_ =	sdelay $0x3  }
0x14e: {  	s22 =	sshra.s32 s22, $0x2;
	s23 =	sand.u32 $0x3FFFFF80, s21;
	[tilespmem:s17+$0xC460] =	vst v4  }
0x14f: {  	s22 =	sadd.s32 s22, s23;
	[tilespmem:s17+$0xC470] =	vst v5  }
0x150: {  	v4 =	vld [tilespmem:s22+$0x8400]  }
0x151: {  	v5 =	vld [tilespmem:s19+$0xFFFFFF80];
	_ =	sdelay $0x3  }
0x152: {  	[tilespmem:s17+$0xC800] =	vst v4  }
0x153: {  	[tilespmem:s17+$0xC810] =	vst v5  }
0x154: {  	v4 =	vld [tilespmem:s19+$0xFFFFFF90]  }
0x155: {  	v5 =	vld [tilespmem:s19+$0xFFFFFFA0];
	_ =	sdelay $0x3  }
0x156: {  	[tilespmem:s17+$0xC820] =	vst v4  }
0x157: {  	[tilespmem:s17+$0xC830] =	vst v5  }
0x158: {  	v4 =	vld [tilespmem:s19+$0xFFFFFFB0]  }
0x159: {  	v5 =	vld [tilespmem:s19+$0xFFFFFFC0];
	_ =	sdelay $0x3  }
0x15a: {  	[tilespmem:s17+$0xC840] =	vst v4  }
0x15b: {  	[tilespmem:s17+$0xC850] =	vst v5  }
0x15c: {  	v4 =	vld [tilespmem:s19+$0xFFFFFFD0]  }
0x15d: {  	v5 =	vld [tilespmem:s19+$0xFFFFFFE0];
	_ =	sdelay $0x3  }
0x15e: {  	[tilespmem:s17+$0xC860] =	vst v4  }
0x15f: {  	[tilespmem:s17+$0xC870] =	vst v5  }
0x160: {  	v4 =	vld [tilespmem:s22+$0x8480]  }
0x161: {  	v5 =	vld [tilespmem:s19+$0x0];
	_ =	sdelay $0x3  }
0x162: {  	[tilespmem:s17+$0xCC00] =	vst v4  }
0x163: {  	[tilespmem:s17+$0xCC10] =	vst v5  }
0x164: {  	v4 =	vld [tilespmem:s19+$0x10]  }
0x165: {  	v5 =	vld [tilespmem:s19+$0x20];
	_ =	sdelay $0x3  }
0x166: {  	[tilespmem:s17+$0xCC20] =	vst v4  }
0x167: {  	[tilespmem:s17+$0xCC30] =	vst v5  }
0x168: {  	v4 =	vld [tilespmem:s19+$0x30]  }
0x169: {  	v5 =	vld [tilespmem:s19+$0x40];
	_ =	sdelay $0x3  }
0x16a: {  	[tilespmem:s17+$0xCC40] =	vst v4  }
0x16b: {  	[tilespmem:s17+$0xCC50] =	vst v5  }
0x16c: {  	v4 =	vld [tilespmem:s19+$0x50]  }
0x16d: {  	v5 =	vld [tilespmem:s19+$0x60];
	_ =	sdelay $0x3  }
0x16e: {  	[tilespmem:s17+$0xCC60] =	vst v4  }
0x16f: {  	[tilespmem:s17+$0xCC70] =	vst v5  }
0x170: {  	v4 =	vld [tilespmem:s22+$0x8500]  }
0x171: {  	v5 =	vld [tilespmem:s19+$0x80];
	_ =	sdelay $0x3  }
0x172: {  	[tilespmem:s17+$0xD000] =	vst v4  }
0x173: {  	[tilespmem:s17+$0xD010] =	vst v5  }
.Ltmp1:
0x174: {  	v5 =	vld [tilespmem:s19+$0x90];
	(pc) =	sbr.rel @p1 .LBB2_5-.Ltmp1, $2  }
0x175: {  	v4 =	vld [tilespmem:s19+$0xA0];
	_ =	sdelay $0x2  }
0x176: {  	s19 =	sadd.s32 $0x201, s19  }
0x177: {  	[tilespmem:s17+$0xD020] =	vst v5  }
0x178: {  	[tilespmem:s17+$0xD030] =	vst v4  }
0x179: {  	v4 =	vld [tilespmem:s16+$0xB0]  }
0x17a: {  	v5 =	vld [tilespmem:s16+$0xC0];
	_ =	sdelay $0x3  }
0x17b: {  	[tilespmem:s17+$0xD040] =	vst v4  }
0x17c: {  	[tilespmem:s17+$0xD050] =	vst v5  }
0x17d: {  	v4 =	vld [tilespmem:s16+$0xD0]  }
0x17e: {  	v5 =	vld [tilespmem:s16+$0xE0]  }
0x17f: {  	p1 =	sne.s32 s12, $0x19  }
.Ltmp2:
0x180: {  	s15 =	sshll.u32 s14, $0x9;
	(pc) =	sbr.rel @p1 .LBB2_8-.Ltmp2, $4  }
0x181: {  	s23 =	sshll.u32 s14, $0xB;
	s15 =	sand.u32 $0x7C00, s15  }
0x182: {  	s14 =	sand.u32 $0xFFE0000, s23;
	s15 =	sadd.s32 s2, s15;
	[tilespmem:s17+$0xD060] =	vst v4  }
0x183: {  	s14 =	sadd.s32 s14, s15;
	[tilespmem:s17+$0xD070] =	vst v5  }
0x184: {  	[hbm4b:s14+s31] =	stream.strided.scatter [tilespmem:s0], [sflag:$0x3], $0x4000, s1, s31, $0x38;
	[tilespmem:$0x14400] =	vst v63  }
.Ltmp3:
0x185: {  	(pc) =	sbr.rel .LBB2_9-.Ltmp3, $4  }
0x186: {  	_ = 	snop  }
0x187: {  	_ =	swait.ge [sflag:s6], $0x4000  }
0x188: {  	[sflag:s6] =	ssyncset.done $0x0  }
0x189: {  	[sflag:s6] =	ssyncadd.s32 $0xFFFFC000  }
.LBB2_8:
0x18a: {  	s14 =	sshll.u32 s12, $0x5  }
0x18b: {  	s14 =	sand.u32 $0x3FFFFFE0, s14  }
0x18c: {  	v4 =	vld [tilespmem:s14+$0x20];
	_ =	sdelay $0x4  }
0x18d: {  	v5 =	vshll.u32 v4, $0x3  }
0x18e: {  	v4 =	vand.u32 $0x7, v4;
	v5 =	vand.u32 $0xFFFFFFC0, v5  }
0x18f: {  	v4 =	vor.u32 v4, v5;
	v5 =	vld [tilespmem:$0x1FD30];
	_ =	sdelay $0x1  }
0x190: {  	v6 =	vld [tilespmem:$0x1FD40];
	_ =	sdelay $0x2  }
0x191: {  	v5 =	vperm.xlane v4, v5;
	_ =	sdelay $0x1  }
0x192: {  	v5 =	vadd.s32 v6, v5  }
0x193: {  	v7 =	vld [tilespmem:$0x1FD50];
	_ =	sdelay $0x2  }
0x194: {  	s16 =	simm.s32 $0x380  }
0x195: {  	[tilespmem:s16], [sflag:$0x1] =	stream.indirect_vreg.gather [hbm4b:s4+s3], $0x80, v5, vm0, $0xb8;
	[tilespmem:$0x14400] =	vst v63  }
0x196: {  	s17 =	simm.s32 $0xB80;
	v4 =	vperm.xlane v4, v7  }
0x197: {  	[tilespmem:s17], [sflag:$0x1] =	stream.indirect_vreg.gather [hbm4b:s7+s3], $0x80, v5, vm0, $0xb8;
	[tilespmem:$0x14400] =	vst v63  }
0x198: {  	s18 =	simm.s32 $0x1380;
	v4 =	vadd.s32 v6, v4  }
0x199: {  	[tilespmem:s18], [sflag:$0x1] =	stream.indirect_vreg.gather [hbm4b:s8+s3], $0x80, v5, vm0, $0xb8;
	[tilespmem:$0x14400] =	vst v63  }
0x19a: {  	s19 =	simm.s32 $0x1B80  }
0x19b: {  	[tilespmem:s19], [sflag:$0x1] =	stream.indirect_vreg.gather [hbm4b:s9+s3], $0x80, v5, vm0, $0xb8;
	[tilespmem:$0x14400] =	vst v63  }
0x19c: {  	s20 =	simm.s32 $0x2380  }
0x19d: {  	[tilespmem:s20], [sflag:$0x1] =	stream.indirect_vreg.gather [hbm4b:s4+s3], $0x80, v4, vm0, $0xb8;
	[tilespmem:$0x14400] =	vst v63  }
0x19e: {  	s21 =	simm.s32 $0x2B80  }
0x19f: {  	[tilespmem:s21], [sflag:$0x1] =	stream.indirect_vreg.gather [hbm4b:s7+s3], $0x80, v4, vm0, $0xb8;
	[tilespmem:$0x14400] =	vst v63  }
0x1a0: {  	s22 =	simm.s32 $0x3380  }
0x1a1: {  	[tilespmem:s22], [sflag:$0x1] =	stream.indirect_vreg.gather [hbm4b:s8+s3], $0x80, v4, vm0, $0xb8;
	[tilespmem:$0x14400] =	vst v63  }
.Ltmp4:
0x1a2: {  	s23 =	simm.s32 $0x3B80;
	(pc) =	sbr.rel @p0 .LBB2_10-.Ltmp4, $4  }
0x1a3: {  	[tilespmem:s23], [sflag:$0x1] =	stream.indirect_vreg.gather [hbm4b:s9+s3], $0x80, v4, vm0, $0xb8;
	[tilespmem:$0x14400] =	vst v63  }
0x1a4: {  	_ =	swait.ge [sflag:s6], $0x4000  }
0x1a5: {  	[sflag:s6] =	ssyncset.done $0x0  }
0x1a6: {  	[sflag:s6] =	ssyncadd.s32 $0xFFFFC000  }
.LBB2_9:
0x1a7: {  	_ =	swait.ge [sflag:s10], $0x4000  }
0x1a8: {  	[sflag:s10] =	ssyncset.done $0x0  }
0x1a9: {  	[sflag:s10] =	ssyncadd.s32 $0xFFFFC000  }
.LBB2_10:
0x1aa: {  	v41 =	vld [tilespmem:$0x1FED0]  }
0x1ab: {  	v42 =	vld [tilespmem:$0x1FEE0]  }
0x1ac: {  	v43 =	vld [tilespmem:$0x1FEF0]  }
0x1ad: {  	v44 =	vld [tilespmem:$0x1FF00]  }
0x1ae: {  	v45 =	vld [tilespmem:$0x1FF10]  }
0x1af: {  	v46 =	vld [tilespmem:$0x1FF20]  }
0x1b0: {  	v47 =	vld [tilespmem:$0x1FF30]  }
0x1b1: {  	v48 =	vld [tilespmem:$0x1FF40]  }
0x1b2: {  	v49 =	vld [tilespmem:$0x1FF50]  }
0x1b3: {  	v50 =	vld [tilespmem:$0x1FF60]  }
0x1b4: {  	v51 =	vld [tilespmem:$0x1FF70]  }
0x1b5: {  	v52 =	vld [tilespmem:$0x1FF80]  }
0x1b6: {  	v53 =	vld [tilespmem:$0x1FF90]  }
0x1b7: {  	v54 =	vld [tilespmem:$0x1FFA0]  }
0x1b8: {  	v55 =	vld [tilespmem:$0x1FFB0]  }
0x1b9: {  	v56 =	vld [tilespmem:$0x1FFC0]  }
0x1ba: {  	v20 =	vld [tilespmem:$0x1FFD0]  }
0x1bb: {  	v21 =	vld [tilespmem:$0x1FFF0]  }
0x1bc: {  	v38 =	vld [tilespmem:$0x1FFE0]  }
0x1bd: {  	s13 =	sadd.s32 s5, s13;
	s14 =	simm.s32 $0x0;
	s15 =	simm.s32 $0x0;
	v23 =	vmov v24;
	v25 =	vmov v26;
	v27 =	vmov v28;
	v39 =	vld [tilespmem:$0x1FD60]  }
0x1be: {  	s16 =	simm.s32 $0x0;
	s17 =	simm.s32 $0x0;
	s18 =	simm.s32 $0x0;
	v29 =	vmovc v30;
	v31 =	vmovc v32;
	v33 =	vmov v34;
	v35 =	vmov v36;
	v37 =	vmov v22;
	v40 =	vld [tilespmem:$0x1FD70]  }
.LBB2_11:
0x1bf: {  	s19 =	sand.u32 $0x2000, s16;
	s20 =	sand.u32 $0x380, s17;
	v9 =	vor.u32 s18, v16  }
0x1c0: {  	v12 =	vor.u32 s18, v17;
	v14 =	vadd.s32 s18, v18;
	v19 =	vmovc v18;
	v18 =	vmovc v17;
	v17 =	vmov v16;
	v16 =	vld [tilespmem:$0x1FD80];
	s19 =	sor.u32 s20, s19  }
0x1c1: {  	v4 =	vld [tilespmem:s19+$0x4380]  }
0x1c2: {  	v5 =	vld [tilespmem:s19+$0x4390]  }
0x1c3: {  	v6 =	vld [tilespmem:s19+$0x43A0]  }
0x1c4: {  	v7 =	vor.u32 s18, v0;
	v8 =	vld [tilespmem:s19+$0x43B0]  }
0x1c5: {  	v10 =	vld [tilespmem:s19+$0x43C0]  }
0x1c6: {  	v11 =	vld [tilespmem:s19+$0x43D0]  }
0x1c7: {  	v13 =	vld [tilespmem:s19+$0x43E0]  }
0x1c8: {  	v15 =	vld [tilespmem:s19+$0x43F0]  }
0x1c9: {  	[tilespmem:v7+s30+$0x0] =	vst.idx.msk $0xffff, v4;
	v4 =	vld [tilespmem:$0x1FD90]  }
0x1ca: {  	[tilespmem:v9+s30+$0x0] =	vst.idx.msk $0xffff, v5;
	v5 =	vld [tilespmem:$0x1FDA0]  }
0x1cb: {  	[tilespmem:v12+s30+$0x0] =	vst.idx.msk $0xffff, v6;
	v12 =	vld [tilespmem:$0x1FDB0];
	_ =	sdelay $0x1  }
0x1cc: {  	v16 =	vor.u32 s18, v16  }
0x1cd: {  	v4 =	vadd.s32 s18, v4  }
0x1ce: {  	v5 =	vor.u32 s18, v5  }
0x1cf: {  	[tilespmem:v14+s30+$0x0] =	vst.idx.msk $0xffff, v8;
	v14 =	vld [tilespmem:$0x1FDD0];
	v6 =	vadd.s32 s18, v12;
	_ =	sdelay $0x1  }
0x1d0: {  	[tilespmem:v16+s30+$0x0] =	vst.idx.msk $0xffff, v10;
	v16 =	vld [tilespmem:$0x1FE00]  }
0x1d1: {  	v12 =	vld [tilespmem:$0x1FDE0];
	[tilespmem:v4+s30+$0x0] =	vst.idx.msk $0xffff, v11  }
0x1d2: {  	[tilespmem:v5+s30+$0x0] =	vst.idx.msk $0xffff, v13;
	v13 =	vld [tilespmem:$0x1FDC0]  }
0x1d3: {  	v10 =	vadd.s32 s18, v14;
	v14 =	vld [tilespmem:$0x1FDF0];
	[tilespmem:v6+s30+$0x0] =	vst.idx.msk $0xffff, v15  }
0x1d4: {  	v4 =	vld [tilespmem:s19+$0x4780]  }
0x1d5: {  	v5 =	vld [tilespmem:s19+$0x4790]  }
0x1d6: {  	v6 =	vld [tilespmem:s19+$0x47A0]  }
0x1d7: {  	v7 =	vld [tilespmem:s19+$0x47B0];
	v8 =	vor.u32 s18, v13  }
0x1d8: {  	v9 =	vld [tilespmem:s19+$0x47C0]  }
0x1d9: {  	v12 =	vor.u32 s18, v12;
	v11 =	vld [tilespmem:s19+$0x47D0]  }
0x1da: {  	v15 =	vld [tilespmem:s19+$0x47F0]  }
0x1db: {  	v13 =	vld [tilespmem:s19+$0x47E0]  }
0x1dc: {  	[tilespmem:v8+s30+$0x0] =	vst.idx.msk $0xffff, v4;
	v4 =	vld [tilespmem:$0x1FE10]  }
0x1dd: {  	[tilespmem:v10+s30+$0x0] =	vst.idx.msk $0xffff, v5;
	v5 =	vld [tilespmem:$0x1FE20]  }
0x1de: {  	v14 =	vadd.s32 s18, v14;
	[tilespmem:v12+s30+$0x0] =	vst.idx.msk $0xffff, v6;
	v12 =	vld [tilespmem:$0x1FE30];
	_ =	sdelay $0x1  }
0x1df: {  	v16 =	vor.u32 s18, v16  }
0x1e0: {  	v4 =	vadd.s32 s18, v4  }
0x1e1: {  	v5 =	vor.u32 s18, v5  }
0x1e2: {  	[tilespmem:v14+s30+$0x0] =	vst.idx.msk $0xffff, v7;
	v14 =	vld [tilespmem:$0x1FE50];
	v6 =	vadd.s32 s18, v12;
	_ =	sdelay $0x1  }
0x1e3: {  	[tilespmem:v16+s30+$0x0] =	vst.idx.msk $0xffff, v9;
	v16 =	vld [tilespmem:$0x1FE80]  }
0x1e4: {  	v12 =	vld [tilespmem:$0x1FE60];
	[tilespmem:v4+s30+$0x0] =	vst.idx.msk $0xffff, v11  }
0x1e5: {  	[tilespmem:v5+s30+$0x0] =	vst.idx.msk $0xffff, v13;
	v13 =	vld [tilespmem:$0x1FE40]  }
0x1e6: {  	v10 =	vadd.s32 s18, v14;
	v14 =	vld [tilespmem:$0x1FE70];
	[tilespmem:v6+s30+$0x0] =	vst.idx.msk $0xffff, v15  }
0x1e7: {  	v4 =	vld [tilespmem:s19+$0x4B80]  }
0x1e8: {  	v5 =	vld [tilespmem:s19+$0x4B90]  }
0x1e9: {  	v6 =	vld [tilespmem:s19+$0x4BA0]  }
0x1ea: {  	v7 =	vld [tilespmem:s19+$0x4BB0];
	v8 =	vor.u32 s18, v13  }
0x1eb: {  	v9 =	vld [tilespmem:s19+$0x4BC0]  }
0x1ec: {  	v12 =	vor.u32 s18, v12;
	v11 =	vld [tilespmem:s19+$0x4BD0]  }
0x1ed: {  	v15 =	vld [tilespmem:s19+$0x4BF0]  }
0x1ee: {  	v13 =	vld [tilespmem:s19+$0x4BE0]  }
0x1ef: {  	[tilespmem:v8+s30+$0x0] =	vst.idx.msk $0xffff, v4;
	v4 =	vld [tilespmem:$0x1FE90]  }
0x1f0: {  	[tilespmem:v10+s30+$0x0] =	vst.idx.msk $0xffff, v5;
	v5 =	vld [tilespmem:$0x1FEA0]  }
0x1f1: {  	[tilespmem:v12+s30+$0x0] =	vst.idx.msk $0xffff, v6;
	v12 =	vld [tilespmem:$0x1FEB0]  }
0x1f2: {  	v14 =	vadd.s32 s18, v14  }
0x1f3: {  	v16 =	vor.u32 s18, v16  }
0x1f4: {  	v4 =	vadd.s32 s18, v4  }
0x1f5: {  	v5 =	vor.u32 s18, v5  }
0x1f6: {  	v6 =	vadd.s32 s18, v12  }
0x1f7: {  	[tilespmem:v14+s30+$0x0] =	vst.idx.msk $0xffff, v7  }
0x1f8: {  	[tilespmem:v16+s30+$0x0] =	vst.idx.msk $0xffff, v9  }
0x1f9: {  	v14 =	vld [tilespmem:$0x1FEC0];
	[tilespmem:v4+s30+$0x0] =	vst.idx.msk $0xffff, v11  }
0x1fa: {  	[tilespmem:v5+s30+$0x0] =	vst.idx.msk $0xffff, v13  }
0x1fb: {  	[tilespmem:v6+s30+$0x0] =	vst.idx.msk $0xffff, v15  }
0x1fc: {  	v4 =	vld [tilespmem:s19+$0x4F80]  }
0x1fd: {  	v5 =	vld [tilespmem:s19+$0x4F90]  }
0x1fe: {  	v8 =	vor.u32 s18, v14;
	v6 =	vld [tilespmem:s19+$0x4FA0]  }
0x1ff: {  	v10 =	vadd.s32 s18, v41;
	v7 =	vld [tilespmem:s19+$0x4FB0]  }
0x200: {  	v12 =	vor.u32 s18, v42;
	v9 =	vld [tilespmem:s19+$0x4FC0]  }
0x201: {  	v14 =	vadd.s32 s18, v43;
	v11 =	vld [tilespmem:s19+$0x4FD0]  }
0x202: {  	v16 =	vor.u32 s18, v44;
	v13 =	vld [tilespmem:s19+$0x4FE0]  }
0x203: {  	v15 =	vld [tilespmem:s19+$0x4FF0];
	[tilespmem:v8+s30+$0x0] =	vst.idx.msk $0xffff, v4;
	v4 =	vadd.s32 s18, v45  }
0x204: {  	[tilespmem:v10+s30+$0x0] =	vst.idx.msk $0xffff, v5;
	v5 =	vor.u32 s18, v46  }
0x205: {  	[tilespmem:v12+s30+$0x0] =	vst.idx.msk $0xffff, v6;
	v12 =	vadd.s32 s18, v47  }
0x206: {  	[tilespmem:v14+s30+$0x0] =	vst.idx.msk $0xffff, v7  }
0x207: {  	[tilespmem:v16+s30+$0x0] =	vst.idx.msk $0xffff, v9  }
0x208: {  	[tilespmem:v4+s30+$0x0] =	vst.idx.msk $0xffff, v11  }
0x209: {  	[tilespmem:v5+s30+$0x0] =	vst.idx.msk $0xffff, v13  }
0x20a: {  	[tilespmem:v12+s30+$0x0] =	vst.idx.msk $0xffff, v15  }
0x20b: {  	v4 =	vld [tilespmem:s19+$0x5380]  }
0x20c: {  	v5 =	vld [tilespmem:s19+$0x5390]  }
0x20d: {  	v8 =	vor.u32 s18, v48;
	v6 =	vld [tilespmem:s19+$0x53A0]  }
0x20e: {  	v10 =	vadd.s32 s18, v49;
	v7 =	vld [tilespmem:s19+$0x53B0]  }
0x20f: {  	v12 =	vadd.s32 s18, v50;
	v9 =	vld [tilespmem:s19+$0x53C0]  }
0x210: {  	v14 =	vadd.s32 s18, v51;
	v11 =	vld [tilespmem:s19+$0x53D0]  }
0x211: {  	v16 =	vadd.s32 s18, v53;
	v13 =	vld [tilespmem:s19+$0x53E0]  }
0x212: {  	v15 =	vld [tilespmem:s19+$0x53F0];
	[tilespmem:v8+s30+$0x0] =	vst.idx.msk $0xffff, v4;
	v4 =	vadd.s32 s18, v52  }
0x213: {  	[tilespmem:v10+s30+$0x0] =	vst.idx.msk $0xffff, v5;
	v5 =	vadd.s32 s18, v54  }
0x214: {  	v10 =	vadd.s32 s18, v55;
	[tilespmem:v12+s30+$0x0] =	vst.idx.msk $0xffff, v6  }
0x215: {  	[tilespmem:v14+s30+$0x0] =	vst.idx.msk $0xffff, v7  }
0x216: {  	[tilespmem:v16+s30+$0x0] =	vst.idx.msk $0xffff, v9  }
0x217: {  	[tilespmem:v4+s30+$0x0] =	vst.idx.msk $0xffff, v11  }
0x218: {  	[tilespmem:v5+s30+$0x0] =	vst.idx.msk $0xffff, v13  }
0x219: {  	[tilespmem:v10+s30+$0x0] =	vst.idx.msk $0xffff, v15  }
0x21a: {  	v4 =	vld [tilespmem:s19+$0x5780]  }
0x21b: {  	v5 =	vld [tilespmem:s19+$0x5790]  }
0x21c: {  	v8 =	vadd.s32 s18, v56;
	v6 =	vld [tilespmem:s19+$0x57A0]  }
0x21d: {  	v10 =	vadd.s32 s18, v20;
	v7 =	vld [tilespmem:s19+$0x57B0]  }
0x21e: {  	v12 =	vadd.s32 s18, v21;
	v9 =	vld [tilespmem:s19+$0x57C0]  }
0x21f: {  	v14 =	vadd.s32 s18, v23;
	v11 =	vld [tilespmem:s19+$0x57D0]  }
0x220: {  	v16 =	vadd.s32 s18, v25;
	v13 =	vld [tilespmem:s19+$0x57E0]  }
0x221: {  	v15 =	vld [tilespmem:s19+$0x57F0];
	[tilespmem:v8+s30+$0x0] =	vst.idx.msk $0xffff, v4;
	v4 =	vadd.s32 s18, v27  }
0x222: {  	[tilespmem:v10+s30+$0x0] =	vst.idx.msk $0xffff, v5;
	v5 =	vadd.s32 s18, v29  }
0x223: {  	[tilespmem:v12+s30+$0x0] =	vst.idx.msk $0xffff, v6;
	v12 =	vadd.s32 s18, v31  }
0x224: {  	[tilespmem:v14+s30+$0x0] =	vst.idx.msk $0xffff, v7  }
0x225: {  	[tilespmem:v16+s30+$0x0] =	vst.idx.msk $0xffff, v9  }
0x226: {  	[tilespmem:v4+s30+$0x0] =	vst.idx.msk $0xffff, v11  }
0x227: {  	[tilespmem:v5+s30+$0x0] =	vst.idx.msk $0xffff, v13  }
0x228: {  	[tilespmem:v12+s30+$0x0] =	vst.idx.msk $0xffff, v15  }
0x229: {  	v4 =	vld [tilespmem:s19+$0x5B80]  }
0x22a: {  	v5 =	vld [tilespmem:s19+$0x5B90]  }
0x22b: {  	v8 =	vadd.s32 s18, v33;
	v6 =	vld [tilespmem:s19+$0x5BA0]  }
0x22c: {  	v10 =	vadd.s32 s18, v35;
	v7 =	vld [tilespmem:s19+$0x5BB0]  }
0x22d: {  	v12 =	vadd.s32 s18, v37;
	v9 =	vld [tilespmem:s19+$0x5BC0]  }
0x22e: {  	v14 =	vadd.s32 s18, v38;
	v11 =	vld [tilespmem:s19+$0x5BD0]  }
0x22f: {  	v16 =	vadd.s32 s18, v39;
	v13 =	vld [tilespmem:s19+$0x5BE0]  }
0x230: {  	v15 =	vld [tilespmem:s19+$0x5BF0];
	[tilespmem:v8+s30+$0x0] =	vst.idx.msk $0xffff, v4;
	v4 =	vadd.s32 s18, v40  }
0x231: {  	[tilespmem:v10+s30+$0x0] =	vst.idx.msk $0xffff, v5;
	v5 =	vadd.s32 s18, v57  }
0x232: {  	v10 =	vadd.s32 s18, v58;
	[tilespmem:v12+s30+$0x0] =	vst.idx.msk $0xffff, v6  }
0x233: {  	[tilespmem:v14+s30+$0x0] =	vst.idx.msk $0xffff, v7  }
0x234: {  	s22 =	sand.u32 $0x7, s15;
	[tilespmem:v16+s30+$0x0] =	vst.idx.msk $0xffff, v9  }
0x235: {  	s19 =	sshll.u32 s22, $0x7;
	[tilespmem:v4+s30+$0x0] =	vst.idx.msk $0xffff, v11  }
0x236: {  	s19 =	sadd.s32 s19, s16;
	[tilespmem:v5+s30+$0x0] =	vst.idx.msk $0xffff, v13  }
0x237: {  	s23 =	sor.u32 $0x1C00, s19;
	[tilespmem:v10+s30+$0x0] =	vst.idx.msk $0xffff, v15  }
0x238: {  	s21 =	sor.u32 $0x1C10, s19;
	v4 =	vld [tilespmem:s23+$0x4380]  }
0x239: {  	s22 =	sor.u32 $0x1C20, s19;
	v5 =	vld [tilespmem:s21+$0x4380]  }
0x23a: {  	v8 =	vadd.s32 s18, v59;
	v6 =	vld [tilespmem:s22+$0x4380];
	s23 =	sor.u32 $0x1C30, s19  }
0x23b: {  	v10 =	vadd.s32 s18, v60;
	s21 =	sor.u32 $0x1C40, s19;
	v7 =	vld [tilespmem:s23+$0x4380]  }
0x23c: {  	v12 =	vadd.s32 s18, v61;
	s22 =	sor.u32 $0x1C50, s19;
	v9 =	vld [tilespmem:s21+$0x4380]  }
0x23d: {  	v14 =	vadd.s32 s18, v62;
	v11 =	vld [tilespmem:s22+$0x4380];
	s23 =	sor.u32 $0x1C60, s19  }
0x23e: {  	v16 =	vadd.s32 s18, v63;
	s19 =	sor.u32 $0x1C70, s19;
	v13 =	vld [tilespmem:s23+$0x4380]  }
0x23f: {  	v15 =	vld [tilespmem:s19+$0x4380];
	[tilespmem:v8+s30+$0x0] =	vst.idx.msk $0xffff, v4;
	v4 =	vadd.s32 s18, v1  }
0x240: {  	[tilespmem:v10+s30+$0x0] =	vst.idx.msk $0xffff, v5;
	v5 =	vadd.s32 s18, v3  }
0x241: {  	p0 =	sne.s32 s18, $0x1E0;
	[tilespmem:v12+s30+$0x0] =	vst.idx.msk $0xffff, v6;
	v12 =	vadd.s32 s18, v2  }
.Ltmp5:
0x242: {  	[tilespmem:v14+s30+$0x0] =	vst.idx.msk $0xffff, v7;
	(pc) =	sbr.rel @p0 .LBB2_11-.Ltmp5, $4  }
0x243: {  	[tilespmem:v16+s30+$0x0] =	vst.idx.msk $0xffff, v9  }
0x244: {  	[tilespmem:v4+s30+$0x0] =	vst.idx.msk $0xffff, v11  }
0x245: {  	s17 =	sadd.s32 $0x80, s17;
	[tilespmem:v5+s30+$0x0] =	vst.idx.msk $0xffff, v13  }
0x246: {  	s15 =	sadd.s32 $0x1, s15;
	s16 =	sadd.s32 $0x400, s16;
	s18 =	sadd.s32 $0x20, s18;
	v16 =	vmov v17;
	v17 =	vmov v18;
	v18 =	vmov v19;
	[tilespmem:v12+s30+$0x0] =	vst.idx.msk $0xffff, v15  }
0x247: {  	s15 =	simm.s32 $0x8490  }
0x248: {  	v1 =	vld [tilespmem:s15+$0xFFFFFF00]  }
0x249: {  	v2 =	vld [tilespmem:s15+$0xFFFFFEF0];
	_ =	sdelay $0x1  }
0x24a: {  	s16 =	sand.u32 $0x3000, s14;
	s17 =	sand.u32 $0x380, s14  }
0x24b: {  	s16 =	sor.u32 s17, s16  }
0x24c: {  	[tilespmem:s16+$0x10410] =	vst v1  }
0x24d: {  	[tilespmem:s16+$0x10400] =	vst v2  }
0x24e: {  	v1 =	vld [tilespmem:s15+$0xFFFFFF20]  }
0x24f: {  	v2 =	vld [tilespmem:s15+$0xFFFFFF10];
	_ =	sdelay $0x3  }
0x250: {  	[tilespmem:s16+$0x10430] =	vst v1  }
0x251: {  	[tilespmem:s16+$0x10420] =	vst v2  }
0x252: {  	v1 =	vld [tilespmem:s15+$0xFFFFFF30]  }
0x253: {  	v2 =	vld [tilespmem:s15+$0xFFFFFF40];
	_ =	sdelay $0x3  }
0x254: {  	[tilespmem:s16+$0x10440] =	vst v1  }
0x255: {  	[tilespmem:s16+$0x10450] =	vst v2  }
0x256: {  	v1 =	vld [tilespmem:s15+$0xFFFFFF50]  }
0x257: {  	v2 =	vld [tilespmem:s15+$0xFFFFFF60];
	_ =	sdelay $0x3  }
0x258: {  	s23 =	sand.u32 $0x3FFFFF80, s14;
	[tilespmem:s16+$0x10460] =	vst v1  }
0x259: {  	s17 =	sadd.s32 $0x0, s23;
	[tilespmem:s16+$0x10470] =	vst v2  }
0x25a: {  	v1 =	vld [tilespmem:s17+$0x8400]  }
0x25b: {  	v2 =	vld [tilespmem:s15+$0xFFFFFF80];
	_ =	sdelay $0x3  }
0x25c: {  	[tilespmem:s16+$0x10800] =	vst v1  }
0x25d: {  	[tilespmem:s16+$0x10810] =	vst v2  }
0x25e: {  	v1 =	vld [tilespmem:s15+$0xFFFFFF90]  }
0x25f: {  	v2 =	vld [tilespmem:s15+$0xFFFFFFA0];
	_ =	sdelay $0x3  }
0x260: {  	[tilespmem:s16+$0x10820] =	vst v1  }
0x261: {  	[tilespmem:s16+$0x10830] =	vst v2  }
0x262: {  	v1 =	vld [tilespmem:s15+$0xFFFFFFB0]  }
0x263: {  	v2 =	vld [tilespmem:s15+$0xFFFFFFC0];
	_ =	sdelay $0x3  }
0x264: {  	[tilespmem:s16+$0x10840] =	vst v1  }
0x265: {  	[tilespmem:s16+$0x10850] =	vst v2  }
0x266: {  	v1 =	vld [tilespmem:s15+$0xFFFFFFD0]  }
0x267: {  	v2 =	vld [tilespmem:s15+$0xFFFFFFE0];
	_ =	sdelay $0x3  }
0x268: {  	[tilespmem:s16+$0x10860] =	vst v1  }
0x269: {  	[tilespmem:s16+$0x10870] =	vst v2  }
0x26a: {  	v1 =	vld [tilespmem:s17+$0x8480]  }
0x26b: {  	v2 =	vld [tilespmem:s15+$0x0];
	_ =	sdelay $0x3  }
0x26c: {  	[tilespmem:s16+$0x10C00] =	vst v1  }
0x26d: {  	[tilespmem:s16+$0x10C10] =	vst v2  }
0x26e: {  	v1 =	vld [tilespmem:s15+$0x10]  }
0x26f: {  	v2 =	vld [tilespmem:s15+$0x20];
	_ =	sdelay $0x3  }
0x270: {  	[tilespmem:s16+$0x10C20] =	vst v1  }
0x271: {  	[tilespmem:s16+$0x10C30] =	vst v2  }
0x272: {  	v1 =	vld [tilespmem:s15+$0x30]  }
0x273: {  	v2 =	vld [tilespmem:s15+$0x40];
	_ =	sdelay $0x3  }
0x274: {  	[tilespmem:s16+$0x10C40] =	vst v1  }
0x275: {  	[tilespmem:s16+$0x10C50] =	vst v2  }
0x276: {  	v1 =	vld [tilespmem:s15+$0x50]  }
0x277: {  	v2 =	vld [tilespmem:s15+$0x60];
	_ =	sdelay $0x3  }
0x278: {  	[tilespmem:s16+$0x10C60] =	vst v1  }
0x279: {  	[tilespmem:s16+$0x10C70] =	vst v2  }
0x27a: {  	v1 =	vld [tilespmem:s17+$0x8500]  }
0x27b: {  	v2 =	vld [tilespmem:s15+$0x80];
	_ =	sdelay $0x3  }
0x27c: {  	[tilespmem:s16+$0x11000] =	vst v1  }
0x27d: {  	[tilespmem:s16+$0x11010] =	vst v2  }
0x27e: {  	v2 =	vld [tilespmem:s15+$0x90]  }
0x27f: {  	v1 =	vld [tilespmem:s15+$0xA0];
	_ =	sdelay $0x1  }
0x280: {  	s18 =	simm.s32 $0x8691  }
0x281: {  	s19 =	simm.s32 $0x0;
	s20 =	simm.s32 $0x0;
	s17 =	simm.s32 $0x4  }
.LBB2_13:
0x282: {  	[tilespmem:s16+$0x11020] =	vst v2;
	s14 =	sadd.s32 $0x80, s14;
	s19 =	sadd.s32 $0x200, s19;
	s20 =	sadd.s32 $0x201, s20  }
0x283: {  	p0 =	sne.s32 s17, $0x7C;
	s21 =	smov.u32 s17;
	s17 =	sadd.s32 $0x4, s17;
	[tilespmem:s16+$0x11030] =	vst v1  }
0x284: {  	v1 =	vld [tilespmem:s15+$0xB0]  }
0x285: {  	v2 =	vld [tilespmem:s15+$0xC0];
	_ =	sdelay $0x3  }
0x286: {  	[tilespmem:s16+$0x11040] =	vst v1  }
0x287: {  	[tilespmem:s16+$0x11050] =	vst v2  }
0x288: {  	v1 =	vld [tilespmem:s15+$0xD0]  }
0x289: {  	v2 =	vld [tilespmem:s15+$0xE0];
	s15 =	smov.u32 s18;
	_ =	sdelay $0x3  }
0x28a: {  	[tilespmem:s16+$0x11060] =	vst v1  }
0x28b: {  	[tilespmem:s16+$0x11070] =	vst v2  }
0x28c: {  	v1 =	vld [tilespmem:s18+$0xFFFFFF00]  }
0x28d: {  	v2 =	vld [tilespmem:s18+$0xFFFFFEF0];
	_ =	sdelay $0x1  }
0x28e: {  	s22 =	sand.u32 $0x380, s14;
	s16 =	sand.u32 $0x3000, s19  }
0x28f: {  	s16 =	sor.u32 s22, s16  }
0x290: {  	[tilespmem:s16+$0x10410] =	vst v1  }
0x291: {  	[tilespmem:s16+$0x10400] =	vst v2  }
0x292: {  	v1 =	vld [tilespmem:s18+$0xFFFFFF20]  }
0x293: {  	v2 =	vld [tilespmem:s18+$0xFFFFFF10];
	_ =	sdelay $0x3  }
0x294: {  	[tilespmem:s16+$0x10430] =	vst v1  }
0x295: {  	[tilespmem:s16+$0x10420] =	vst v2  }
0x296: {  	v1 =	vld [tilespmem:s18+$0xFFFFFF30]  }
0x297: {  	v2 =	vld [tilespmem:s18+$0xFFFFFF40];
	_ =	sdelay $0x3  }
0x298: {  	[tilespmem:s16+$0x10440] =	vst v1  }
0x299: {  	[tilespmem:s16+$0x10450] =	vst v2  }
0x29a: {  	v1 =	vld [tilespmem:s18+$0xFFFFFF50]  }
0x29b: {  	v2 =	vld [tilespmem:s18+$0xFFFFFF60];
	_ =	sdelay $0x3  }
0x29c: {  	s21 =	sshra.s32 s21, $0x2;
	s22 =	sand.u32 $0x3FFFFF80, s20;
	[tilespmem:s16+$0x10460] =	vst v1  }
0x29d: {  	s21 =	sadd.s32 s21, s22;
	[tilespmem:s16+$0x10470] =	vst v2  }
0x29e: {  	v1 =	vld [tilespmem:s21+$0x8400]  }
0x29f: {  	v2 =	vld [tilespmem:s18+$0xFFFFFF80];
	_ =	sdelay $0x3  }
0x2a0: {  	[tilespmem:s16+$0x10800] =	vst v1  }
0x2a1: {  	[tilespmem:s16+$0x10810] =	vst v2  }
0x2a2: {  	v1 =	vld [tilespmem:s18+$0xFFFFFF90]  }
0x2a3: {  	v2 =	vld [tilespmem:s18+$0xFFFFFFA0];
	_ =	sdelay $0x3  }
0x2a4: {  	[tilespmem:s16+$0x10820] =	vst v1  }
0x2a5: {  	[tilespmem:s16+$0x10830] =	vst v2  }
0x2a6: {  	v1 =	vld [tilespmem:s18+$0xFFFFFFB0]  }
0x2a7: {  	v2 =	vld [tilespmem:s18+$0xFFFFFFC0];
	_ =	sdelay $0x3  }
0x2a8: {  	[tilespmem:s16+$0x10840] =	vst v1  }
0x2a9: {  	[tilespmem:s16+$0x10850] =	vst v2  }
0x2aa: {  	v1 =	vld [tilespmem:s18+$0xFFFFFFD0]  }
0x2ab: {  	v2 =	vld [tilespmem:s18+$0xFFFFFFE0];
	_ =	sdelay $0x3  }
0x2ac: {  	[tilespmem:s16+$0x10860] =	vst v1  }
0x2ad: {  	[tilespmem:s16+$0x10870] =	vst v2  }
0x2ae: {  	v1 =	vld [tilespmem:s21+$0x8480]  }
0x2af: {  	v2 =	vld [tilespmem:s18+$0x0];
	_ =	sdelay $0x3  }
0x2b0: {  	[tilespmem:s16+$0x10C00] =	vst v1  }
0x2b1: {  	[tilespmem:s16+$0x10C10] =	vst v2  }
0x2b2: {  	v1 =	vld [tilespmem:s18+$0x10]  }
0x2b3: {  	v2 =	vld [tilespmem:s18+$0x20];
	_ =	sdelay $0x3  }
0x2b4: {  	[tilespmem:s16+$0x10C20] =	vst v1  }
0x2b5: {  	[tilespmem:s16+$0x10C30] =	vst v2  }
0x2b6: {  	v1 =	vld [tilespmem:s18+$0x30]  }
0x2b7: {  	v2 =	vld [tilespmem:s18+$0x40];
	_ =	sdelay $0x3  }
0x2b8: {  	[tilespmem:s16+$0x10C40] =	vst v1  }
0x2b9: {  	[tilespmem:s16+$0x10C50] =	vst v2  }
0x2ba: {  	v1 =	vld [tilespmem:s18+$0x50]  }
0x2bb: {  	v2 =	vld [tilespmem:s18+$0x60];
	_ =	sdelay $0x3  }
0x2bc: {  	[tilespmem:s16+$0x10C60] =	vst v1  }
0x2bd: {  	[tilespmem:s16+$0x10C70] =	vst v2  }
0x2be: {  	v1 =	vld [tilespmem:s21+$0x8500]  }
0x2bf: {  	v2 =	vld [tilespmem:s18+$0x80];
	_ =	sdelay $0x3  }
0x2c0: {  	[tilespmem:s16+$0x11000] =	vst v1  }
0x2c1: {  	[tilespmem:s16+$0x11010] =	vst v2  }
.Ltmp6:
0x2c2: {  	v2 =	vld [tilespmem:s18+$0x90];
	(pc) =	sbr.rel @p0 .LBB2_13-.Ltmp6, $2  }
0x2c3: {  	v1 =	vld [tilespmem:s18+$0xA0];
	_ =	sdelay $0x2  }
0x2c4: {  	s18 =	sadd.s32 $0x201, s18  }
0x2c5: {  	v6 =	vld [tilespmem:$0x1FD80]  }
0x2c6: {  	v40 =	vld [tilespmem:$0x1FE20]  }
0x2c7: {  	v41 =	vld [tilespmem:$0x1FE30]  }
0x2c8: {  	v42 =	vld [tilespmem:$0x1FE40]  }
0x2c9: {  	v43 =	vld [tilespmem:$0x1FE50]  }
0x2ca: {  	v44 =	vld [tilespmem:$0x1FE60]  }
0x2cb: {  	v45 =	vld [tilespmem:$0x1FE70]  }
0x2cc: {  	v46 =	vld [tilespmem:$0x1FE80]  }
0x2cd: {  	v47 =	vld [tilespmem:$0x1FE90]  }
0x2ce: {  	v48 =	vld [tilespmem:$0x1FEA0]  }
0x2cf: {  	v49 =	vld [tilespmem:$0x1FEB0]  }
0x2d0: {  	v50 =	vld [tilespmem:$0x1FEC0]  }
0x2d1: {  	v52 =	vld [tilespmem:$0x1FED0]  }
0x2d2: {  	v51 =	vld [tilespmem:$0x1FEE0]  }
0x2d3: {  	v53 =	vld [tilespmem:$0x1FEF0]  }
0x2d4: {  	v54 =	vld [tilespmem:$0x1FF00]  }
0x2d5: {  	v55 =	vld [tilespmem:$0x1FF10]  }
0x2d6: {  	v56 =	vld [tilespmem:$0x1FF20]  }
0x2d7: {  	[tilespmem:s16+$0x11020] =	vst v2;
	v37 =	vld [tilespmem:$0x1FF30]  }
0x2d8: {  	v27 =	vld [tilespmem:$0x1FF40];
	[tilespmem:s16+$0x11030] =	vst v1  }
0x2d9: {  	v1 =	vld [tilespmem:s15+$0xB0]  }
0x2da: {  	v2 =	vld [tilespmem:s15+$0xC0]  }
0x2db: {  	v20 =	vld [tilespmem:$0x1FF50]  }
0x2dc: {  	v5 =	vld [tilespmem:$0x1FF60]  }
0x2dd: {  	v29 =	vld [tilespmem:$0x1FF70]  }
0x2de: {  	v58 =	vld [tilespmem:$0x1FF80];
	[tilespmem:s16+$0x11040] =	vst v1  }
0x2df: {  	v57 =	vld [tilespmem:$0x1FF90];
	[tilespmem:s16+$0x11050] =	vst v2  }
0x2e0: {  	v1 =	vld [tilespmem:s15+$0xD0]  }
0x2e1: {  	s12 =	sadd.s32 $0x1, s12;
	v2 =	vld [tilespmem:s15+$0xE0]  }
0x2e2: {  	v59 =	vld [tilespmem:$0x1FFA0];
	p0 =	sne.s32 s12, $0x1A  }
.Ltmp7:
0x2e3: {  	s14 =	sshll.u32 s13, $0x9;
	v60 =	vld [tilespmem:$0x1FFB0];
	(pc) =	sbr.rel @p0 .LBB2_2-.Ltmp7, $4  }
0x2e4: {  	s23 =	sshll.u32 s13, $0xB;
	v61 =	vld [tilespmem:$0x1FFC0];
	s14 =	sand.u32 $0x7E00, s14  }
0x2e5: {  	v62 =	vld [tilespmem:$0x1FFD0];
	s13 =	sand.u32 $0xFFE0000, s23;
	s14 =	sadd.s32 s2, s14;
	[tilespmem:s16+$0x11060] =	vst v1  }
0x2e6: {  	v7 =	vld [tilespmem:$0x1FFF0];
	v8 =	vmov v24;
	v9 =	vmov v26;
	v10 =	vmov v28;
	s13 =	sadd.s32 s13, s14;
	[tilespmem:s16+$0x11070] =	vst v2  }
0x2e7: {  	v11 =	vmovc v30;
	v12 =	vmovc v32;
	v13 =	vmov v34;
	v14 =	vmov v36;
	v15 =	vmov v22;
	v22 =	vld [tilespmem:$0x1FFE0];
	[hbm4b:s13+s31] =	stream.strided.scatter [tilespmem:s11], [sflag:$0x4], $0x4000, s1, s31, $0x38  }
0x2e8: {  	s12 =	simm.s32 $0x3  }
0x2e9: {  	_ =	swait.ge [sflag:s12], $0x4000  }
0x2ea: {  	[sflag:s12] =	ssyncset.done $0x0  }
0x2eb: {  	[sflag:s12] =	ssyncadd.s32 $0xFFFFC000  }
0x2ec: {  	_ =	swait.ge [sflag:s10], $0x4000  }
0x2ed: {  	s13 =	rddreg [dreg:$0x5]  }
0x2ee: {  	s23 =	rddreg [dreg:$0x4];
	s13 =	sadd.s32 $0x1, s13  }
0x2ef: {  	p0 =	sne.s32 s13, s23  }
.Ltmp8:
0x2f0: {  	_ = 	snop;
	(pc) =	sbr.rel @p0 .LBB2_1-.Ltmp8, $3  }
0x2f1: {  	_ =	sdelay $0x1  }
0x2f2: {  	[sflag:s10] =	ssyncset.done $0x0  }
0x2f3: {  	[sflag:s10] =	ssyncadd.s32 $0xFFFFC000  }
0x2f4: {  	_ =	sfence.sel $0x180000  }
0x2f5: {  	[bflag:$0x0] =	sbarrier.arrive $0xFFFF  }
0x2f6: {  	_ =	strace $0x90000047  }
0x2f7: {  	s0 =	stileid.u32;
	[bflag:$0x2] =	sbarrier.arrive $0xFFFF  }
0x2f8: {  	p0 =	sne.s32 s0, $0x0;
	s0 =	rddreg [dreg:$0x2]  }
0x2f9: {  	s0 =	sadd.s32 @!p0 $0x100000, s0  }
0x2fa: {  	[sflag:s0] =	ssyncadd.tile.s32 @!p0 $0x1;
	_ =	shalt  }
.Lfunc_end2:
_tile_overlayer_lowered:
.L_overlay_start_2:
0x2fb: {  	(tag) =	ssettag $0x2  }
0x2fc: {  	s0 =	rddreg [dreg:$0x0];
	s2 =	stileid.u32  }
0x2fd: {  	s1 =	rddreg [dreg:$0x1];
	p0 =	sne.s32 s2, $0x0  }
0x2fe: {  	s3 =	rddreg [dreg:$0x2];
	[bflag:$0x3] =	sbarrier.arrive $0xFFFF;
	s2 =	simm.s32 @!p0 $0x1C05  }
0x2ff: {  	[timem:s3], [sflag:s2] =	dma.local @!p0 [hbm:s0], s1  }
0x300: {  	s0 =	simm.s32 @!p0 $0x5  }
0x301: {  	_ =	swait.ge @!p0 [sflag:s0], s1  }
0x302: {  	s1 =	ssub.s32 @!p0 $0x0, s1;
	[sflag:s0] =	ssyncset.done @!p0 $0x0  }
0x303: {  	[sflag:s0] =	ssyncadd.s32 @!p0 s1  }
0x304: {  	[bflag:$0x3] =	sbarrier.arrive $0xFFFF  }
0x305: {  	_ =	shalt  }

</sc_bundles>
